<compile_context>
chip_gen: v7x
topology: tpu7x:2x2x1
jax: 0.10.2.dev20260603
libtpu: 0.0.44.dev20260713+nightly
codegen_flags: <defaults>
</compile_context>

<pallas_src>
import functools

import jax
import jax.numpy as jnp
from jax import lax
from jax.experimental import pallas as pl
from jax.experimental.pallas import tpu as pltpu
from jax.experimental.pallas import tpu_sc as plsc

W = 4096
F = 64
D = 8
K = 2 * D + 1
B = 8

NSC = 4

NUM_WORKERS = 32
STRIPS_PER_BATCH = F // 8
SPW = W + 2 * D

DELAYS = [0] + [i for i in range(1, D + 1)] + [-i for i in range(1, D + 1)]

LANES = 16
NW16 = W // LANES


def _sc_body(subed_hbm, sub_hbm, out_hbm, sub_stage, subed_stage, sub_lin,
             sem_sub, sem_subed, sem_out):
    wid = lax.axis_index("s") * 2 + lax.axis_index("c")
    b = wid // STRIPS_PER_BATCH
    f0 = (wid % STRIPS_PER_BATCH) * 8

    sub_in = pltpu.make_async_copy(
        sub_hbm.at[b, pl.ds(f0, 8), :], sub_stage, sem_sub)
    subed_in = pltpu.make_async_copy(
        subed_hbm.at[b, pl.ds(f0, 8), :], subed_stage, sem_subed)
    sub_in.start()
    subed_in.start()
    sub_in.wait()

    def detile_body(i, _):
        w = i * LANES
        for f in range(8):
            sub_lin[pl.ds(f * SPW + D + w, LANES)] = sub_stage[f, pl.ds(w, LANES)]
        return 0

    lax.fori_loop(0, NW16, detile_body, 0)

    iota = lax.iota(jnp.int32, LANES)
    for f in range(8):
        base = f * SPW
        left = plsc.load_gather(sub_lin, [jnp.full((LANES,), base + D, jnp.int32)])
        cur = sub_lin[pl.ds(base, LANES)]
        sub_lin[pl.ds(base, LANES)] = jnp.where(iota < D, left, cur)
        right = plsc.load_gather(
            sub_lin, [jnp.full((LANES,), base + D + W - 1, jnp.int32)])
        cur = sub_lin[pl.ds(base + SPW - LANES, LANES)]
        sub_lin[pl.ds(base + SPW - LANES, LANES)] = jnp.where(
            iota >= LANES - D, right, cur)

    subed_in.wait()

    def compute_body(i, _):
        w = i * LANES
        for f in range(8):
            x = subed_stage[f, pl.ds(w, LANES)]
            base = f * SPW + D + w
            best = x - sub_lin[pl.ds(base, LANES)]
            besta = jnp.abs(best)
            for d in DELAYS[1:]:
                r = x - sub_lin[pl.ds(base + d, LANES)]
                ra = jnp.abs(r)
                m = ra < besta
                best = jnp.where(m, r, best)
                besta = jnp.where(m, ra, besta)
            sub_stage[f, pl.ds(w, LANES)] = best
        return 0

    lax.fori_loop(0, NW16, compute_body, 0)

    out = pltpu.make_async_copy(
        sub_stage, out_hbm.at[b, pl.ds(f0, 8), :], sem_out)
    out.start()
    out.wait()


def _tc_body(subed_ref, sub_ref, out_ref, spad_ref):
    s = sub_ref[0]
    spad_ref[:, pl.ds(D, W)] = s
    spad_ref[:, pl.ds(0, D)] = jnp.broadcast_to(s[:, :1], (F, D))
    spad_ref[:, pl.ds(W + D, D)] = jnp.broadcast_to(s[:, W - 1:], (F, D))
    x = subed_ref[0]
    best = x - s
    besta = jnp.abs(best)
    for d in DELAYS[1:]:
        r = x - spad_ref[:, pl.ds(D + d, W)]
        ra = jnp.abs(r)
        m = ra < besta
        best = jnp.where(m, r, best)
        besta = jnp.where(m, ra, besta)
    out_ref[0] = best


@jax.jit
def kernel(subed, sub):
    subed_t = jnp.transpose(subed, (0, 2, 1))
    sub_t = jnp.transpose(sub, (0, 2, 1))

    mesh = plsc.VectorSubcoreMesh(core_axis_name="c", subcore_axis_name="s")
    out_sc = pl.kernel(
        _sc_body,
        out_type=jax.ShapeDtypeStruct((NSC, F, W), jnp.float32),
        mesh=mesh,
        scratch_types=[
            pltpu.VMEM((8, W), jnp.float32),
            pltpu.VMEM((8, W), jnp.float32),
            pltpu.VMEM((8 * SPW,), jnp.float32),
            pltpu.SemaphoreType.DMA,
            pltpu.SemaphoreType.DMA,
            pltpu.SemaphoreType.DMA,
        ],
        compiler_params=pltpu.CompilerParams(
            use_tc_tiling_on_sc=True, needs_layout_passes=False),
    )(subed_t, sub_t)

    out_tc = pl.pallas_call(
        _tc_body,
        grid=(B - NSC,),
        in_specs=[
            pl.BlockSpec((1, F, W), lambda i: (i + NSC, 0, 0)),
            pl.BlockSpec((1, F, W), lambda i: (i + NSC, 0, 0)),
        ],
        out_specs=pl.BlockSpec((1, F, W), lambda i: (i + NSC, 0, 0)),
        out_shape=jax.ShapeDtypeStruct((B, F, W), jnp.float32),
        scratch_shapes=[pltpu.VMEM((F, W + 2 * D), jnp.float32)],
    )(subed_t, sub_t)

    out_t = lax.dynamic_update_slice(out_tc, out_sc, (0, 0, 0))
    return jnp.transpose(out_t, (0, 2, 1))

# --- scband reference (transcript-rebuilt; emitter-appended) ---
"""Pipeline reference for scband-offset-subtraction-47785806135946 (READ-ONLY COPY).

The authoritative reference and input builder live on the scoring server;
editing this copy changes nothing except your own understanding.
"""

import jax, jax.numpy as jnp
import numpy as np

W = 4096
F = 64
D = 8
K = 2 * D + 1
B = 8


def _build_index():
    # init_index: (arange(W) + W) -> positions into padded sequence of length 3W
    init_index = (jnp.arange(W, dtype=jnp.int32) + W)[:, None, None]  # (W,1,1)
    delay = jnp.array([0] + [i for i in range(1, D + 1)] + [-i for i in range(1, D + 1)], dtype=jnp.int32)
    delay = delay[None, None, :]  # (1,1,K)
    return init_index + delay  # (W,1,K), broadcasts over feature dim


def setup_inputs(seed: int = 0) -> dict:
    key = jax.random.key(seed)
    k1, k2 = jax.random.split(key)
    subed = jax.random.normal(k1, (B, W, F), dtype=jnp.float32)
    sub = jax.random.normal(k2, (B, W, F), dtype=jnp.float32)
    return {"subed": subed, "sub": sub}


def reference(subed, sub):
    idx = _build_index()  # (W,1,K) int32
    # pad sub with window_size copies of first/last timestep (torch repeat of sub[:,0:1] / sub[:,-1:])
    front = jnp.broadcast_to(sub[:, :1, :], sub.shape)  # (B,W,F)
    end = jnp.broadcast_to(sub[:, -1:, :], sub.shape)  # (B,W,F)
    sub_pad = jnp.concatenate([front, sub, end], axis=1)  # (B,3W,F)
    # torch.gather along dim=1 of sub_pad repeated over offset dim:
    # out[b,w,f,k] = sub_pad[b, idx[w,f,k], f]
    gathered = jnp.take_along_axis(sub_pad[:, :, :, None], idx[None, :, :, :], axis=1)  # (B,W,F,K)
    res = subed[..., None] - gathered  # (B,W,F,K)
    sel = jnp.argmin(jnp.abs(res), axis=-1)[..., None]  # (B,W,F,1)
    res = jnp.take_along_axis(res, sel, axis=-1)  # (B,W,F,1)
    return res.reshape(subed.shape)

if __name__ == "__main__":
    import jax
    _d = setup_inputs()
    print(jax.jit(kernel)(*tuple(_d.values())))

</pallas_src>

<mosaic_0001>
#map = affine_map<(d0, d1) -> (0, 0, 0)>
module attributes {stable_mosaic.version = 14 : i64} {
  func.func @_sc_body(%arg0: i32, %arg1: i32, %arg2: memref<8x64x4096xf32, #tpu.memory_space<hbm>>, %arg3: memref<8x64x4096xf32, #tpu.memory_space<hbm>>, %arg4: memref<4x64x4096xf32, #tpu.memory_space<hbm>>, %arg5: memref<8x4096xf32, #tpu.memory_space<vmem>>, %arg6: memref<8x4096xf32, #tpu.memory_space<vmem>>, %arg7: memref<32896xf32, #tpu.memory_space<vmem>>, %arg8: memref<!tpu.dma_semaphore, #tpu.memory_space<semaphore_mem>>, %arg9: memref<!tpu.dma_semaphore, #tpu.memory_space<semaphore_mem>>, %arg10: memref<!tpu.dma_semaphore, #tpu.memory_space<semaphore_mem>>) attributes {dimension_semantics = [#tpu.dimension_semantics<core_parallel>, #tpu.dimension_semantics<subcore_parallel>], iteration_bounds = array<i64: 2, 16>, scalar_prefetch = 0 : i64, scratch_operands = 6 : i64, tpu.core_type = #tpu.core_type<sc_vector_subcore>, window_params = [{transform_indices = #map}, {transform_indices = #map}, {transform_indices = #map}]} {
    %mul3A = arith.constant 2 : i32
    %mul3A_0 = arith.muli %arg1, %mul3A : i32
    %add3A = arith.addi %mul3A_0, %arg0 : i32
    %jit3A = arith.constant 8 : i32
    %div3A = arith.divsi %add3A, %jit3A : i32
    %sign3A = arith.constant 0 : i32
    %sign3A_1 = arith.cmpi sgt, %add3A, %sign3A : i32
    %sign3A_2 = arith.extui %sign3A_1 : i1 to i32
    %sign3A_3 = arith.constant 0 : i32
    %sign3A_4 = arith.cmpi slt, %add3A, %sign3A_3 : i32
    %sign3A_5 = arith.extui %sign3A_4 : i1 to i32
    %sign3A_6 = arith.subi %sign3A_2, %sign3A_5 : i32
    %sign3A_7 = arith.constant 0 : i32
    %sign3A_8 = arith.cmpi sgt, %jit3A, %sign3A_7 : i32
    %sign3A_9 = arith.extui %sign3A_8 : i1 to i32
    %sign3A_10 = arith.constant 0 : i32
    %sign3A_11 = arith.cmpi slt, %jit3A, %sign3A_10 : i32
    %sign3A_12 = arith.extui %sign3A_11 : i1 to i32
    %sign3A_13 = arith.subi %sign3A_9, %sign3A_12 : i32
    %ne3A = arith.cmpi ne, %sign3A_6, %sign3A_13 : i32
    %rem3A = arith.remsi %add3A, %jit3A : i32
    %ne3A_14 = arith.constant 0 : i32
    %ne3A_15 = arith.cmpi ne, %rem3A, %ne3A_14 : i32
    %and3A = arith.andi %ne3A, %ne3A_15 : i1
    %sub3A = arith.constant 1 : i32
    %sub3A_16 = arith.subi %div3A, %sub3A : i32
    %select_n3A = arith.select %and3A, %sub3A_16, %div3A : i32
    %jit3A_17 = arith.constant 8 : i32
    %eq3A = arith.constant 0 : i32
    %eq3A_18 = arith.cmpi eq, %jit3A_17, %eq3A : i32
    %jit3A_19 = arith.constant 1 : i32
    %select_n3A_20 = arith.select %eq3A_18, %jit3A_19, %jit3A_17 : i32
    %rem3A_21 = arith.remsi %add3A, %select_n3A_20 : i32
    %ne3A_22 = arith.constant 0 : i32
    %ne3A_23 = arith.cmpi ne, %rem3A_21, %ne3A_22 : i32
    %lt3A = arith.constant 0 : i32
    %lt3A_24 = arith.cmpi slt, %rem3A_21, %lt3A : i32
    %lt3A_25 = arith.constant 0 : i32
    %lt3A_26 = arith.cmpi slt, %select_n3A_20, %lt3A_25 : i32
    %ne3A_27 = arith.xori %lt3A_24, %lt3A_26 : i1
    %and3A_28 = arith.andi %ne3A_27, %ne3A_23 : i1
    %add3A_29 = arith.addi %rem3A_21, %select_n3A_20 : i32
    %select_n3A_30 = arith.select %and3A_28, %add3A_29, %rem3A_21 : i32
    %mul3A_31 = arith.constant 8 : i32
    %mul3A_32 = arith.muli %select_n3A_30, %mul3A_31 : i32
    %dma_start3A = arith.constant 0 : i32
    %dma_start3A_33 = tpu.memref_slice %arg3[%select_n3A, %mul3A_32, %dma_start3A] : memref<8x64x4096xf32, #tpu.memory_space<hbm>> -> memref<1x8x4096xf32, #tpu.memory_space<hbm>>
    %dma_start3A_34 = tpu.memref_squeeze %dma_start3A_33 : memref<1x8x4096xf32, #tpu.memory_space<hbm>> -> memref<8x4096xf32, #tpu.memory_space<hbm>>
    %dma_start3A_35 = arith.constant 0 : i32
    %dma_start3A_36 = tpu.memref_slice %arg3[%select_n3A, %mul3A_32, %dma_start3A_35] : memref<8x64x4096xf32, #tpu.memory_space<hbm>> -> memref<1x8x4096xf32, #tpu.memory_space<hbm>>
    %dma_start3A_37 = tpu.memref_squeeze %dma_start3A_36 : memref<1x8x4096xf32, #tpu.memory_space<hbm>> -> memref<8x4096xf32, #tpu.memory_space<hbm>>
    tpu.enqueue_dma source(%dma_start3A_37 : memref<8x4096xf32, #tpu.memory_space<hbm>>) target(%arg5 : memref<8x4096xf32, #tpu.memory_space<vmem>>) target_semaphore(%arg8 : memref<!tpu.dma_semaphore, #tpu.memory_space<semaphore_mem>>)
    %dma_start3A_38 = arith.constant 0 : i32
    %dma_start3A_39 = tpu.memref_slice %arg2[%select_n3A, %mul3A_32, %dma_start3A_38] : memref<8x64x4096xf32, #tpu.memory_space<hbm>> -> memref<1x8x4096xf32, #tpu.memory_space<hbm>>
    %dma_start3A_40 = tpu.memref_squeeze %dma_start3A_39 : memref<1x8x4096xf32, #tpu.memory_space<hbm>> -> memref<8x4096xf32, #tpu.memory_space<hbm>>
    %dma_start3A_41 = arith.constant 0 : i32
    %dma_start3A_42 = tpu.memref_slice %arg2[%select_n3A, %mul3A_32, %dma_start3A_41] : memref<8x64x4096xf32, #tpu.memory_space<hbm>> -> memref<1x8x4096xf32, #tpu.memory_space<hbm>>
    %dma_start3A_43 = tpu.memref_squeeze %dma_start3A_42 : memref<1x8x4096xf32, #tpu.memory_space<hbm>> -> memref<8x4096xf32, #tpu.memory_space<hbm>>
    tpu.enqueue_dma source(%dma_start3A_43 : memref<8x4096xf32, #tpu.memory_space<hbm>>) target(%arg6 : memref<8x4096xf32, #tpu.memory_space<vmem>>) target_semaphore(%arg9 : memref<!tpu.dma_semaphore, #tpu.memory_space<semaphore_mem>>)
    %dma_wait3A = arith.constant 0 : i32
    %dma_wait3A_44 = tpu.memref_slice %arg3[%select_n3A, %mul3A_32, %dma_wait3A] : memref<8x64x4096xf32, #tpu.memory_space<hbm>> -> memref<1x8x4096xf32, #tpu.memory_space<hbm>>
    %dma_wait3A_45 = tpu.memref_squeeze %dma_wait3A_44 : memref<1x8x4096xf32, #tpu.memory_space<hbm>> -> memref<8x4096xf32, #tpu.memory_space<hbm>>
    %dma_wait3A_46 = arith.constant 0 : i32
    %dma_wait3A_47 = tpu.memref_slice %arg3[%select_n3A, %mul3A_32, %dma_wait3A_46] : memref<8x64x4096xf32, #tpu.memory_space<hbm>> -> memref<1x8x4096xf32, #tpu.memory_space<hbm>>
    %dma_wait3A_48 = tpu.memref_squeeze %dma_wait3A_47 : memref<1x8x4096xf32, #tpu.memory_space<hbm>> -> memref<8x4096xf32, #tpu.memory_space<hbm>>
    tpu.wait_dma2 semaphore(%arg8 : memref<!tpu.dma_semaphore, #tpu.memory_space<semaphore_mem>>) src(%dma_wait3A_48 : memref<8x4096xf32, #tpu.memory_space<hbm>>) dst(%arg5 : memref<8x4096xf32, #tpu.memory_space<vmem>>)
    %scan3A = arith.constant 0 : i32
    %scan3A_49 = arith.constant 0 : i32
    %scan3A_50 = arith.constant 256 : i32
    %scan3A_51 = arith.addi %scan3A_49, %scan3A_50 : i32
    %scan3A_52 = arith.constant 1 : i32
    %scan3A_53 = scf.for %scan3A_251 = %scan3A_49 to %scan3A_51 step %scan3A_52 iter_args(%scan3A_252 = %scan3A) -> (i32)  : i32 {
      %mul3A_253 = arith.constant 16 : i32
      %mul3A_254 = arith.muli %scan3A_251, %mul3A_253 : i32
      %get3A_255 = arith.constant 0 : i32
      %get3A_256 = arith.index_cast %get3A_255 : i32 to index
      %get3A_257 = arith.index_cast %mul3A_254 : i32 to index
      %get3A_258 = tpu.vector_load %arg5[%get3A_256, %get3A_257] {strides = array<i32>} : memref<8x4096xf32, #tpu.memory_space<vmem>>, vector<16xf32>,
      %add3A_259 = arith.constant 8 : i32
      %add3A_260 = arith.addi %add3A_259, %mul3A_254 : i32
      %swap3A_261 = arith.index_cast %add3A_260 : i32 to index
      %swap3A_262 = tpu.vector_load %arg7[%swap3A_261] {strides = array<i32>} : memref<32896xf32, #tpu.memory_space<vmem>>, vector<16xf32>,
      tpu.vector_store %arg7[%swap3A_261], %get3A_258 {strides = array<i32>} : memref<32896xf32, #tpu.memory_space<vmem>>, vector<16xf32>,
      %get3A_263 = arith.constant 1 : i32
      %get3A_264 = arith.index_cast %get3A_263 : i32 to index
      %get3A_265 = arith.index_cast %mul3A_254 : i32 to index
      %get3A_266 = tpu.vector_load %arg5[%get3A_264, %get3A_265] {strides = array<i32>} : memref<8x4096xf32, #tpu.memory_space<vmem>>, vector<16xf32>,
      %add3A_267 = arith.constant 4120 : i32
      %add3A_268 = arith.addi %add3A_267, %mul3A_254 : i32
      %swap3A_269 = arith.index_cast %add3A_268 : i32 to index
      %swap3A_270 = tpu.vector_load %arg7[%swap3A_269] {strides = array<i32>} : memref<32896xf32, #tpu.memory_space<vmem>>, vector<16xf32>,
      tpu.vector_store %arg7[%swap3A_269], %get3A_266 {strides = array<i32>} : memref<32896xf32, #tpu.memory_space<vmem>>, vector<16xf32>,
      %get3A_271 = arith.constant 2 : i32
      %get3A_272 = arith.index_cast %get3A_271 : i32 to index
      %get3A_273 = arith.index_cast %mul3A_254 : i32 to index
      %get3A_274 = tpu.vector_load %arg5[%get3A_272, %get3A_273] {strides = array<i32>} : memref<8x4096xf32, #tpu.memory_space<vmem>>, vector<16xf32>,
      %add3A_275 = arith.constant 8232 : i32
      %add3A_276 = arith.addi %add3A_275, %mul3A_254 : i32
      %swap3A_277 = arith.index_cast %add3A_276 : i32 to index
      %swap3A_278 = tpu.vector_load %arg7[%swap3A_277] {strides = array<i32>} : memref<32896xf32, #tpu.memory_space<vmem>>, vector<16xf32>,
      tpu.vector_store %arg7[%swap3A_277], %get3A_274 {strides = array<i32>} : memref<32896xf32, #tpu.memory_space<vmem>>, vector<16xf32>,
      %get3A_279 = arith.constant 3 : i32
      %get3A_280 = arith.index_cast %get3A_279 : i32 to index
      %get3A_281 = arith.index_cast %mul3A_254 : i32 to index
      %get3A_282 = tpu.vector_load %arg5[%get3A_280, %get3A_281] {strides = array<i32>} : memref<8x4096xf32, #tpu.memory_space<vmem>>, vector<16xf32>,
      %add3A_283 = arith.constant 12344 : i32
      %add3A_284 = arith.addi %add3A_283, %mul3A_254 : i32
      %swap3A_285 = arith.index_cast %add3A_284 : i32 to index
      %swap3A_286 = tpu.vector_load %arg7[%swap3A_285] {strides = array<i32>} : memref<32896xf32, #tpu.memory_space<vmem>>, vector<16xf32>,
      tpu.vector_store %arg7[%swap3A_285], %get3A_282 {strides = array<i32>} : memref<32896xf32, #tpu.memory_space<vmem>>, vector<16xf32>,
      %get3A_287 = arith.constant 4 : i32
      %get3A_288 = arith.index_cast %get3A_287 : i32 to index
      %get3A_289 = arith.index_cast %mul3A_254 : i32 to index
      %get3A_290 = tpu.vector_load %arg5[%get3A_288, %get3A_289] {strides = array<i32>} : memref<8x4096xf32, #tpu.memory_space<vmem>>, vector<16xf32>,
      %add3A_291 = arith.constant 16456 : i32
      %add3A_292 = arith.addi %add3A_291, %mul3A_254 : i32
      %swap3A_293 = arith.index_cast %add3A_292 : i32 to index
      %swap3A_294 = tpu.vector_load %arg7[%swap3A_293] {strides = array<i32>} : memref<32896xf32, #tpu.memory_space<vmem>>, vector<16xf32>,
      tpu.vector_store %arg7[%swap3A_293], %get3A_290 {strides = array<i32>} : memref<32896xf32, #tpu.memory_space<vmem>>, vector<16xf32>,
      %get3A_295 = arith.constant 5 : i32
      %get3A_296 = arith.index_cast %get3A_295 : i32 to index
      %get3A_297 = arith.index_cast %mul3A_254 : i32 to index
      %get3A_298 = tpu.vector_load %arg5[%get3A_296, %get3A_297] {strides = array<i32>} : memref<8x4096xf32, #tpu.memory_space<vmem>>, vector<16xf32>,
      %add3A_299 = arith.constant 20568 : i32
      %add3A_300 = arith.addi %add3A_299, %mul3A_254 : i32
      %swap3A_301 = arith.index_cast %add3A_300 : i32 to index
      %swap3A_302 = tpu.vector_load %arg7[%swap3A_301] {strides = array<i32>} : memref<32896xf32, #tpu.memory_space<vmem>>, vector<16xf32>,
      tpu.vector_store %arg7[%swap3A_301], %get3A_298 {strides = array<i32>} : memref<32896xf32, #tpu.memory_space<vmem>>, vector<16xf32>,
      %get3A_303 = arith.constant 6 : i32
      %get3A_304 = arith.index_cast %get3A_303 : i32 to index
      %get3A_305 = arith.index_cast %mul3A_254 : i32 to index
      %get3A_306 = tpu.vector_load %arg5[%get3A_304, %get3A_305] {strides = array<i32>} : memref<8x4096xf32, #tpu.memory_space<vmem>>, vector<16xf32>,
      %add3A_307 = arith.constant 24680 : i32
      %add3A_308 = arith.addi %add3A_307, %mul3A_254 : i32
      %swap3A_309 = arith.index_cast %add3A_308 : i32 to index
      %swap3A_310 = tpu.vector_load %arg7[%swap3A_309] {strides = array<i32>} : memref<32896xf32, #tpu.memory_space<vmem>>, vector<16xf32>,
      tpu.vector_store %arg7[%swap3A_309], %get3A_306 {strides = array<i32>} : memref<32896xf32, #tpu.memory_space<vmem>>, vector<16xf32>,
      %get3A_311 = arith.constant 7 : i32
      %get3A_312 = arith.index_cast %get3A_311 : i32 to index
      %get3A_313 = arith.index_cast %mul3A_254 : i32 to index
      %get3A_314 = tpu.vector_load %arg5[%get3A_312, %get3A_313] {strides = array<i32>} : memref<8x4096xf32, #tpu.memory_space<vmem>>, vector<16xf32>,
      %add3A_315 = arith.constant 28792 : i32
      %add3A_316 = arith.addi %add3A_315, %mul3A_254 : i32
      %swap3A_317 = arith.index_cast %add3A_316 : i32 to index
      %swap3A_318 = tpu.vector_load %arg7[%swap3A_317] {strides = array<i32>} : memref<32896xf32, #tpu.memory_space<vmem>>, vector<16xf32>,
      tpu.vector_store %arg7[%swap3A_317], %get3A_314 {strides = array<i32>} : memref<32896xf32, #tpu.memory_space<vmem>>, vector<16xf32>,
      %scan3A_319 = arith.constant 0 : i32
      scf.yield %scan3A_319 : i32
    }
    %scan3A_54 = arith.constant 256 : i32
    %iota3A = tpu.iota {dimensions = array<i32: 0>} : vector<16xi32>
    %broadcast_in_dim3A = arith.constant 8 : i32
    %broadcast_in_dim3A_55 = vector.broadcast %broadcast_in_dim3A : i32 to vector<16xi32>
    %gather3A = tpu.vector_load_idx %arg7[%broadcast_in_dim3A_55] : memref<32896xf32, #tpu.memory_space<vmem>>[vector<16xi32>], vector<16xf32>,
    %get3A = arith.constant 0 : index
    %get3A_56 = tpu.vector_load %arg7[%get3A] {strides = array<i32>} : memref<32896xf32, #tpu.memory_space<vmem>>, vector<16xf32>,
    %lt3A_57 = arith.constant 8 : i32
    %lt3A_58 = vector.broadcast %lt3A_57 : i32 to vector<16xi32>
    %lt3A_59 = arith.cmpi slt, %iota3A, %lt3A_58 : vector<16xi32>
    %select_n3A_60 = arith.select %lt3A_59, %gather3A, %get3A_56 : vector<16xi1>, vector<16xf32>
    %swap3A = arith.constant 0 : index
    %swap3A_61 = tpu.vector_load %arg7[%swap3A] {strides = array<i32>} : memref<32896xf32, #tpu.memory_space<vmem>>, vector<16xf32>,
    tpu.vector_store %arg7[%swap3A], %select_n3A_60 {strides = array<i32>} : memref<32896xf32, #tpu.memory_space<vmem>>, vector<16xf32>,
    %broadcast_in_dim3A_62 = arith.constant 4103 : i32
    %broadcast_in_dim3A_63 = vector.broadcast %broadcast_in_dim3A_62 : i32 to vector<16xi32>
    %gather3A_64 = tpu.vector_load_idx %arg7[%broadcast_in_dim3A_63] : memref<32896xf32, #tpu.memory_space<vmem>>[vector<16xi32>], vector<16xf32>,
    %get3A_65 = arith.constant 4096 : index
    %get3A_66 = tpu.vector_load %arg7[%get3A_65] {strides = array<i32>} : memref<32896xf32, #tpu.memory_space<vmem>>, vector<16xf32>,
    %ge3A = arith.constant 8 : i32
    %ge3A_67 = vector.broadcast %ge3A : i32 to vector<16xi32>
    %ge3A_68 = arith.cmpi sge, %iota3A, %ge3A_67 : vector<16xi32>
    %select_n3A_69 = arith.select %ge3A_68, %gather3A_64, %get3A_66 : vector<16xi1>, vector<16xf32>
    %swap3A_70 = arith.constant 4096 : index
    %swap3A_71 = tpu.vector_load %arg7[%swap3A_70] {strides = array<i32>} : memref<32896xf32, #tpu.memory_space<vmem>>, vector<16xf32>,
    tpu.vector_store %arg7[%swap3A_70], %select_n3A_69 {strides = array<i32>} : memref<32896xf32, #tpu.memory_space<vmem>>, vector<16xf32>,
    %broadcast_in_dim3A_72 = arith.constant 4120 : i32
    %broadcast_in_dim3A_73 = vector.broadcast %broadcast_in_dim3A_72 : i32 to vector<16xi32>
    %gather3A_74 = tpu.vector_load_idx %arg7[%broadcast_in_dim3A_73] : memref<32896xf32, #tpu.memory_space<vmem>>[vector<16xi32>], vector<16xf32>,
    %get3A_75 = arith.constant 4112 : index
    %get3A_76 = tpu.vector_load %arg7[%get3A_75] {strides = array<i32>} : memref<32896xf32, #tpu.memory_space<vmem>>, vector<16xf32>,
    %lt3A_77 = arith.constant 8 : i32
    %lt3A_78 = vector.broadcast %lt3A_77 : i32 to vector<16xi32>
    %lt3A_79 = arith.cmpi slt, %iota3A, %lt3A_78 : vector<16xi32>
    %select_n3A_80 = arith.select %lt3A_79, %gather3A_74, %get3A_76 : vector<16xi1>, vector<16xf32>
    %swap3A_81 = arith.constant 4112 : index
    %swap3A_82 = tpu.vector_load %arg7[%swap3A_81] {strides = array<i32>} : memref<32896xf32, #tpu.memory_space<vmem>>, vector<16xf32>,
    tpu.vector_store %arg7[%swap3A_81], %select_n3A_80 {strides = array<i32>} : memref<32896xf32, #tpu.memory_space<vmem>>, vector<16xf32>,
    %broadcast_in_dim3A_83 = arith.constant 8215 : i32
    %broadcast_in_dim3A_84 = vector.broadcast %broadcast_in_dim3A_83 : i32 to vector<16xi32>
    %gather3A_85 = tpu.vector_load_idx %arg7[%broadcast_in_dim3A_84] : memref<32896xf32, #tpu.memory_space<vmem>>[vector<16xi32>], vector<16xf32>,
    %get3A_86 = arith.constant 8208 : index
    %get3A_87 = tpu.vector_load %arg7[%get3A_86] {strides = array<i32>} : memref<32896xf32, #tpu.memory_space<vmem>>, vector<16xf32>,
    %ge3A_88 = arith.constant 8 : i32
    %ge3A_89 = vector.broadcast %ge3A_88 : i32 to vector<16xi32>
    %ge3A_90 = arith.cmpi sge, %iota3A, %ge3A_89 : vector<16xi32>
    %select_n3A_91 = arith.select %ge3A_90, %gather3A_85, %get3A_87 : vector<16xi1>, vector<16xf32>
    %swap3A_92 = arith.constant 8208 : index
    %swap3A_93 = tpu.vector_load %arg7[%swap3A_92] {strides = array<i32>} : memref<32896xf32, #tpu.memory_space<vmem>>, vector<16xf32>,
    tpu.vector_store %arg7[%swap3A_92], %select_n3A_91 {strides = array<i32>} : memref<32896xf32, #tpu.memory_space<vmem>>, vector<16xf32>,
    %broadcast_in_dim3A_94 = arith.constant 8232 : i32
    %broadcast_in_dim3A_95 = vector.broadcast %broadcast_in_dim3A_94 : i32 to vector<16xi32>
    %gather3A_96 = tpu.vector_load_idx %arg7[%broadcast_in_dim3A_95] : memref<32896xf32, #tpu.memory_space<vmem>>[vector<16xi32>], vector<16xf32>,
    %get3A_97 = arith.constant 8224 : index
    %get3A_98 = tpu.vector_load %arg7[%get3A_97] {strides = array<i32>} : memref<32896xf32, #tpu.memory_space<vmem>>, vector<16xf32>,
    %lt3A_99 = arith.constant 8 : i32
    %lt3A_100 = vector.broadcast %lt3A_99 : i32 to vector<16xi32>
    %lt3A_101 = arith.cmpi slt, %iota3A, %lt3A_100 : vector<16xi32>
    %select_n3A_102 = arith.select %lt3A_101, %gather3A_96, %get3A_98 : vector<16xi1>, vector<16xf32>
    %swap3A_103 = arith.constant 8224 : index
    %swap3A_104 = tpu.vector_load %arg7[%swap3A_103] {strides = array<i32>} : memref<32896xf32, #tpu.memory_space<vmem>>, vector<16xf32>,
    tpu.vector_store %arg7[%swap3A_103], %select_n3A_102 {strides = array<i32>} : memref<32896xf32, #tpu.memory_space<vmem>>, vector<16xf32>,
    %broadcast_in_dim3A_105 = arith.constant 12327 : i32
    %broadcast_in_dim3A_106 = vector.broadcast %broadcast_in_dim3A_105 : i32 to vector<16xi32>
    %gather3A_107 = tpu.vector_load_idx %arg7[%broadcast_in_dim3A_106] : memref<32896xf32, #tpu.memory_space<vmem>>[vector<16xi32>], vector<16xf32>,
    %get3A_108 = arith.constant 12320 : index
    %get3A_109 = tpu.vector_load %arg7[%get3A_108] {strides = array<i32>} : memref<32896xf32, #tpu.memory_space<vmem>>, vector<16xf32>,
    %ge3A_110 = arith.constant 8 : i32
    %ge3A_111 = vector.broadcast %ge3A_110 : i32 to vector<16xi32>
    %ge3A_112 = arith.cmpi sge, %iota3A, %ge3A_111 : vector<16xi32>
    %select_n3A_113 = arith.select %ge3A_112, %gather3A_107, %get3A_109 : vector<16xi1>, vector<16xf32>
    %swap3A_114 = arith.constant 12320 : index
    %swap3A_115 = tpu.vector_load %arg7[%swap3A_114] {strides = array<i32>} : memref<32896xf32, #tpu.memory_space<vmem>>, vector<16xf32>,
    tpu.vector_store %arg7[%swap3A_114], %select_n3A_113 {strides = array<i32>} : memref<32896xf32, #tpu.memory_space<vmem>>, vector<16xf32>,
    %broadcast_in_dim3A_116 = arith.constant 12344 : i32
    %broadcast_in_dim3A_117 = vector.broadcast %broadcast_in_dim3A_116 : i32 to vector<16xi32>
    %gather3A_118 = tpu.vector_load_idx %arg7[%broadcast_in_dim3A_117] : memref<32896xf32, #tpu.memory_space<vmem>>[vector<16xi32>], vector<16xf32>,
    %get3A_119 = arith.constant 12336 : index
    %get3A_120 = tpu.vector_load %arg7[%get3A_119] {strides = array<i32>} : memref<32896xf32, #tpu.memory_space<vmem>>, vector<16xf32>,
    %lt3A_121 = arith.constant 8 : i32
    %lt3A_122 = vector.broadcast %lt3A_121 : i32 to vector<16xi32>
    %lt3A_123 = arith.cmpi slt, %iota3A, %lt3A_122 : vector<16xi32>
    %select_n3A_124 = arith.select %lt3A_123, %gather3A_118, %get3A_120 : vector<16xi1>, vector<16xf32>
    %swap3A_125 = arith.constant 12336 : index
    %swap3A_126 = tpu.vector_load %arg7[%swap3A_125] {strides = array<i32>} : memref<32896xf32, #tpu.memory_space<vmem>>, vector<16xf32>,
    tpu.vector_store %arg7[%swap3A_125], %select_n3A_124 {strides = array<i32>} : memref<32896xf32, #tpu.memory_space<vmem>>, vector<16xf32>,
    %broadcast_in_dim3A_127 = arith.constant 16439 : i32
    %broadcast_in_dim3A_128 = vector.broadcast %broadcast_in_dim3A_127 : i32 to vector<16xi32>
    %gather3A_129 = tpu.vector_load_idx %arg7[%broadcast_in_dim3A_128] : memref<32896xf32, #tpu.memory_space<vmem>>[vector<16xi32>], vector<16xf32>,
    %get3A_130 = arith.constant 16432 : index
    %get3A_131 = tpu.vector_load %arg7[%get3A_130] {strides = array<i32>} : memref<32896xf32, #tpu.memory_space<vmem>>, vector<16xf32>,
    %ge3A_132 = arith.constant 8 : i32
    %ge3A_133 = vector.broadcast %ge3A_132 : i32 to vector<16xi32>
    %ge3A_134 = arith.cmpi sge, %iota3A, %ge3A_133 : vector<16xi32>
    %select_n3A_135 = arith.select %ge3A_134, %gather3A_129, %get3A_131 : vector<16xi1>, vector<16xf32>
    %swap3A_136 = arith.constant 16432 : index
    %swap3A_137 = tpu.vector_load %arg7[%swap3A_136] {strides = array<i32>} : memref<32896xf32, #tpu.memory_space<vmem>>, vector<16xf32>,
    tpu.vector_store %arg7[%swap3A_136], %select_n3A_135 {strides = array<i32>} : memref<32896xf32, #tpu.memory_space<vmem>>, vector<16xf32>,
    %broadcast_in_dim3A_138 = arith.constant 16456 : i32
    %broadcast_in_dim3A_139 = vector.broadcast %broadcast_in_dim3A_138 : i32 to vector<16xi32>
    %gather3A_140 = tpu.vector_load_idx %arg7[%broadcast_in_dim3A_139] : memref<32896xf32, #tpu.memory_space<vmem>>[vector<16xi32>], vector<16xf32>,
    %get3A_141 = arith.constant 16448 : index
    %get3A_142 = tpu.vector_load %arg7[%get3A_141] {strides = array<i32>} : memref<32896xf32, #tpu.memory_space<vmem>>, vector<16xf32>,
    %lt3A_143 = arith.constant 8 : i32
    %lt3A_144 = vector.broadcast %lt3A_143 : i32 to vector<16xi32>
    %lt3A_145 = arith.cmpi slt, %iota3A, %lt3A_144 : vector<16xi32>
    %select_n3A_146 = arith.select %lt3A_145, %gather3A_140, %get3A_142 : vector<16xi1>, vector<16xf32>
    %swap3A_147 = arith.constant 16448 : index
    %swap3A_148 = tpu.vector_load %arg7[%swap3A_147] {strides = array<i32>} : memref<32896xf32, #tpu.memory_space<vmem>>, vector<16xf32>,
    tpu.vector_store %arg7[%swap3A_147], %select_n3A_146 {strides = array<i32>} : memref<32896xf32, #tpu.memory_space<vmem>>, vector<16xf32>,
    %broadcast_in_dim3A_149 = arith.constant 20551 : i32
    %broadcast_in_dim3A_150 = vector.broadcast %broadcast_in_dim3A_149 : i32 to vector<16xi32>
    %gather3A_151 = tpu.vector_load_idx %arg7[%broadcast_in_dim3A_150] : memref<32896xf32, #tpu.memory_space<vmem>>[vector<16xi32>], vector<16xf32>,
    %get3A_152 = arith.constant 20544 : index
    %get3A_153 = tpu.vector_load %arg7[%get3A_152] {strides = array<i32>} : memref<32896xf32, #tpu.memory_space<vmem>>, vector<16xf32>,
    %ge3A_154 = arith.constant 8 : i32
    %ge3A_155 = vector.broadcast %ge3A_154 : i32 to vector<16xi32>
    %ge3A_156 = arith.cmpi sge, %iota3A, %ge3A_155 : vector<16xi32>
    %select_n3A_157 = arith.select %ge3A_156, %gather3A_151, %get3A_153 : vector<16xi1>, vector<16xf32>
    %swap3A_158 = arith.constant 20544 : index
    %swap3A_159 = tpu.vector_load %arg7[%swap3A_158] {strides = array<i32>} : memref<32896xf32, #tpu.memory_space<vmem>>, vector<16xf32>,
    tpu.vector_store %arg7[%swap3A_158], %select_n3A_157 {strides = array<i32>} : memref<32896xf32, #tpu.memory_space<vmem>>, vector<16xf32>,
    %broadcast_in_dim3A_160 = arith.constant 20568 : i32
    %broadcast_in_dim3A_161 = vector.broadcast %broadcast_in_dim3A_160 : i32 to vector<16xi32>
    %gather3A_162 = tpu.vector_load_idx %arg7[%broadcast_in_dim3A_161] : memref<32896xf32, #tpu.memory_space<vmem>>[vector<16xi32>], vector<16xf32>,
    %get3A_163 = arith.constant 20560 : index
    %get3A_164 = tpu.vector_load %arg7[%get3A_163] {strides = array<i32>} : memref<32896xf32, #tpu.memory_space<vmem>>, vector<16xf32>,
    %lt3A_165 = arith.constant 8 : i32
    %lt3A_166 = vector.broadcast %lt3A_165 : i32 to vector<16xi32>
    %lt3A_167 = arith.cmpi slt, %iota3A, %lt3A_166 : vector<16xi32>
    %select_n3A_168 = arith.select %lt3A_167, %gather3A_162, %get3A_164 : vector<16xi1>, vector<16xf32>
    %swap3A_169 = arith.constant 20560 : index
    %swap3A_170 = tpu.vector_load %arg7[%swap3A_169] {strides = array<i32>} : memref<32896xf32, #tpu.memory_space<vmem>>, vector<16xf32>,
    tpu.vector_store %arg7[%swap3A_169], %select_n3A_168 {strides = array<i32>} : memref<32896xf32, #tpu.memory_space<vmem>>, vector<16xf32>,
    %broadcast_in_dim3A_171 = arith.constant 24663 : i32
    %broadcast_in_dim3A_172 = vector.broadcast %broadcast_in_dim3A_171 : i32 to vector<16xi32>
    %gather3A_173 = tpu.vector_load_idx %arg7[%broadcast_in_dim3A_172] : memref<32896xf32, #tpu.memory_space<vmem>>[vector<16xi32>], vector<16xf32>,
    %get3A_174 = arith.constant 24656 : index
    %get3A_175 = tpu.vector_load %arg7[%get3A_174] {strides = array<i32>} : memref<32896xf32, #tpu.memory_space<vmem>>, vector<16xf32>,
    %ge3A_176 = arith.constant 8 : i32
    %ge3A_177 = vector.broadcast %ge3A_176 : i32 to vector<16xi32>
    %ge3A_178 = arith.cmpi sge, %iota3A, %ge3A_177 : vector<16xi32>
    %select_n3A_179 = arith.select %ge3A_178, %gather3A_173, %get3A_175 : vector<16xi1>, vector<16xf32>
    %swap3A_180 = arith.constant 24656 : index
    %swap3A_181 = tpu.vector_load %arg7[%swap3A_180] {strides = array<i32>} : memref<32896xf32, #tpu.memory_space<vmem>>, vector<16xf32>,
    tpu.vector_store %arg7[%swap3A_180], %select_n3A_179 {strides = array<i32>} : memref<32896xf32, #tpu.memory_space<vmem>>, vector<16xf32>,
    %broadcast_in_dim3A_182 = arith.constant 24680 : i32
    %broadcast_in_dim3A_183 = vector.broadcast %broadcast_in_dim3A_182 : i32 to vector<16xi32>
    %gather3A_184 = tpu.vector_load_idx %arg7[%broadcast_in_dim3A_183] : memref<32896xf32, #tpu.memory_space<vmem>>[vector<16xi32>], vector<16xf32>,
    %get3A_185 = arith.constant 24672 : index
    %get3A_186 = tpu.vector_load %arg7[%get3A_185] {strides = array<i32>} : memref<32896xf32, #tpu.memory_space<vmem>>, vector<16xf32>,
    %lt3A_187 = arith.constant 8 : i32
    %lt3A_188 = vector.broadcast %lt3A_187 : i32 to vector<16xi32>
    %lt3A_189 = arith.cmpi slt, %iota3A, %lt3A_188 : vector<16xi32>
    %select_n3A_190 = arith.select %lt3A_189, %gather3A_184, %get3A_186 : vector<16xi1>, vector<16xf32>
    %swap3A_191 = arith.constant 24672 : index
    %swap3A_192 = tpu.vector_load %arg7[%swap3A_191] {strides = array<i32>} : memref<32896xf32, #tpu.memory_space<vmem>>, vector<16xf32>,
    tpu.vector_store %arg7[%swap3A_191], %select_n3A_190 {strides = array<i32>} : memref<32896xf32, #tpu.memory_space<vmem>>, vector<16xf32>,
    %broadcast_in_dim3A_193 = arith.constant 28775 : i32
    %broadcast_in_dim3A_194 = vector.broadcast %broadcast_in_dim3A_193 : i32 to vector<16xi32>
    %gather3A_195 = tpu.vector_load_idx %arg7[%broadcast_in_dim3A_194] : memref<32896xf32, #tpu.memory_space<vmem>>[vector<16xi32>], vector<16xf32>,
    %get3A_196 = arith.constant 28768 : index
    %get3A_197 = tpu.vector_load %arg7[%get3A_196] {strides = array<i32>} : memref<32896xf32, #tpu.memory_space<vmem>>, vector<16xf32>,
    %ge3A_198 = arith.constant 8 : i32
    %ge3A_199 = vector.broadcast %ge3A_198 : i32 to vector<16xi32>
    %ge3A_200 = arith.cmpi sge, %iota3A, %ge3A_199 : vector<16xi32>
    %select_n3A_201 = arith.select %ge3A_200, %gather3A_195, %get3A_197 : vector<16xi1>, vector<16xf32>
    %swap3A_202 = arith.constant 28768 : index
    %swap3A_203 = tpu.vector_load %arg7[%swap3A_202] {strides = array<i32>} : memref<32896xf32, #tpu.memory_space<vmem>>, vector<16xf32>,
    tpu.vector_store %arg7[%swap3A_202], %select_n3A_201 {strides = array<i32>} : memref<32896xf32, #tpu.memory_space<vmem>>, vector<16xf32>,
    %broadcast_in_dim3A_204 = arith.constant 28792 : i32
    %broadcast_in_dim3A_205 = vector.broadcast %broadcast_in_dim3A_204 : i32 to vector<16xi32>
    %gather3A_206 = tpu.vector_load_idx %arg7[%broadcast_in_dim3A_205] : memref<32896xf32, #tpu.memory_space<vmem>>[vector<16xi32>], vector<16xf32>,
    %get3A_207 = arith.constant 28784 : index
    %get3A_208 = tpu.vector_load %arg7[%get3A_207] {strides = array<i32>} : memref<32896xf32, #tpu.memory_space<vmem>>, vector<16xf32>,
    %lt3A_209 = arith.constant 8 : i32
    %lt3A_210 = vector.broadcast %lt3A_209 : i32 to vector<16xi32>
    %lt3A_211 = arith.cmpi slt, %iota3A, %lt3A_210 : vector<16xi32>
    %select_n3A_212 = arith.select %lt3A_211, %gather3A_206, %get3A_208 : vector<16xi1>, vector<16xf32>
    %swap3A_213 = arith.constant 28784 : index
    %swap3A_214 = tpu.vector_load %arg7[%swap3A_213] {strides = array<i32>} : memref<32896xf32, #tpu.memory_space<vmem>>, vector<16xf32>,
    tpu.vector_store %arg7[%swap3A_213], %select_n3A_212 {strides = array<i32>} : memref<32896xf32, #tpu.memory_space<vmem>>, vector<16xf32>,
    %broadcast_in_dim3A_215 = arith.constant 32887 : i32
    %broadcast_in_dim3A_216 = vector.broadcast %broadcast_in_dim3A_215 : i32 to vector<16xi32>
    %gather3A_217 = tpu.vector_load_idx %arg7[%broadcast_in_dim3A_216] : memref<32896xf32, #tpu.memory_space<vmem>>[vector<16xi32>], vector<16xf32>,
    %get3A_218 = arith.constant 32880 : index
    %get3A_219 = tpu.vector_load %arg7[%get3A_218] {strides = array<i32>} : memref<32896xf32, #tpu.memory_space<vmem>>, vector<16xf32>,
    %ge3A_220 = arith.constant 8 : i32
    %ge3A_221 = vector.broadcast %ge3A_220 : i32 to vector<16xi32>
    %ge3A_222 = arith.cmpi sge, %iota3A, %ge3A_221 : vector<16xi32>
    %select_n3A_223 = arith.select %ge3A_222, %gather3A_217, %get3A_219 : vector<16xi1>, vector<16xf32>
    %swap3A_224 = arith.constant 32880 : index
    %swap3A_225 = tpu.vector_load %arg7[%swap3A_224] {strides = array<i32>} : memref<32896xf32, #tpu.memory_space<vmem>>, vector<16xf32>,
    tpu.vector_store %arg7[%swap3A_224], %select_n3A_223 {strides = array<i32>} : memref<32896xf32, #tpu.memory_space<vmem>>, vector<16xf32>,
    %dma_wait3A_226 = arith.constant 0 : i32
    %dma_wait3A_227 = tpu.memref_slice %arg2[%select_n3A, %mul3A_32, %dma_wait3A_226] : memref<8x64x4096xf32, #tpu.memory_space<hbm>> -> memref<1x8x4096xf32, #tpu.memory_space<hbm>>
    %dma_wait3A_228 = tpu.memref_squeeze %dma_wait3A_227 : memref<1x8x4096xf32, #tpu.memory_space<hbm>> -> memref<8x4096xf32, #tpu.memory_space<hbm>>
    %dma_wait3A_229 = arith.constant 0 : i32
    %dma_wait3A_230 = tpu.memref_slice %arg2[%select_n3A, %mul3A_32, %dma_wait3A_229] : memref<8x64x4096xf32, #tpu.memory_space<hbm>> -> memref<1x8x4096xf32, #tpu.memory_space<hbm>>
    %dma_wait3A_231 = tpu.memref_squeeze %dma_wait3A_230 : memref<1x8x4096xf32, #tpu.memory_space<hbm>> -> memref<8x4096xf32, #tpu.memory_space<hbm>>
    tpu.wait_dma2 semaphore(%arg9 : memref<!tpu.dma_semaphore, #tpu.memory_space<semaphore_mem>>) src(%dma_wait3A_231 : memref<8x4096xf32, #tpu.memory_space<hbm>>) dst(%arg6 : memref<8x4096xf32, #tpu.memory_space<vmem>>)
    %scan3A_232 = arith.constant 0 : i32
    %scan3A_233 = arith.constant 0 : i32
    %scan3A_234 = arith.constant 256 : i32
    %scan3A_235 = arith.addi %scan3A_233, %scan3A_234 : i32
    %scan3A_236 = arith.constant 1 : i32
    %scan3A_237 = scf.for %scan3A_251 = %scan3A_233 to %scan3A_235 step %scan3A_236 iter_args(%scan3A_252 = %scan3A_232) -> (i32)  : i32 {
      %mul3A_253 = arith.constant 16 : i32
      %mul3A_254 = arith.muli %scan3A_251, %mul3A_253 : i32
      %get3A_255 = arith.constant 0 : i32
      %get3A_256 = arith.index_cast %get3A_255 : i32 to index
      %get3A_257 = arith.index_cast %mul3A_254 : i32 to index
      %get3A_258 = tpu.vector_load %arg6[%get3A_256, %get3A_257] {strides = array<i32>} : memref<8x4096xf32, #tpu.memory_space<vmem>>, vector<16xf32>,
      %add3A_259 = arith.constant 8 : i32
      %add3A_260 = arith.addi %add3A_259, %mul3A_254 : i32
      %get3A_261 = arith.index_cast %add3A_260 : i32 to index
      %get3A_262 = tpu.vector_load %arg7[%get3A_261] {strides = array<i32>} : memref<32896xf32, #tpu.memory_space<vmem>>, vector<16xf32>,
      %sub3A_263 = arith.subf %get3A_258, %get3A_262 : vector<16xf32>
      %abs3A = math.absf %sub3A_263 : vector<16xf32>
      %add3A_264 = arith.constant 1 : i32
      %add3A_265 = arith.addi %add3A_260, %add3A_264 : i32
      %get3A_266 = arith.index_cast %add3A_265 : i32 to index
      %get3A_267 = tpu.vector_load %arg7[%get3A_266] {strides = array<i32>} : memref<32896xf32, #tpu.memory_space<vmem>>, vector<16xf32>,
      %sub3A_268 = arith.subf %get3A_258, %get3A_267 : vector<16xf32>
      %abs3A_269 = math.absf %sub3A_268 : vector<16xf32>
      %lt3A_270 = arith.cmpf olt, %abs3A_269, %abs3A : vector<16xf32>
      %select_n3A_271 = arith.select %lt3A_270, %sub3A_268, %sub3A_263 : vector<16xi1>, vector<16xf32>
      %select_n3A_272 = arith.select %lt3A_270, %abs3A_269, %abs3A : vector<16xi1>, vector<16xf32>
      %add3A_273 = arith.constant 2 : i32
      %add3A_274 = arith.addi %add3A_260, %add3A_273 : i32
      %get3A_275 = arith.index_cast %add3A_274 : i32 to index
      %get3A_276 = tpu.vector_load %arg7[%get3A_275] {strides = array<i32>} : memref<32896xf32, #tpu.memory_space<vmem>>, vector<16xf32>,
      %sub3A_277 = arith.subf %get3A_258, %get3A_276 : vector<16xf32>
      %abs3A_278 = math.absf %sub3A_277 : vector<16xf32>
      %lt3A_279 = arith.cmpf olt, %abs3A_278, %select_n3A_272 : vector<16xf32>
      %select_n3A_280 = arith.select %lt3A_279, %sub3A_277, %select_n3A_271 : vector<16xi1>, vector<16xf32>
      %select_n3A_281 = arith.select %lt3A_279, %abs3A_278, %select_n3A_272 : vector<16xi1>, vector<16xf32>
      %add3A_282 = arith.constant 3 : i32
      %add3A_283 = arith.addi %add3A_260, %add3A_282 : i32
      %get3A_284 = arith.index_cast %add3A_283 : i32 to index
      %get3A_285 = tpu.vector_load %arg7[%get3A_284] {strides = array<i32>} : memref<32896xf32, #tpu.memory_space<vmem>>, vector<16xf32>,
      %sub3A_286 = arith.subf %get3A_258, %get3A_285 : vector<16xf32>
      %abs3A_287 = math.absf %sub3A_286 : vector<16xf32>
      %lt3A_288 = arith.cmpf olt, %abs3A_287, %select_n3A_281 : vector<16xf32>
      %select_n3A_289 = arith.select %lt3A_288, %sub3A_286, %select_n3A_280 : vector<16xi1>, vector<16xf32>
      %select_n3A_290 = arith.select %lt3A_288, %abs3A_287, %select_n3A_281 : vector<16xi1>, vector<16xf32>
      %add3A_291 = arith.constant 4 : i32
      %add3A_292 = arith.addi %add3A_260, %add3A_291 : i32
      %get3A_293 = arith.index_cast %add3A_292 : i32 to index
      %get3A_294 = tpu.vector_load %arg7[%get3A_293] {strides = array<i32>} : memref<32896xf32, #tpu.memory_space<vmem>>, vector<16xf32>,
      %sub3A_295 = arith.subf %get3A_258, %get3A_294 : vector<16xf32>
      %abs3A_296 = math.absf %sub3A_295 : vector<16xf32>
      %lt3A_297 = arith.cmpf olt, %abs3A_296, %select_n3A_290 : vector<16xf32>
      %select_n3A_298 = arith.select %lt3A_297, %sub3A_295, %select_n3A_289 : vector<16xi1>, vector<16xf32>
      %select_n3A_299 = arith.select %lt3A_297, %abs3A_296, %select_n3A_290 : vector<16xi1>, vector<16xf32>
      %add3A_300 = arith.constant 5 : i32
      %add3A_301 = arith.addi %add3A_260, %add3A_300 : i32
      %get3A_302 = arith.index_cast %add3A_301 : i32 to index
      %get3A_303 = tpu.vector_load %arg7[%get3A_302] {strides = array<i32>} : memref<32896xf32, #tpu.memory_space<vmem>>, vector<16xf32>,
      %sub3A_304 = arith.subf %get3A_258, %get3A_303 : vector<16xf32>
      %abs3A_305 = math.absf %sub3A_304 : vector<16xf32>
      %lt3A_306 = arith.cmpf olt, %abs3A_305, %select_n3A_299 : vector<16xf32>
      %select_n3A_307 = arith.select %lt3A_306, %sub3A_304, %select_n3A_298 : vector<16xi1>, vector<16xf32>
      %select_n3A_308 = arith.select %lt3A_306, %abs3A_305, %select_n3A_299 : vector<16xi1>, vector<16xf32>
      %add3A_309 = arith.constant 6 : i32
      %add3A_310 = arith.addi %add3A_260, %add3A_309 : i32
      %get3A_311 = arith.index_cast %add3A_310 : i32 to index
      %get3A_312 = tpu.vector_load %arg7[%get3A_311] {strides = array<i32>} : memref<32896xf32, #tpu.memory_space<vmem>>, vector<16xf32>,
      %sub3A_313 = arith.subf %get3A_258, %get3A_312 : vector<16xf32>
      %abs3A_314 = math.absf %sub3A_313 : vector<16xf32>
      %lt3A_315 = arith.cmpf olt, %abs3A_314, %select_n3A_308 : vector<16xf32>
      %select_n3A_316 = arith.select %lt3A_315, %sub3A_313, %select_n3A_307 : vector<16xi1>, vector<16xf32>
      %select_n3A_317 = arith.select %lt3A_315, %abs3A_314, %select_n3A_308 : vector<16xi1>, vector<16xf32>
      %add3A_318 = arith.constant 7 : i32
      %add3A_319 = arith.addi %add3A_260, %add3A_318 : i32
      %get3A_320 = arith.index_cast %add3A_319 : i32 to index
      %get3A_321 = tpu.vector_load %arg7[%get3A_320] {strides = array<i32>} : memref<32896xf32, #tpu.memory_space<vmem>>, vector<16xf32>,
      %sub3A_322 = arith.subf %get3A_258, %get3A_321 : vector<16xf32>
      %abs3A_323 = math.absf %sub3A_322 : vector<16xf32>
      %lt3A_324 = arith.cmpf olt, %abs3A_323, %select_n3A_317 : vector<16xf32>
      %select_n3A_325 = arith.select %lt3A_324, %sub3A_322, %select_n3A_316 : vector<16xi1>, vector<16xf32>
      %select_n3A_326 = arith.select %lt3A_324, %abs3A_323, %select_n3A_317 : vector<16xi1>, vector<16xf32>
      %add3A_327 = arith.constant 8 : i32
      %add3A_328 = arith.addi %add3A_260, %add3A_327 : i32
      %get3A_329 = arith.index_cast %add3A_328 : i32 to index
      %get3A_330 = tpu.vector_load %arg7[%get3A_329] {strides = array<i32>} : memref<32896xf32, #tpu.memory_space<vmem>>, vector<16xf32>,
      %sub3A_331 = arith.subf %get3A_258, %get3A_330 : vector<16xf32>
      %abs3A_332 = math.absf %sub3A_331 : vector<16xf32>
      %lt3A_333 = arith.cmpf olt, %abs3A_332, %select_n3A_326 : vector<16xf32>
      %select_n3A_334 = arith.select %lt3A_333, %sub3A_331, %select_n3A_325 : vector<16xi1>, vector<16xf32>
      %select_n3A_335 = arith.select %lt3A_333, %abs3A_332, %select_n3A_326 : vector<16xi1>, vector<16xf32>
      %add3A_336 = arith.constant -1 : i32
      %add3A_337 = arith.addi %add3A_260, %add3A_336 : i32
      %get3A_338 = arith.index_cast %add3A_337 : i32 to index
      %get3A_339 = tpu.vector_load %arg7[%get3A_338] {strides = array<i32>} : memref<32896xf32, #tpu.memory_space<vmem>>, vector<16xf32>,
      %sub3A_340 = arith.subf %get3A_258, %get3A_339 : vector<16xf32>
      %abs3A_341 = math.absf %sub3A_340 : vector<16xf32>
      %lt3A_342 = arith.cmpf olt, %abs3A_341, %select_n3A_335 : vector<16xf32>
      %select_n3A_343 = arith.select %lt3A_342, %sub3A_340, %select_n3A_334 : vector<16xi1>, vector<16xf32>
      %select_n3A_344 = arith.select %lt3A_342, %abs3A_341, %select_n3A_335 : vector<16xi1>, vector<16xf32>
      %add3A_345 = arith.constant -2 : i32
      %add3A_346 = arith.addi %add3A_260, %add3A_345 : i32
      %get3A_347 = arith.index_cast %add3A_346 : i32 to index
      %get3A_348 = tpu.vector_load %arg7[%get3A_347] {strides = array<i32>} : memref<32896xf32, #tpu.memory_space<vmem>>, vector<16xf32>,
      %sub3A_349 = arith.subf %get3A_258, %get3A_348 : vector<16xf32>
      %abs3A_350 = math.absf %sub3A_349 : vector<16xf32>
      %lt3A_351 = arith.cmpf olt, %abs3A_350, %select_n3A_344 : vector<16xf32>
      %select_n3A_352 = arith.select %lt3A_351, %sub3A_349, %select_n3A_343 : vector<16xi1>, vector<16xf32>
      %select_n3A_353 = arith.select %lt3A_351, %abs3A_350, %select_n3A_344 : vector<16xi1>, vector<16xf32>
      %add3A_354 = arith.constant -3 : i32
      %add3A_355 = arith.addi %add3A_260, %add3A_354 : i32
      %get3A_356 = arith.index_cast %add3A_355 : i32 to index
      %get3A_357 = tpu.vector_load %arg7[%get3A_356] {strides = array<i32>} : memref<32896xf32, #tpu.memory_space<vmem>>, vector<16xf32>,
      %sub3A_358 = arith.subf %get3A_258, %get3A_357 : vector<16xf32>
      %abs3A_359 = math.absf %sub3A_358 : vector<16xf32>
      %lt3A_360 = arith.cmpf olt, %abs3A_359, %select_n3A_353 : vector<16xf32>
      %select_n3A_361 = arith.select %lt3A_360, %sub3A_358, %select_n3A_352 : vector<16xi1>, vector<16xf32>
      %select_n3A_362 = arith.select %lt3A_360, %abs3A_359, %select_n3A_353 : vector<16xi1>, vector<16xf32>
      %add3A_363 = arith.constant -4 : i32
      %add3A_364 = arith.addi %add3A_260, %add3A_363 : i32
      %get3A_365 = arith.index_cast %add3A_364 : i32 to index
      %get3A_366 = tpu.vector_load %arg7[%get3A_365] {strides = array<i32>} : memref<32896xf32, #tpu.memory_space<vmem>>, vector<16xf32>,
      %sub3A_367 = arith.subf %get3A_258, %get3A_366 : vector<16xf32>
      %abs3A_368 = math.absf %sub3A_367 : vector<16xf32>
      %lt3A_369 = arith.cmpf olt, %abs3A_368, %select_n3A_362 : vector<16xf32>
      %select_n3A_370 = arith.select %lt3A_369, %sub3A_367, %select_n3A_361 : vector<16xi1>, vector<16xf32>
      %select_n3A_371 = arith.select %lt3A_369, %abs3A_368, %select_n3A_362 : vector<16xi1>, vector<16xf32>
      %add3A_372 = arith.constant -5 : i32
      %add3A_373 = arith.addi %add3A_260, %add3A_372 : i32
      %get3A_374 = arith.index_cast %add3A_373 : i32 to index
      %get3A_375 = tpu.vector_load %arg7[%get3A_374] {strides = array<i32>} : memref<32896xf32, #tpu.memory_space<vmem>>, vector<16xf32>,
      %sub3A_376 = arith.subf %get3A_258, %get3A_375 : vector<16xf32>
      %abs3A_377 = math.absf %sub3A_376 : vector<16xf32>
      %lt3A_378 = arith.cmpf olt, %abs3A_377, %select_n3A_371 : vector<16xf32>
      %select_n3A_379 = arith.select %lt3A_378, %sub3A_376, %select_n3A_370 : vector<16xi1>, vector<16xf32>
      %select_n3A_380 = arith.select %lt3A_378, %abs3A_377, %select_n3A_371 : vector<16xi1>, vector<16xf32>
      %add3A_381 = arith.constant -6 : i32
      %add3A_382 = arith.addi %add3A_260, %add3A_381 : i32
      %get3A_383 = arith.index_cast %add3A_382 : i32 to index
      %get3A_384 = tpu.vector_load %arg7[%get3A_383] {strides = array<i32>} : memref<32896xf32, #tpu.memory_space<vmem>>, vector<16xf32>,
      %sub3A_385 = arith.subf %get3A_258, %get3A_384 : vector<16xf32>
      %abs3A_386 = math.absf %sub3A_385 : vector<16xf32>
      %lt3A_387 = arith.cmpf olt, %abs3A_386, %select_n3A_380 : vector<16xf32>
      %select_n3A_388 = arith.select %lt3A_387, %sub3A_385, %select_n3A_379 : vector<16xi1>, vector<16xf32>
      %select_n3A_389 = arith.select %lt3A_387, %abs3A_386, %select_n3A_380 : vector<16xi1>, vector<16xf32>
      %add3A_390 = arith.constant -7 : i32
      %add3A_391 = arith.addi %add3A_260, %add3A_390 : i32
      %get3A_392 = arith.index_cast %add3A_391 : i32 to index
      %get3A_393 = tpu.vector_load %arg7[%get3A_392] {strides = array<i32>} : memref<32896xf32, #tpu.memory_space<vmem>>, vector<16xf32>,
      %sub3A_394 = arith.subf %get3A_258, %get3A_393 : vector<16xf32>
      %abs3A_395 = math.absf %sub3A_394 : vector<16xf32>
      %lt3A_396 = arith.cmpf olt, %abs3A_395, %select_n3A_389 : vector<16xf32>
      %select_n3A_397 = arith.select %lt3A_396, %sub3A_394, %select_n3A_388 : vector<16xi1>, vector<16xf32>
      %select_n3A_398 = arith.select %lt3A_396, %abs3A_395, %select_n3A_389 : vector<16xi1>, vector<16xf32>
      %add3A_399 = arith.constant -8 : i32
      %add3A_400 = arith.addi %add3A_260, %add3A_399 : i32
      %get3A_401 = arith.index_cast %add3A_400 : i32 to index
      %get3A_402 = tpu.vector_load %arg7[%get3A_401] {strides = array<i32>} : memref<32896xf32, #tpu.memory_space<vmem>>, vector<16xf32>,
      %sub3A_403 = arith.subf %get3A_258, %get3A_402 : vector<16xf32>
      %abs3A_404 = math.absf %sub3A_403 : vector<16xf32>
      %lt3A_405 = arith.cmpf olt, %abs3A_404, %select_n3A_398 : vector<16xf32>
      %select_n3A_406 = arith.select %lt3A_405, %sub3A_403, %select_n3A_397 : vector<16xi1>, vector<16xf32>
      %select_n3A_407 = arith.select %lt3A_405, %abs3A_404, %select_n3A_398 : vector<16xi1>, vector<16xf32>
      %swap3A_408 = arith.constant 0 : i32
      %swap3A_409 = arith.index_cast %swap3A_408 : i32 to index
      %swap3A_410 = arith.index_cast %mul3A_254 : i32 to index
      %swap3A_411 = tpu.vector_load %arg5[%swap3A_409, %swap3A_410] {strides = array<i32>} : memref<8x4096xf32, #tpu.memory_space<vmem>>, vector<16xf32>,
      tpu.vector_store %arg5[%swap3A_409, %swap3A_410], %select_n3A_406 {strides = array<i32>} : memref<8x4096xf32, #tpu.memory_space<vmem>>, vector<16xf32>,
      %get3A_412 = arith.constant 1 : i32
      %get3A_413 = arith.index_cast %get3A_412 : i32 to index
      %get3A_414 = arith.index_cast %mul3A_254 : i32 to index
      %get3A_415 = tpu.vector_load %arg6[%get3A_413, %get3A_414] {strides = array<i32>} : memref<8x4096xf32, #tpu.memory_space<vmem>>, vector<16xf32>,
      %add3A_416 = arith.constant 4120 : i32
      %add3A_417 = arith.addi %add3A_416, %mul3A_254 : i32
      %get3A_418 = arith.index_cast %add3A_417 : i32 to index
      %get3A_419 = tpu.vector_load %arg7[%get3A_418] {strides = array<i32>} : memref<32896xf32, #tpu.memory_space<vmem>>, vector<16xf32>,
      %sub3A_420 = arith.subf %get3A_415, %get3A_419 : vector<16xf32>
      %abs3A_421 = math.absf %sub3A_420 : vector<16xf32>
      %add3A_422 = arith.constant 1 : i32
      %add3A_423 = arith.addi %add3A_417, %add3A_422 : i32
      %get3A_424 = arith.index_cast %add3A_423 : i32 to index
      %get3A_425 = tpu.vector_load %arg7[%get3A_424] {strides = array<i32>} : memref<32896xf32, #tpu.memory_space<vmem>>, vector<16xf32>,
      %sub3A_426 = arith.subf %get3A_415, %get3A_425 : vector<16xf32>
      %abs3A_427 = math.absf %sub3A_426 : vector<16xf32>
      %lt3A_428 = arith.cmpf olt, %abs3A_427, %abs3A_421 : vector<16xf32>
      %select_n3A_429 = arith.select %lt3A_428, %sub3A_426, %sub3A_420 : vector<16xi1>, vector<16xf32>
      %select_n3A_430 = arith.select %lt3A_428, %abs3A_427, %abs3A_421 : vector<16xi1>, vector<16xf32>
      %add3A_431 = arith.constant 2 : i32
      %add3A_432 = arith.addi %add3A_417, %add3A_431 : i32
      %get3A_433 = arith.index_cast %add3A_432 : i32 to index
      %get3A_434 = tpu.vector_load %arg7[%get3A_433] {strides = array<i32>} : memref<32896xf32, #tpu.memory_space<vmem>>, vector<16xf32>,
      %sub3A_435 = arith.subf %get3A_415, %get3A_434 : vector<16xf32>
      %abs3A_436 = math.absf %sub3A_435 : vector<16xf32>
      %lt3A_437 = arith.cmpf olt, %abs3A_436, %select_n3A_430 : vector<16xf32>
      %select_n3A_438 = arith.select %lt3A_437, %sub3A_435, %select_n3A_429 : vector<16xi1>, vector<16xf32>
      %select_n3A_439 = arith.select %lt3A_437, %abs3A_436, %select_n3A_430 : vector<16xi1>, vector<16xf32>
      %add3A_440 = arith.constant 3 : i32
      %add3A_441 = arith.addi %add3A_417, %add3A_440 : i32
      %get3A_442 = arith.index_cast %add3A_441 : i32 to index
      %get3A_443 = tpu.vector_load %arg7[%get3A_442] {strides = array<i32>} : memref<32896xf32, #tpu.memory_space<vmem>>, vector<16xf32>,
      %sub3A_444 = arith.subf %get3A_415, %get3A_443 : vector<16xf32>
      %abs3A_445 = math.absf %sub3A_444 : vector<16xf32>
      %lt3A_446 = arith.cmpf olt, %abs3A_445, %select_n3A_439 : vector<16xf32>
      %select_n3A_447 = arith.select %lt3A_446, %sub3A_444, %select_n3A_438 : vector<16xi1>, vector<16xf32>
      %select_n3A_448 = arith.select %lt3A_446, %abs3A_445, %select_n3A_439 : vector<16xi1>, vector<16xf32>
      %add3A_449 = arith.constant 4 : i32
      %add3A_450 = arith.addi %add3A_417, %add3A_449 : i32
      %get3A_451 = arith.index_cast %add3A_450 : i32 to index
      %get3A_452 = tpu.vector_load %arg7[%get3A_451] {strides = array<i32>} : memref<32896xf32, #tpu.memory_space<vmem>>, vector<16xf32>,
      %sub3A_453 = arith.subf %get3A_415, %get3A_452 : vector<16xf32>
      %abs3A_454 = math.absf %sub3A_453 : vector<16xf32>
      %lt3A_455 = arith.cmpf olt, %abs3A_454, %select_n3A_448 : vector<16xf32>
      %select_n3A_456 = arith.select %lt3A_455, %sub3A_453, %select_n3A_447 : vector<16xi1>, vector<16xf32>
      %select_n3A_457 = arith.select %lt3A_455, %abs3A_454, %select_n3A_448 : vector<16xi1>, vector<16xf32>
      %add3A_458 = arith.constant 5 : i32
      %add3A_459 = arith.addi %add3A_417, %add3A_458 : i32
      %get3A_460 = arith.index_cast %add3A_459 : i32 to index
      %get3A_461 = tpu.vector_load %arg7[%get3A_460] {strides = array<i32>} : memref<32896xf32, #tpu.memory_space<vmem>>, vector<16xf32>,
      %sub3A_462 = arith.subf %get3A_415, %get3A_461 : vector<16xf32>
      %abs3A_463 = math.absf %sub3A_462 : vector<16xf32>
      %lt3A_464 = arith.cmpf olt, %abs3A_463, %select_n3A_457 : vector<16xf32>
      %select_n3A_465 = arith.select %lt3A_464, %sub3A_462, %select_n3A_456 : vector<16xi1>, vector<16xf32>
      %select_n3A_466 = arith.select %lt3A_464, %abs3A_463, %select_n3A_457 : vector<16xi1>, vector<16xf32>
      %add3A_467 = arith.constant 6 : i32
      %add3A_468 = arith.addi %add3A_417, %add3A_467 : i32
      %get3A_469 = arith.index_cast %add3A_468 : i32 to index
      %get3A_470 = tpu.vector_load %arg7[%get3A_469] {strides = array<i32>} : memref<32896xf32, #tpu.memory_space<vmem>>, vector<16xf32>,
      %sub3A_471 = arith.subf %get3A_415, %get3A_470 : vector<16xf32>
      %abs3A_472 = math.absf %sub3A_471 : vector<16xf32>
      %lt3A_473 = arith.cmpf olt, %abs3A_472, %select_n3A_466 : vector<16xf32>
      %select_n3A_474 = arith.select %lt3A_473, %sub3A_471, %select_n3A_465 : vector<16xi1>, vector<16xf32>
      %select_n3A_475 = arith.select %lt3A_473, %abs3A_472, %select_n3A_466 : vector<16xi1>, vector<16xf32>
      %add3A_476 = arith.constant 7 : i32
      %add3A_477 = arith.addi %add3A_417, %add3A_476 : i32
      %get3A_478 = arith.index_cast %add3A_477 : i32 to index
      %get3A_479 = tpu.vector_load %arg7[%get3A_478] {strides = array<i32>} : memref<32896xf32, #tpu.memory_space<vmem>>, vector<16xf32>,
      %sub3A_480 = arith.subf %get3A_415, %get3A_479 : vector<16xf32>
      %abs3A_481 = math.absf %sub3A_480 : vector<16xf32>
      %lt3A_482 = arith.cmpf olt, %abs3A_481, %select_n3A_475 : vector<16xf32>
      %select_n3A_483 = arith.select %lt3A_482, %sub3A_480, %select_n3A_474 : vector<16xi1>, vector<16xf32>
      %select_n3A_484 = arith.select %lt3A_482, %abs3A_481, %select_n3A_475 : vector<16xi1>, vector<16xf32>
      %add3A_485 = arith.constant 8 : i32
      %add3A_486 = arith.addi %add3A_417, %add3A_485 : i32
      %get3A_487 = arith.index_cast %add3A_486 : i32 to index
      %get3A_488 = tpu.vector_load %arg7[%get3A_487] {strides = array<i32>} : memref<32896xf32, #tpu.memory_space<vmem>>, vector<16xf32>,
      %sub3A_489 = arith.subf %get3A_415, %get3A_488 : vector<16xf32>
      %abs3A_490 = math.absf %sub3A_489 : vector<16xf32>
      %lt3A_491 = arith.cmpf olt, %abs3A_490, %select_n3A_484 : vector<16xf32>
      %select_n3A_492 = arith.select %lt3A_491, %sub3A_489, %select_n3A_483 : vector<16xi1>, vector<16xf32>
      %select_n3A_493 = arith.select %lt3A_491, %abs3A_490, %select_n3A_484 : vector<16xi1>, vector<16xf32>
      %add3A_494 = arith.constant -1 : i32
      %add3A_495 = arith.addi %add3A_417, %add3A_494 : i32
      %get3A_496 = arith.index_cast %add3A_495 : i32 to index
      %get3A_497 = tpu.vector_load %arg7[%get3A_496] {strides = array<i32>} : memref<32896xf32, #tpu.memory_space<vmem>>, vector<16xf32>,
      %sub3A_498 = arith.subf %get3A_415, %get3A_497 : vector<16xf32>
      %abs3A_499 = math.absf %sub3A_498 : vector<16xf32>
      %lt3A_500 = arith.cmpf olt, %abs3A_499, %select_n3A_493 : vector<16xf32>
      %select_n3A_501 = arith.select %lt3A_500, %sub3A_498, %select_n3A_492 : vector<16xi1>, vector<16xf32>
      %select_n3A_502 = arith.select %lt3A_500, %abs3A_499, %select_n3A_493 : vector<16xi1>, vector<16xf32>
      %add3A_503 = arith.constant -2 : i32
      %add3A_504 = arith.addi %add3A_417, %add3A_503 : i32
      %get3A_505 = arith.index_cast %add3A_504 : i32 to index
      %get3A_506 = tpu.vector_load %arg7[%get3A_505] {strides = array<i32>} : memref<32896xf32, #tpu.memory_space<vmem>>, vector<16xf32>,
      %sub3A_507 = arith.subf %get3A_415, %get3A_506 : vector<16xf32>
      %abs3A_508 = math.absf %sub3A_507 : vector<16xf32>
      %lt3A_509 = arith.cmpf olt, %abs3A_508, %select_n3A_502 : vector<16xf32>
      %select_n3A_510 = arith.select %lt3A_509, %sub3A_507, %select_n3A_501 : vector<16xi1>, vector<16xf32>
      %select_n3A_511 = arith.select %lt3A_509, %abs3A_508, %select_n3A_502 : vector<16xi1>, vector<16xf32>
      %add3A_512 = arith.constant -3 : i32
      %add3A_513 = arith.addi %add3A_417, %add3A_512 : i32
      %get3A_514 = arith.index_cast %add3A_513 : i32 to index
      %get3A_515 = tpu.vector_load %arg7[%get3A_514] {strides = array<i32>} : memref<32896xf32, #tpu.memory_space<vmem>>, vector<16xf32>,
      %sub3A_516 = arith.subf %get3A_415, %get3A_515 : vector<16xf32>
      %abs3A_517 = math.absf %sub3A_516 : vector<16xf32>
      %lt3A_518 = arith.cmpf olt, %abs3A_517, %select_n3A_511 : vector<16xf32>
      %select_n3A_519 = arith.select %lt3A_518, %sub3A_516, %select_n3A_510 : vector<16xi1>, vector<16xf32>
      %select_n3A_520 = arith.select %lt3A_518, %abs3A_517, %select_n3A_511 : vector<16xi1>, vector<16xf32>
      %add3A_521 = arith.constant -4 : i32
      %add3A_522 = arith.addi %add3A_417, %add3A_521 : i32
      %get3A_523 = arith.index_cast %add3A_522 : i32 to index
      %get3A_524 = tpu.vector_load %arg7[%get3A_523] {strides = array<i32>} : memref<32896xf32, #tpu.memory_space<vmem>>, vector<16xf32>,
      %sub3A_525 = arith.subf %get3A_415, %get3A_524 : vector<16xf32>
      %abs3A_526 = math.absf %sub3A_525 : vector<16xf32>
      %lt3A_527 = arith.cmpf olt, %abs3A_526, %select_n3A_520 : vector<16xf32>
      %select_n3A_528 = arith.select %lt3A_527, %sub3A_525, %select_n3A_519 : vector<16xi1>, vector<16xf32>
      %select_n3A_529 = arith.select %lt3A_527, %abs3A_526, %select_n3A_520 : vector<16xi1>, vector<16xf32>
      %add3A_530 = arith.constant -5 : i32
      %add3A_531 = arith.addi %add3A_417, %add3A_530 : i32
      %get3A_532 = arith.index_cast %add3A_531 : i32 to index
      %get3A_533 = tpu.vector_load %arg7[%get3A_532] {strides = array<i32>} : memref<32896xf32, #tpu.memory_space<vmem>>, vector<16xf32>,
      %sub3A_534 = arith.subf %get3A_415, %get3A_533 : vector<16xf32>
      %abs3A_535 = math.absf %sub3A_534 : vector<16xf32>
      %lt3A_536 = arith.cmpf olt, %abs3A_535, %select_n3A_529 : vector<16xf32>
      %select_n3A_537 = arith.select %lt3A_536, %sub3A_534, %select_n3A_528 : vector<16xi1>, vector<16xf32>
      %select_n3A_538 = arith.select %lt3A_536, %abs3A_535, %select_n3A_529 : vector<16xi1>, vector<16xf32>
      %add3A_539 = arith.constant -6 : i32
      %add3A_540 = arith.addi %add3A_417, %add3A_539 : i32
      %get3A_541 = arith.index_cast %add3A_540 : i32 to index
      %get3A_542 = tpu.vector_load %arg7[%get3A_541] {strides = array<i32>} : memref<32896xf32, #tpu.memory_space<vmem>>, vector<16xf32>,
      %sub3A_543 = arith.subf %get3A_415, %get3A_542 : vector<16xf32>
      %abs3A_544 = math.absf %sub3A_543 : vector<16xf32>
      %lt3A_545 = arith.cmpf olt, %abs3A_544, %select_n3A_538 : vector<16xf32>
      %select_n3A_546 = arith.select %lt3A_545, %sub3A_543, %select_n3A_537 : vector<16xi1>, vector<16xf32>
      %select_n3A_547 = arith.select %lt3A_545, %abs3A_544, %select_n3A_538 : vector<16xi1>, vector<16xf32>
      %add3A_548 = arith.constant -7 : i32
      %add3A_549 = arith.addi %add3A_417, %add3A_548 : i32
      %get3A_550 = arith.index_cast %add3A_549 : i32 to index
      %get3A_551 = tpu.vector_load %arg7[%get3A_550] {strides = array<i32>} : memref<32896xf32, #tpu.memory_space<vmem>>, vector<16xf32>,
      %sub3A_552 = arith.subf %get3A_415, %get3A_551 : vector<16xf32>
      %abs3A_553 = math.absf %sub3A_552 : vector<16xf32>
      %lt3A_554 = arith.cmpf olt, %abs3A_553, %select_n3A_547 : vector<16xf32>
      %select_n3A_555 = arith.select %lt3A_554, %sub3A_552, %select_n3A_546 : vector<16xi1>, vector<16xf32>
      %select_n3A_556 = arith.select %lt3A_554, %abs3A_553, %select_n3A_547 : vector<16xi1>, vector<16xf32>
      %add3A_557 = arith.constant -8 : i32
      %add3A_558 = arith.addi %add3A_417, %add3A_557 : i32
      %get3A_559 = arith.index_cast %add3A_558 : i32 to index
      %get3A_560 = tpu.vector_load %arg7[%get3A_559] {strides = array<i32>} : memref<32896xf32, #tpu.memory_space<vmem>>, vector<16xf32>,
      %sub3A_561 = arith.subf %get3A_415, %get3A_560 : vector<16xf32>
      %abs3A_562 = math.absf %sub3A_561 : vector<16xf32>
      %lt3A_563 = arith.cmpf olt, %abs3A_562, %select_n3A_556 : vector<16xf32>
      %select_n3A_564 = arith.select %lt3A_563, %sub3A_561, %select_n3A_555 : vector<16xi1>, vector<16xf32>
      %select_n3A_565 = arith.select %lt3A_563, %abs3A_562, %select_n3A_556 : vector<16xi1>, vector<16xf32>
      %swap3A_566 = arith.constant 1 : i32
      %swap3A_567 = arith.index_cast %swap3A_566 : i32 to index
      %swap3A_568 = arith.index_cast %mul3A_254 : i32 to index
      %swap3A_569 = tpu.vector_load %arg5[%swap3A_567, %swap3A_568] {strides = array<i32>} : memref<8x4096xf32, #tpu.memory_space<vmem>>, vector<16xf32>,
      tpu.vector_store %arg5[%swap3A_567, %swap3A_568], %select_n3A_564 {strides = array<i32>} : memref<8x4096xf32, #tpu.memory_space<vmem>>, vector<16xf32>,
      %get3A_570 = arith.constant 2 : i32
      %get3A_571 = arith.index_cast %get3A_570 : i32 to index
      %get3A_572 = arith.index_cast %mul3A_254 : i32 to index
      %get3A_573 = tpu.vector_load %arg6[%get3A_571, %get3A_572] {strides = array<i32>} : memref<8x4096xf32, #tpu.memory_space<vmem>>, vector<16xf32>,
      %add3A_574 = arith.constant 8232 : i32
      %add3A_575 = arith.addi %add3A_574, %mul3A_254 : i32
      %get3A_576 = arith.index_cast %add3A_575 : i32 to index
      %get3A_577 = tpu.vector_load %arg7[%get3A_576] {strides = array<i32>} : memref<32896xf32, #tpu.memory_space<vmem>>, vector<16xf32>,
      %sub3A_578 = arith.subf %get3A_573, %get3A_577 : vector<16xf32>
      %abs3A_579 = math.absf %sub3A_578 : vector<16xf32>
      %add3A_580 = arith.constant 1 : i32
      %add3A_581 = arith.addi %add3A_575, %add3A_580 : i32
      %get3A_582 = arith.index_cast %add3A_581 : i32 to index
      %get3A_583 = tpu.vector_load %arg7[%get3A_582] {strides = array<i32>} : memref<32896xf32, #tpu.memory_space<vmem>>, vector<16xf32>,
      %sub3A_584 = arith.subf %get3A_573, %get3A_583 : vector<16xf32>
      %abs3A_585 = math.absf %sub3A_584 : vector<16xf32>
      %lt3A_586 = arith.cmpf olt, %abs3A_585, %abs3A_579 : vector<16xf32>
      %select_n3A_587 = arith.select %lt3A_586, %sub3A_584, %sub3A_578 : vector<16xi1>, vector<16xf32>
      %select_n3A_588 = arith.select %lt3A_586, %abs3A_585, %abs3A_579 : vector<16xi1>, vector<16xf32>
      %add3A_589 = arith.constant 2 : i32
      %add3A_590 = arith.addi %add3A_575, %add3A_589 : i32
      %get3A_591 = arith.index_cast %add3A_590 : i32 to index
      %get3A_592 = tpu.vector_load %arg7[%get3A_591] {strides = array<i32>} : memref<32896xf32, #tpu.memory_space<vmem>>, vector<16xf32>,
      %sub3A_593 = arith.subf %get3A_573, %get3A_592 : vector<16xf32>
      %abs3A_594 = math.absf %sub3A_593 : vector<16xf32>
      %lt3A_595 = arith.cmpf olt, %abs3A_594, %select_n3A_588 : vector<16xf32>
      %select_n3A_596 = arith.select %lt3A_595, %sub3A_593, %select_n3A_587 : vector<16xi1>, vector<16xf32>
      %select_n3A_597 = arith.select %lt3A_595, %abs3A_594, %select_n3A_588 : vector<16xi1>, vector<16xf32>
      %add3A_598 = arith.constant 3 : i32
      %add3A_599 = arith.addi %add3A_575, %add3A_598 : i32
      %get3A_600 = arith.index_cast %add3A_599 : i32 to index
      %get3A_601 = tpu.vector_load %arg7[%get3A_600] {strides = array<i32>} : memref<32896xf32, #tpu.memory_space<vmem>>, vector<16xf32>,
      %sub3A_602 = arith.subf %get3A_573, %get3A_601 : vector<16xf32>
      %abs3A_603 = math.absf %sub3A_602 : vector<16xf32>
      %lt3A_604 = arith.cmpf olt, %abs3A_603, %select_n3A_597 : vector<16xf32>
      %select_n3A_605 = arith.select %lt3A_604, %sub3A_602, %select_n3A_596 : vector<16xi1>, vector<16xf32>
      %select_n3A_606 = arith.select %lt3A_604, %abs3A_603, %select_n3A_597 : vector<16xi1>, vector<16xf32>
      %add3A_607 = arith.constant 4 : i32
      %add3A_608 = arith.addi %add3A_575, %add3A_607 : i32
      %get3A_609 = arith.index_cast %add3A_608 : i32 to index
      %get3A_610 = tpu.vector_load %arg7[%get3A_609] {strides = array<i32>} : memref<32896xf32, #tpu.memory_space<vmem>>, vector<16xf32>,
      %sub3A_611 = arith.subf %get3A_573, %get3A_610 : vector<16xf32>
      %abs3A_612 = math.absf %sub3A_611 : vector<16xf32>
      %lt3A_613 = arith.cmpf olt, %abs3A_612, %select_n3A_606 : vector<16xf32>
      %select_n3A_614 = arith.select %lt3A_613, %sub3A_611, %select_n3A_605 : vector<16xi1>, vector<16xf32>
      %select_n3A_615 = arith.select %lt3A_613, %abs3A_612, %select_n3A_606 : vector<16xi1>, vector<16xf32>
      %add3A_616 = arith.constant 5 : i32
      %add3A_617 = arith.addi %add3A_575, %add3A_616 : i32
      %get3A_618 = arith.index_cast %add3A_617 : i32 to index
      %get3A_619 = tpu.vector_load %arg7[%get3A_618] {strides = array<i32>} : memref<32896xf32, #tpu.memory_space<vmem>>, vector<16xf32>,
      %sub3A_620 = arith.subf %get3A_573, %get3A_619 : vector<16xf32>
      %abs3A_621 = math.absf %sub3A_620 : vector<16xf32>
      %lt3A_622 = arith.cmpf olt, %abs3A_621, %select_n3A_615 : vector<16xf32>
      %select_n3A_623 = arith.select %lt3A_622, %sub3A_620, %select_n3A_614 : vector<16xi1>, vector<16xf32>
      %select_n3A_624 = arith.select %lt3A_622, %abs3A_621, %select_n3A_615 : vector<16xi1>, vector<16xf32>
      %add3A_625 = arith.constant 6 : i32
      %add3A_626 = arith.addi %add3A_575, %add3A_625 : i32
      %get3A_627 = arith.index_cast %add3A_626 : i32 to index
      %get3A_628 = tpu.vector_load %arg7[%get3A_627] {strides = array<i32>} : memref<32896xf32, #tpu.memory_space<vmem>>, vector<16xf32>,
      %sub3A_629 = arith.subf %get3A_573, %get3A_628 : vector<16xf32>
      %abs3A_630 = math.absf %sub3A_629 : vector<16xf32>
      %lt3A_631 = arith.cmpf olt, %abs3A_630, %select_n3A_624 : vector<16xf32>
      %select_n3A_632 = arith.select %lt3A_631, %sub3A_629, %select_n3A_623 : vector<16xi1>, vector<16xf32>
      %select_n3A_633 = arith.select %lt3A_631, %abs3A_630, %select_n3A_624 : vector<16xi1>, vector<16xf32>
      %add3A_634 = arith.constant 7 : i32
      %add3A_635 = arith.addi %add3A_575, %add3A_634 : i32
      %get3A_636 = arith.index_cast %add3A_635 : i32 to index
      %get3A_637 = tpu.vector_load %arg7[%get3A_636] {strides = array<i32>} : memref<32896xf32, #tpu.memory_space<vmem>>, vector<16xf32>,
      %sub3A_638 = arith.subf %get3A_573, %get3A_637 : vector<16xf32>
      %abs3A_639 = math.absf %sub3A_638 : vector<16xf32>
      %lt3A_640 = arith.cmpf olt, %abs3A_639, %select_n3A_633 : vector<16xf32>
      %select_n3A_641 = arith.select %lt3A_640, %sub3A_638, %select_n3A_632 : vector<16xi1>, vector<16xf32>
      %select_n3A_642 = arith.select %lt3A_640, %abs3A_639, %select_n3A_633 : vector<16xi1>, vector<16xf32>
      %add3A_643 = arith.constant 8 : i32
      %add3A_644 = arith.addi %add3A_575, %add3A_643 : i32
      %get3A_645 = arith.index_cast %add3A_644 : i32 to index
      %get3A_646 = tpu.vector_load %arg7[%get3A_645] {strides = array<i32>} : memref<32896xf32, #tpu.memory_space<vmem>>, vector<16xf32>,
      %sub3A_647 = arith.subf %get3A_573, %get3A_646 : vector<16xf32>
      %abs3A_648 = math.absf %sub3A_647 : vector<16xf32>
      %lt3A_649 = arith.cmpf olt, %abs3A_648, %select_n3A_642 : vector<16xf32>
      %select_n3A_650 = arith.select %lt3A_649, %sub3A_647, %select_n3A_641 : vector<16xi1>, vector<16xf32>
      %select_n3A_651 = arith.select %lt3A_649, %abs3A_648, %select_n3A_642 : vector<16xi1>, vector<16xf32>
      %add3A_652 = arith.constant -1 : i32
      %add3A_653 = arith.addi %add3A_575, %add3A_652 : i32
      %get3A_654 = arith.index_cast %add3A_653 : i32 to index
      %get3A_655 = tpu.vector_load %arg7[%get3A_654] {strides = array<i32>} : memref<32896xf32, #tpu.memory_space<vmem>>, vector<16xf32>,
      %sub3A_656 = arith.subf %get3A_573, %get3A_655 : vector<16xf32>
      %abs3A_657 = math.absf %sub3A_656 : vector<16xf32>
      %lt3A_658 = arith.cmpf olt, %abs3A_657, %select_n3A_651 : vector<16xf32>
      %select_n3A_659 = arith.select %lt3A_658, %sub3A_656, %select_n3A_650 : vector<16xi1>, vector<16xf32>
      %select_n3A_660 = arith.select %lt3A_658, %abs3A_657, %select_n3A_651 : vector<16xi1>, vector<16xf32>
      %add3A_661 = arith.constant -2 : i32
      %add3A_662 = arith.addi %add3A_575, %add3A_661 : i32
      %get3A_663 = arith.index_cast %add3A_662 : i32 to index
      %get3A_664 = tpu.vector_load %arg7[%get3A_663] {strides = array<i32>} : memref<32896xf32, #tpu.memory_space<vmem>>, vector<16xf32>,
      %sub3A_665 = arith.subf %get3A_573, %get3A_664 : vector<16xf32>
      %abs3A_666 = math.absf %sub3A_665 : vector<16xf32>
      %lt3A_667 = arith.cmpf olt, %abs3A_666, %select_n3A_660 : vector<16xf32>
      %select_n3A_668 = arith.select %lt3A_667, %sub3A_665, %select_n3A_659 : vector<16xi1>, vector<16xf32>
      %select_n3A_669 = arith.select %lt3A_667, %abs3A_666, %select_n3A_660 : vector<16xi1>, vector<16xf32>
      %add3A_670 = arith.constant -3 : i32
      %add3A_671 = arith.addi %add3A_575, %add3A_670 : i32
      %get3A_672 = arith.index_cast %add3A_671 : i32 to index
      %get3A_673 = tpu.vector_load %arg7[%get3A_672] {strides = array<i32>} : memref<32896xf32, #tpu.memory_space<vmem>>, vector<16xf32>,
      %sub3A_674 = arith.subf %get3A_573, %get3A_673 : vector<16xf32>
      %abs3A_675 = math.absf %sub3A_674 : vector<16xf32>
      %lt3A_676 = arith.cmpf olt, %abs3A_675, %select_n3A_669 : vector<16xf32>
      %select_n3A_677 = arith.select %lt3A_676, %sub3A_674, %select_n3A_668 : vector<16xi1>, vector<16xf32>
      %select_n3A_678 = arith.select %lt3A_676, %abs3A_675, %select_n3A_669 : vector<16xi1>, vector<16xf32>
      %add3A_679 = arith.constant -4 : i32
      %add3A_680 = arith.addi %add3A_575, %add3A_679 : i32
      %get3A_681 = arith.index_cast %add3A_680 : i32 to index
      %get3A_682 = tpu.vector_load %arg7[%get3A_681] {strides = array<i32>} : memref<32896xf32, #tpu.memory_space<vmem>>, vector<16xf32>,
      %sub3A_683 = arith.subf %get3A_573, %get3A_682 : vector<16xf32>
      %abs3A_684 = math.absf %sub3A_683 : vector<16xf32>
      %lt3A_685 = arith.cmpf olt, %abs3A_684, %select_n3A_678 : vector<16xf32>
      %select_n3A_686 = arith.select %lt3A_685, %sub3A_683, %select_n3A_677 : vector<16xi1>, vector<16xf32>
      %select_n3A_687 = arith.select %lt3A_685, %abs3A_684, %select_n3A_678 : vector<16xi1>, vector<16xf32>
      %add3A_688 = arith.constant -5 : i32
      %add3A_689 = arith.addi %add3A_575, %add3A_688 : i32
      %get3A_690 = arith.index_cast %add3A_689 : i32 to index
      %get3A_691 = tpu.vector_load %arg7[%get3A_690] {strides = array<i32>} : memref<32896xf32, #tpu.memory_space<vmem>>, vector<16xf32>,
      %sub3A_692 = arith.subf %get3A_573, %get3A_691 : vector<16xf32>
      %abs3A_693 = math.absf %sub3A_692 : vector<16xf32>
      %lt3A_694 = arith.cmpf olt, %abs3A_693, %select_n3A_687 : vector<16xf32>
      %select_n3A_695 = arith.select %lt3A_694, %sub3A_692, %select_n3A_686 : vector<16xi1>, vector<16xf32>
      %select_n3A_696 = arith.select %lt3A_694, %abs3A_693, %select_n3A_687 : vector<16xi1>, vector<16xf32>
      %add3A_697 = arith.constant -6 : i32
      %add3A_698 = arith.addi %add3A_575, %add3A_697 : i32
      %get3A_699 = arith.index_cast %add3A_698 : i32 to index
      %get3A_700 = tpu.vector_load %arg7[%get3A_699] {strides = array<i32>} : memref<32896xf32, #tpu.memory_space<vmem>>, vector<16xf32>,
      %sub3A_701 = arith.subf %get3A_573, %get3A_700 : vector<16xf32>
      %abs3A_702 = math.absf %sub3A_701 : vector<16xf32>
      %lt3A_703 = arith.cmpf olt, %abs3A_702, %select_n3A_696 : vector<16xf32>
      %select_n3A_704 = arith.select %lt3A_703, %sub3A_701, %select_n3A_695 : vector<16xi1>, vector<16xf32>
      %select_n3A_705 = arith.select %lt3A_703, %abs3A_702, %select_n3A_696 : vector<16xi1>, vector<16xf32>
      %add3A_706 = arith.constant -7 : i32
      %add3A_707 = arith.addi %add3A_575, %add3A_706 : i32
      %get3A_708 = arith.index_cast %add3A_707 : i32 to index
      %get3A_709 = tpu.vector_load %arg7[%get3A_708] {strides = array<i32>} : memref<32896xf32, #tpu.memory_space<vmem>>, vector<16xf32>,
      %sub3A_710 = arith.subf %get3A_573, %get3A_709 : vector<16xf32>
      %abs3A_711 = math.absf %sub3A_710 : vector<16xf32>
      %lt3A_712 = arith.cmpf olt, %abs3A_711, %select_n3A_705 : vector<16xf32>
      %select_n3A_713 = arith.select %lt3A_712, %sub3A_710, %select_n3A_704 : vector<16xi1>, vector<16xf32>
      %select_n3A_714 = arith.select %lt3A_712, %abs3A_711, %select_n3A_705 : vector<16xi1>, vector<16xf32>
      %add3A_715 = arith.constant -8 : i32
      %add3A_716 = arith.addi %add3A_575, %add3A_715 : i32
      %get3A_717 = arith.index_cast %add3A_716 : i32 to index
      %get3A_718 = tpu.vector_load %arg7[%get3A_717] {strides = array<i32>} : memref<32896xf32, #tpu.memory_space<vmem>>, vector<16xf32>,
      %sub3A_719 = arith.subf %get3A_573, %get3A_718 : vector<16xf32>
      %abs3A_720 = math.absf %sub3A_719 : vector<16xf32>
      %lt3A_721 = arith.cmpf olt, %abs3A_720, %select_n3A_714 : vector<16xf32>
      %select_n3A_722 = arith.select %lt3A_721, %sub3A_719, %select_n3A_713 : vector<16xi1>, vector<16xf32>
      %select_n3A_723 = arith.select %lt3A_721, %abs3A_720, %select_n3A_714 : vector<16xi1>, vector<16xf32>
      %swap3A_724 = arith.constant 2 : i32
      %swap3A_725 = arith.index_cast %swap3A_724 : i32 to index
      %swap3A_726 = arith.index_cast %mul3A_254 : i32 to index
      %swap3A_727 = tpu.vector_load %arg5[%swap3A_725, %swap3A_726] {strides = array<i32>} : memref<8x4096xf32, #tpu.memory_space<vmem>>, vector<16xf32>,
      tpu.vector_store %arg5[%swap3A_725, %swap3A_726], %select_n3A_722 {strides = array<i32>} : memref<8x4096xf32, #tpu.memory_space<vmem>>, vector<16xf32>,
      %get3A_728 = arith.constant 3 : i32
      %get3A_729 = arith.index_cast %get3A_728 : i32 to index
      %get3A_730 = arith.index_cast %mul3A_254 : i32 to index
      %get3A_731 = tpu.vector_load %arg6[%get3A_729, %get3A_730] {strides = array<i32>} : memref<8x4096xf32, #tpu.memory_space<vmem>>, vector<16xf32>,
      %add3A_732 = arith.constant 12344 : i32
      %add3A_733 = arith.addi %add3A_732, %mul3A_254 : i32
      %get3A_734 = arith.index_cast %add3A_733 : i32 to index
      %get3A_735 = tpu.vector_load %arg7[%get3A_734] {strides = array<i32>} : memref<32896xf32, #tpu.memory_space<vmem>>, vector<16xf32>,
      %sub3A_736 = arith.subf %get3A_731, %get3A_735 : vector<16xf32>
      %abs3A_737 = math.absf %sub3A_736 : vector<16xf32>
      %add3A_738 = arith.constant 1 : i32
      %add3A_739 = arith.addi %add3A_733, %add3A_738 : i32
      %get3A_740 = arith.index_cast %add3A_739 : i32 to index
      %get3A_741 = tpu.vector_load %arg7[%get3A_740] {strides = array<i32>} : memref<32896xf32, #tpu.memory_space<vmem>>, vector<16xf32>,
      %sub3A_742 = arith.subf %get3A_731, %get3A_741 : vector<16xf32>
      %abs3A_743 = math.absf %sub3A_742 : vector<16xf32>
      %lt3A_744 = arith.cmpf olt, %abs3A_743, %abs3A_737 : vector<16xf32>
      %select_n3A_745 = arith.select %lt3A_744, %sub3A_742, %sub3A_736 : vector<16xi1>, vector<16xf32>
      %select_n3A_746 = arith.select %lt3A_744, %abs3A_743, %abs3A_737 : vector<16xi1>, vector<16xf32>
      %add3A_747 = arith.constant 2 : i32
      %add3A_748 = arith.addi %add3A_733, %add3A_747 : i32
      %get3A_749 = arith.index_cast %add3A_748 : i32 to index
      %get3A_750 = tpu.vector_load %arg7[%get3A_749] {strides = array<i32>} : memref<32896xf32, #tpu.memory_space<vmem>>, vector<16xf32>,
      %sub3A_751 = arith.subf %get3A_731, %get3A_750 : vector<16xf32>
      %abs3A_752 = math.absf %sub3A_751 : vector<16xf32>
      %lt3A_753 = arith.cmpf olt, %abs3A_752, %select_n3A_746 : vector<16xf32>
      %select_n3A_754 = arith.select %lt3A_753, %sub3A_751, %select_n3A_745 : vector<16xi1>, vector<16xf32>
      %select_n3A_755 = arith.select %lt3A_753, %abs3A_752, %select_n3A_746 : vector<16xi1>, vector<16xf32>
      %add3A_756 = arith.constant 3 : i32
      %add3A_757 = arith.addi %add3A_733, %add3A_756 : i32
      %get3A_758 = arith.index_cast %add3A_757 : i32 to index
      %get3A_759 = tpu.vector_load %arg7[%get3A_758] {strides = array<i32>} : memref<32896xf32, #tpu.memory_space<vmem>>, vector<16xf32>,
      %sub3A_760 = arith.subf %get3A_731, %get3A_759 : vector<16xf32>
      %abs3A_761 = math.absf %sub3A_760 : vector<16xf32>
      %lt3A_762 = arith.cmpf olt, %abs3A_761, %select_n3A_755 : vector<16xf32>
      %select_n3A_763 = arith.select %lt3A_762, %sub3A_760, %select_n3A_754 : vector<16xi1>, vector<16xf32>
      %select_n3A_764 = arith.select %lt3A_762, %abs3A_761, %select_n3A_755 : vector<16xi1>, vector<16xf32>
      %add3A_765 = arith.constant 4 : i32
      %add3A_766 = arith.addi %add3A_733, %add3A_765 : i32
      %get3A_767 = arith.index_cast %add3A_766 : i32 to index
      %get3A_768 = tpu.vector_load %arg7[%get3A_767] {strides = array<i32>} : memref<32896xf32, #tpu.memory_space<vmem>>, vector<16xf32>,
      %sub3A_769 = arith.subf %get3A_731, %get3A_768 : vector<16xf32>
      %abs3A_770 = math.absf %sub3A_769 : vector<16xf32>
      %lt3A_771 = arith.cmpf olt, %abs3A_770, %select_n3A_764 : vector<16xf32>
      %select_n3A_772 = arith.select %lt3A_771, %sub3A_769, %select_n3A_763 : vector<16xi1>, vector<16xf32>
      %select_n3A_773 = arith.select %lt3A_771, %abs3A_770, %select_n3A_764 : vector<16xi1>, vector<16xf32>
      %add3A_774 = arith.constant 5 : i32
      %add3A_775 = arith.addi %add3A_733, %add3A_774 : i32
      %get3A_776 = arith.index_cast %add3A_775 : i32 to index
      %get3A_777 = tpu.vector_load %arg7[%get3A_776] {strides = array<i32>} : memref<32896xf32, #tpu.memory_space<vmem>>, vector<16xf32>,
      %sub3A_778 = arith.subf %get3A_731, %get3A_777 : vector<16xf32>
      %abs3A_779 = math.absf %sub3A_778 : vector<16xf32>
      %lt3A_780 = arith.cmpf olt, %abs3A_779, %select_n3A_773 : vector<16xf32>
      %select_n3A_781 = arith.select %lt3A_780, %sub3A_778, %select_n3A_772 : vector<16xi1>, vector<16xf32>
      %select_n3A_782 = arith.select %lt3A_780, %abs3A_779, %select_n3A_773 : vector<16xi1>, vector<16xf32>
      %add3A_783 = arith.constant 6 : i32
      %add3A_784 = arith.addi %add3A_733, %add3A_783 : i32
      %get3A_785 = arith.index_cast %add3A_784 : i32 to index
      %get3A_786 = tpu.vector_load %arg7[%get3A_785] {strides = array<i32>} : memref<32896xf32, #tpu.memory_space<vmem>>, vector<16xf32>,
      %sub3A_787 = arith.subf %get3A_731, %get3A_786 : vector<16xf32>
      %abs3A_788 = math.absf %sub3A_787 : vector<16xf32>
      %lt3A_789 = arith.cmpf olt, %abs3A_788, %select_n3A_782 : vector<16xf32>
      %select_n3A_790 = arith.select %lt3A_789, %sub3A_787, %select_n3A_781 : vector<16xi1>, vector<16xf32>
      %select_n3A_791 = arith.select %lt3A_789, %abs3A_788, %select_n3A_782 : vector<16xi1>, vector<16xf32>
      %add3A_792 = arith.constant 7 : i32
      %add3A_793 = arith.addi %add3A_733, %add3A_792 : i32
      %get3A_794 = arith.index_cast %add3A_793 : i32 to index
      %get3A_795 = tpu.vector_load %arg7[%get3A_794] {strides = array<i32>} : memref<32896xf32, #tpu.memory_space<vmem>>, vector<16xf32>,
      %sub3A_796 = arith.subf %get3A_731, %get3A_795 : vector<16xf32>
      %abs3A_797 = math.absf %sub3A_796 : vector<16xf32>
      %lt3A_798 = arith.cmpf olt, %abs3A_797, %select_n3A_791 : vector<16xf32>
      %select_n3A_799 = arith.select %lt3A_798, %sub3A_796, %select_n3A_790 : vector<16xi1>, vector<16xf32>
      %select_n3A_800 = arith.select %lt3A_798, %abs3A_797, %select_n3A_791 : vector<16xi1>, vector<16xf32>
      %add3A_801 = arith.constant 8 : i32
      %add3A_802 = arith.addi %add3A_733, %add3A_801 : i32
      %get3A_803 = arith.index_cast %add3A_802 : i32 to index
      %get3A_804 = tpu.vector_load %arg7[%get3A_803] {strides = array<i32>} : memref<32896xf32, #tpu.memory_space<vmem>>, vector<16xf32>,
      %sub3A_805 = arith.subf %get3A_731, %get3A_804 : vector<16xf32>
      %abs3A_806 = math.absf %sub3A_805 : vector<16xf32>
      %lt3A_807 = arith.cmpf olt, %abs3A_806, %select_n3A_800 : vector<16xf32>
      %select_n3A_808 = arith.select %lt3A_807, %sub3A_805, %select_n3A_799 : vector<16xi1>, vector<16xf32>
      %select_n3A_809 = arith.select %lt3A_807, %abs3A_806, %select_n3A_800 : vector<16xi1>, vector<16xf32>
      %add3A_810 = arith.constant -1 : i32
      %add3A_811 = arith.addi %add3A_733, %add3A_810 : i32
      %get3A_812 = arith.index_cast %add3A_811 : i32 to index
      %get3A_813 = tpu.vector_load %arg7[%get3A_812] {strides = array<i32>} : memref<32896xf32, #tpu.memory_space<vmem>>, vector<16xf32>,
      %sub3A_814 = arith.subf %get3A_731, %get3A_813 : vector<16xf32>
      %abs3A_815 = math.absf %sub3A_814 : vector<16xf32>
      %lt3A_816 = arith.cmpf olt, %abs3A_815, %select_n3A_809 : vector<16xf32>
      %select_n3A_817 = arith.select %lt3A_816, %sub3A_814, %select_n3A_808 : vector<16xi1>, vector<16xf32>
      %select_n3A_818 = arith.select %lt3A_816, %abs3A_815, %select_n3A_809 : vector<16xi1>, vector<16xf32>
      %add3A_819 = arith.constant -2 : i32
      %add3A_820 = arith.addi %add3A_733, %add3A_819 : i32
      %get3A_821 = arith.index_cast %add3A_820 : i32 to index
      %get3A_822 = tpu.vector_load %arg7[%get3A_821] {strides = array<i32>} : memref<32896xf32, #tpu.memory_space<vmem>>, vector<16xf32>,
      %sub3A_823 = arith.subf %get3A_731, %get3A_822 : vector<16xf32>
      %abs3A_824 = math.absf %sub3A_823 : vector<16xf32>
      %lt3A_825 = arith.cmpf olt, %abs3A_824, %select_n3A_818 : vector<16xf32>
      %select_n3A_826 = arith.select %lt3A_825, %sub3A_823, %select_n3A_817 : vector<16xi1>, vector<16xf32>
      %select_n3A_827 = arith.select %lt3A_825, %abs3A_824, %select_n3A_818 : vector<16xi1>, vector<16xf32>
      %add3A_828 = arith.constant -3 : i32
      %add3A_829 = arith.addi %add3A_733, %add3A_828 : i32
      %get3A_830 = arith.index_cast %add3A_829 : i32 to index
      %get3A_831 = tpu.vector_load %arg7[%get3A_830] {strides = array<i32>} : memref<32896xf32, #tpu.memory_space<vmem>>, vector<16xf32>,
      %sub3A_832 = arith.subf %get3A_731, %get3A_831 : vector<16xf32>
      %abs3A_833 = math.absf %sub3A_832 : vector<16xf32>
      %lt3A_834 = arith.cmpf olt, %abs3A_833, %select_n3A_827 : vector<16xf32>
      %select_n3A_835 = arith.select %lt3A_834, %sub3A_832, %select_n3A_826 : vector<16xi1>, vector<16xf32>
      %select_n3A_836 = arith.select %lt3A_834, %abs3A_833, %select_n3A_827 : vector<16xi1>, vector<16xf32>
      %add3A_837 = arith.constant -4 : i32
      %add3A_838 = arith.addi %add3A_733, %add3A_837 : i32
      %get3A_839 = arith.index_cast %add3A_838 : i32 to index
      %get3A_840 = tpu.vector_load %arg7[%get3A_839] {strides = array<i32>} : memref<32896xf32, #tpu.memory_space<vmem>>, vector<16xf32>,
      %sub3A_841 = arith.subf %get3A_731, %get3A_840 : vector<16xf32>
      %abs3A_842 = math.absf %sub3A_841 : vector<16xf32>
      %lt3A_843 = arith.cmpf olt, %abs3A_842, %select_n3A_836 : vector<16xf32>
      %select_n3A_844 = arith.select %lt3A_843, %sub3A_841, %select_n3A_835 : vector<16xi1>, vector<16xf32>
      %select_n3A_845 = arith.select %lt3A_843, %abs3A_842, %select_n3A_836 : vector<16xi1>, vector<16xf32>
      %add3A_846 = arith.constant -5 : i32
      %add3A_847 = arith.addi %add3A_733, %add3A_846 : i32
      %get3A_848 = arith.index_cast %add3A_847 : i32 to index
      %get3A_849 = tpu.vector_load %arg7[%get3A_848] {strides = array<i32>} : memref<32896xf32, #tpu.memory_space<vmem>>, vector<16xf32>,
      %sub3A_850 = arith.subf %get3A_731, %get3A_849 : vector<16xf32>
      %abs3A_851 = math.absf %sub3A_850 : vector<16xf32>
      %lt3A_852 = arith.cmpf olt, %abs3A_851, %select_n3A_845 : vector<16xf32>
      %select_n3A_853 = arith.select %lt3A_852, %sub3A_850, %select_n3A_844 : vector<16xi1>, vector<16xf32>
      %select_n3A_854 = arith.select %lt3A_852, %abs3A_851, %select_n3A_845 : vector<16xi1>, vector<16xf32>
      %add3A_855 = arith.constant -6 : i32
      %add3A_856 = arith.addi %add3A_733, %add3A_855 : i32
      %get3A_857 = arith.index_cast %add3A_856 : i32 to index
      %get3A_858 = tpu.vector_load %arg7[%get3A_857] {strides = array<i32>} : memref<32896xf32, #tpu.memory_space<vmem>>, vector<16xf32>,
      %sub3A_859 = arith.subf %get3A_731, %get3A_858 : vector<16xf32>
      %abs3A_860 = math.absf %sub3A_859 : vector<16xf32>
      %lt3A_861 = arith.cmpf olt, %abs3A_860, %select_n3A_854 : vector<16xf32>
      %select_n3A_862 = arith.select %lt3A_861, %sub3A_859, %select_n3A_853 : vector<16xi1>, vector<16xf32>
      %select_n3A_863 = arith.select %lt3A_861, %abs3A_860, %select_n3A_854 : vector<16xi1>, vector<16xf32>
      %add3A_864 = arith.constant -7 : i32
      %add3A_865 = arith.addi %add3A_733, %add3A_864 : i32
      %get3A_866 = arith.index_cast %add3A_865 : i32 to index
      %get3A_867 = tpu.vector_load %arg7[%get3A_866] {strides = array<i32>} : memref<32896xf32, #tpu.memory_space<vmem>>, vector<16xf32>,
      %sub3A_868 = arith.subf %get3A_731, %get3A_867 : vector<16xf32>
      %abs3A_869 = math.absf %sub3A_868 : vector<16xf32>
      %lt3A_870 = arith.cmpf olt, %abs3A_869, %select_n3A_863 : vector<16xf32>
      %select_n3A_871 = arith.select %lt3A_870, %sub3A_868, %select_n3A_862 : vector<16xi1>, vector<16xf32>
      %select_n3A_872 = arith.select %lt3A_870, %abs3A_869, %select_n3A_863 : vector<16xi1>, vector<16xf32>
      %add3A_873 = arith.constant -8 : i32
      %add3A_874 = arith.addi %add3A_733, %add3A_873 : i32
      %get3A_875 = arith.index_cast %add3A_874 : i32 to index
      %get3A_876 = tpu.vector_load %arg7[%get3A_875] {strides = array<i32>} : memref<32896xf32, #tpu.memory_space<vmem>>, vector<16xf32>,
      %sub3A_877 = arith.subf %get3A_731, %get3A_876 : vector<16xf32>
      %abs3A_878 = math.absf %sub3A_877 : vector<16xf32>
      %lt3A_879 = arith.cmpf olt, %abs3A_878, %select_n3A_872 : vector<16xf32>
      %select_n3A_880 = arith.select %lt3A_879, %sub3A_877, %select_n3A_871 : vector<16xi1>, vector<16xf32>
      %select_n3A_881 = arith.select %lt3A_879, %abs3A_878, %select_n3A_872 : vector<16xi1>, vector<16xf32>
      %swap3A_882 = arith.constant 3 : i32
      %swap3A_883 = arith.index_cast %swap3A_882 : i32 to index
      %swap3A_884 = arith.index_cast %mul3A_254 : i32 to index
      %swap3A_885 = tpu.vector_load %arg5[%swap3A_883, %swap3A_884] {strides = array<i32>} : memref<8x4096xf32, #tpu.memory_space<vmem>>, vector<16xf32>,
      tpu.vector_store %arg5[%swap3A_883, %swap3A_884], %select_n3A_880 {strides = array<i32>} : memref<8x4096xf32, #tpu.memory_space<vmem>>, vector<16xf32>,
      %get3A_886 = arith.constant 4 : i32
      %get3A_887 = arith.index_cast %get3A_886 : i32 to index
      %get3A_888 = arith.index_cast %mul3A_254 : i32 to index
      %get3A_889 = tpu.vector_load %arg6[%get3A_887, %get3A_888] {strides = array<i32>} : memref<8x4096xf32, #tpu.memory_space<vmem>>, vector<16xf32>,
      %add3A_890 = arith.constant 16456 : i32
      %add3A_891 = arith.addi %add3A_890, %mul3A_254 : i32
      %get3A_892 = arith.index_cast %add3A_891 : i32 to index
      %get3A_893 = tpu.vector_load %arg7[%get3A_892] {strides = array<i32>} : memref<32896xf32, #tpu.memory_space<vmem>>, vector<16xf32>,
      %sub3A_894 = arith.subf %get3A_889, %get3A_893 : vector<16xf32>
      %abs3A_895 = math.absf %sub3A_894 : vector<16xf32>
      %add3A_896 = arith.constant 1 : i32
      %add3A_897 = arith.addi %add3A_891, %add3A_896 : i32
      %get3A_898 = arith.index_cast %add3A_897 : i32 to index
      %get3A_899 = tpu.vector_load %arg7[%get3A_898] {strides = array<i32>} : memref<32896xf32, #tpu.memory_space<vmem>>, vector<16xf32>,
      %sub3A_900 = arith.subf %get3A_889, %get3A_899 : vector<16xf32>
      %abs3A_901 = math.absf %sub3A_900 : vector<16xf32>
      %lt3A_902 = arith.cmpf olt, %abs3A_901, %abs3A_895 : vector<16xf32>
      %select_n3A_903 = arith.select %lt3A_902, %sub3A_900, %sub3A_894 : vector<16xi1>, vector<16xf32>
      %select_n3A_904 = arith.select %lt3A_902, %abs3A_901, %abs3A_895 : vector<16xi1>, vector<16xf32>
      %add3A_905 = arith.constant 2 : i32
      %add3A_906 = arith.addi %add3A_891, %add3A_905 : i32
      %get3A_907 = arith.index_cast %add3A_906 : i32 to index
      %get3A_908 = tpu.vector_load %arg7[%get3A_907] {strides = array<i32>} : memref<32896xf32, #tpu.memory_space<vmem>>, vector<16xf32>,
      %sub3A_909 = arith.subf %get3A_889, %get3A_908 : vector<16xf32>
      %abs3A_910 = math.absf %sub3A_909 : vector<16xf32>
      %lt3A_911 = arith.cmpf olt, %abs3A_910, %select_n3A_904 : vector<16xf32>
      %select_n3A_912 = arith.select %lt3A_911, %sub3A_909, %select_n3A_903 : vector<16xi1>, vector<16xf32>
      %select_n3A_913 = arith.select %lt3A_911, %abs3A_910, %select_n3A_904 : vector<16xi1>, vector<16xf32>
      %add3A_914 = arith.constant 3 : i32
      %add3A_915 = arith.addi %add3A_891, %add3A_914 : i32
      %get3A_916 = arith.index_cast %add3A_915 : i32 to index
      %get3A_917 = tpu.vector_load %arg7[%get3A_916] {strides = array<i32>} : memref<32896xf32, #tpu.memory_space<vmem>>, vector<16xf32>,
      %sub3A_918 = arith.subf %get3A_889, %get3A_917 : vector<16xf32>
      %abs3A_919 = math.absf %sub3A_918 : vector<16xf32>
      %lt3A_920 = arith.cmpf olt, %abs3A_919, %select_n3A_913 : vector<16xf32>
      %select_n3A_921 = arith.select %lt3A_920, %sub3A_918, %select_n3A_912 : vector<16xi1>, vector<16xf32>
      %select_n3A_922 = arith.select %lt3A_920, %abs3A_919, %select_n3A_913 : vector<16xi1>, vector<16xf32>
      %add3A_923 = arith.constant 4 : i32
      %add3A_924 = arith.addi %add3A_891, %add3A_923 : i32
      %get3A_925 = arith.index_cast %add3A_924 : i32 to index
      %get3A_926 = tpu.vector_load %arg7[%get3A_925] {strides = array<i32>} : memref<32896xf32, #tpu.memory_space<vmem>>, vector<16xf32>,
      %sub3A_927 = arith.subf %get3A_889, %get3A_926 : vector<16xf32>
      %abs3A_928 = math.absf %sub3A_927 : vector<16xf32>
      %lt3A_929 = arith.cmpf olt, %abs3A_928, %select_n3A_922 : vector<16xf32>
      %select_n3A_930 = arith.select %lt3A_929, %sub3A_927, %select_n3A_921 : vector<16xi1>, vector<16xf32>
      %select_n3A_931 = arith.select %lt3A_929, %abs3A_928, %select_n3A_922 : vector<16xi1>, vector<16xf32>
      %add3A_932 = arith.constant 5 : i32
      %add3A_933 = arith.addi %add3A_891, %add3A_932 : i32
      %get3A_934 = arith.index_cast %add3A_933 : i32 to index
      %get3A_935 = tpu.vector_load %arg7[%get3A_934] {strides = array<i32>} : memref<32896xf32, #tpu.memory_space<vmem>>, vector<16xf32>,
      %sub3A_936 = arith.subf %get3A_889, %get3A_935 : vector<16xf32>
      %abs3A_937 = math.absf %sub3A_936 : vector<16xf32>
      %lt3A_938 = arith.cmpf olt, %abs3A_937, %select_n3A_931 : vector<16xf32>
      %select_n3A_939 = arith.select %lt3A_938, %sub3A_936, %select_n3A_930 : vector<16xi1>, vector<16xf32>
      %select_n3A_940 = arith.select %lt3A_938, %abs3A_937, %select_n3A_931 : vector<16xi1>, vector<16xf32>
      %add3A_941 = arith.constant 6 : i32
      %add3A_942 = arith.addi %add3A_891, %add3A_941 : i32
      %get3A_943 = arith.index_cast %add3A_942 : i32 to index
      %get3A_944 = tpu.vector_load %arg7[%get3A_943] {strides = array<i32>} : memref<32896xf32, #tpu.memory_space<vmem>>, vector<16xf32>,
      %sub3A_945 = arith.subf %get3A_889, %get3A_944 : vector<16xf32>
      %abs3A_946 = math.absf %sub3A_945 : vector<16xf32>
      %lt3A_947 = arith.cmpf olt, %abs3A_946, %select_n3A_940 : vector<16xf32>
      %select_n3A_948 = arith.select %lt3A_947, %sub3A_945, %select_n3A_939 : vector<16xi1>, vector<16xf32>
      %select_n3A_949 = arith.select %lt3A_947, %abs3A_946, %select_n3A_940 : vector<16xi1>, vector<16xf32>
      %add3A_950 = arith.constant 7 : i32
      %add3A_951 = arith.addi %add3A_891, %add3A_950 : i32
      %get3A_952 = arith.index_cast %add3A_951 : i32 to index
      %get3A_953 = tpu.vector_load %arg7[%get3A_952] {strides = array<i32>} : memref<32896xf32, #tpu.memory_space<vmem>>, vector<16xf32>,
      %sub3A_954 = arith.subf %get3A_889, %get3A_953 : vector<16xf32>
      %abs3A_955 = math.absf %sub3A_954 : vector<16xf32>
      %lt3A_956 = arith.cmpf olt, %abs3A_955, %select_n3A_949 : vector<16xf32>
      %select_n3A_957 = arith.select %lt3A_956, %sub3A_954, %select_n3A_948 : vector<16xi1>, vector<16xf32>
      %select_n3A_958 = arith.select %lt3A_956, %abs3A_955, %select_n3A_949 : vector<16xi1>, vector<16xf32>
      %add3A_959 = arith.constant 8 : i32
      %add3A_960 = arith.addi %add3A_891, %add3A_959 : i32
      %get3A_961 = arith.index_cast %add3A_960 : i32 to index
      %get3A_962 = tpu.vector_load %arg7[%get3A_961] {strides = array<i32>} : memref<32896xf32, #tpu.memory_space<vmem>>, vector<16xf32>,
      %sub3A_963 = arith.subf %get3A_889, %get3A_962 : vector<16xf32>
      %abs3A_964 = math.absf %sub3A_963 : vector<16xf32>
      %lt3A_965 = arith.cmpf olt, %abs3A_964, %select_n3A_958 : vector<16xf32>
      %select_n3A_966 = arith.select %lt3A_965, %sub3A_963, %select_n3A_957 : vector<16xi1>, vector<16xf32>
      %select_n3A_967 = arith.select %lt3A_965, %abs3A_964, %select_n3A_958 : vector<16xi1>, vector<16xf32>
      %add3A_968 = arith.constant -1 : i32
      %add3A_969 = arith.addi %add3A_891, %add3A_968 : i32
      %get3A_970 = arith.index_cast %add3A_969 : i32 to index
      %get3A_971 = tpu.vector_load %arg7[%get3A_970] {strides = array<i32>} : memref<32896xf32, #tpu.memory_space<vmem>>, vector<16xf32>,
      %sub3A_972 = arith.subf %get3A_889, %get3A_971 : vector<16xf32>
      %abs3A_973 = math.absf %sub3A_972 : vector<16xf32>
      %lt3A_974 = arith.cmpf olt, %abs3A_973, %select_n3A_967 : vector<16xf32>
      %select_n3A_975 = arith.select %lt3A_974, %sub3A_972, %select_n3A_966 : vector<16xi1>, vector<16xf32>
      %select_n3A_976 = arith.select %lt3A_974, %abs3A_973, %select_n3A_967 : vector<16xi1>, vector<16xf32>
      %add3A_977 = arith.constant -2 : i32
      %add3A_978 = arith.addi %add3A_891, %add3A_977 : i32
      %get3A_979 = arith.index_cast %add3A_978 : i32 to index
      %get3A_980 = tpu.vector_load %arg7[%get3A_979] {strides = array<i32>} : memref<32896xf32, #tpu.memory_space<vmem>>, vector<16xf32>,
      %sub3A_981 = arith.subf %get3A_889, %get3A_980 : vector<16xf32>
      %abs3A_982 = math.absf %sub3A_981 : vector<16xf32>
      %lt3A_983 = arith.cmpf olt, %abs3A_982, %select_n3A_976 : vector<16xf32>
      %select_n3A_984 = arith.select %lt3A_983, %sub3A_981, %select_n3A_975 : vector<16xi1>, vector<16xf32>
      %select_n3A_985 = arith.select %lt3A_983, %abs3A_982, %select_n3A_976 : vector<16xi1>, vector<16xf32>
      %add3A_986 = arith.constant -3 : i32
      %add3A_987 = arith.addi %add3A_891, %add3A_986 : i32
      %get3A_988 = arith.index_cast %add3A_987 : i32 to index
      %get3A_989 = tpu.vector_load %arg7[%get3A_988] {strides = array<i32>} : memref<32896xf32, #tpu.memory_space<vmem>>, vector<16xf32>,
      %sub3A_990 = arith.subf %get3A_889, %get3A_989 : vector<16xf32>
      %abs3A_991 = math.absf %sub3A_990 : vector<16xf32>
      %lt3A_992 = arith.cmpf olt, %abs3A_991, %select_n3A_985 : vector<16xf32>
      %select_n3A_993 = arith.select %lt3A_992, %sub3A_990, %select_n3A_984 : vector<16xi1>, vector<16xf32>
      %select_n3A_994 = arith.select %lt3A_992, %abs3A_991, %select_n3A_985 : vector<16xi1>, vector<16xf32>
      %add3A_995 = arith.constant -4 : i32
      %add3A_996 = arith.addi %add3A_891, %add3A_995 : i32
      %get3A_997 = arith.index_cast %add3A_996 : i32 to index
      %get3A_998 = tpu.vector_load %arg7[%get3A_997] {strides = array<i32>} : memref<32896xf32, #tpu.memory_space<vmem>>, vector<16xf32>,
      %sub3A_999 = arith.subf %get3A_889, %get3A_998 : vector<16xf32>
      %abs3A_1000 = math.absf %sub3A_999 : vector<16xf32>
      %lt3A_1001 = arith.cmpf olt, %abs3A_1000, %select_n3A_994 : vector<16xf32>
      %select_n3A_1002 = arith.select %lt3A_1001, %sub3A_999, %select_n3A_993 : vector<16xi1>, vector<16xf32>
      %select_n3A_1003 = arith.select %lt3A_1001, %abs3A_1000, %select_n3A_994 : vector<16xi1>, vector<16xf32>
      %add3A_1004 = arith.constant -5 : i32
      %add3A_1005 = arith.addi %add3A_891, %add3A_1004 : i32
      %get3A_1006 = arith.index_cast %add3A_1005 : i32 to index
      %get3A_1007 = tpu.vector_load %arg7[%get3A_1006] {strides = array<i32>} : memref<32896xf32, #tpu.memory_space<vmem>>, vector<16xf32>,
      %sub3A_1008 = arith.subf %get3A_889, %get3A_1007 : vector<16xf32>
      %abs3A_1009 = math.absf %sub3A_1008 : vector<16xf32>
      %lt3A_1010 = arith.cmpf olt, %abs3A_1009, %select_n3A_1003 : vector<16xf32>
      %select_n3A_1011 = arith.select %lt3A_1010, %sub3A_1008, %select_n3A_1002 : vector<16xi1>, vector<16xf32>
      %select_n3A_1012 = arith.select %lt3A_1010, %abs3A_1009, %select_n3A_1003 : vector<16xi1>, vector<16xf32>
      %add3A_1013 = arith.constant -6 : i32
      %add3A_1014 = arith.addi %add3A_891, %add3A_1013 : i32
      %get3A_1015 = arith.index_cast %add3A_1014 : i32 to index
      %get3A_1016 = tpu.vector_load %arg7[%get3A_1015] {strides = array<i32>} : memref<32896xf32, #tpu.memory_space<vmem>>, vector<16xf32>,
      %sub3A_1017 = arith.subf %get3A_889, %get3A_1016 : vector<16xf32>
      %abs3A_1018 = math.absf %sub3A_1017 : vector<16xf32>
      %lt3A_1019 = arith.cmpf olt, %abs3A_1018, %select_n3A_1012 : vector<16xf32>
      %select_n3A_1020 = arith.select %lt3A_1019, %sub3A_1017, %select_n3A_1011 : vector<16xi1>, vector<16xf32>
      %select_n3A_1021 = arith.select %lt3A_1019, %abs3A_1018, %select_n3A_1012 : vector<16xi1>, vector<16xf32>
      %add3A_1022 = arith.constant -7 : i32
      %add3A_1023 = arith.addi %add3A_891, %add3A_1022 : i32
      %get3A_1024 = arith.index_cast %add3A_1023 : i32 to index
      %get3A_1025 = tpu.vector_load %arg7[%get3A_1024] {strides = array<i32>} : memref<32896xf32, #tpu.memory_space<vmem>>, vector<16xf32>,
      %sub3A_1026 = arith.subf %get3A_889, %get3A_1025 : vector<16xf32>
      %abs3A_1027 = math.absf %sub3A_1026 : vector<16xf32>
      %lt3A_1028 = arith.cmpf olt, %abs3A_1027, %select_n3A_1021 : vector<16xf32>
      %select_n3A_1029 = arith.select %lt3A_1028, %sub3A_1026, %select_n3A_1020 : vector<16xi1>, vector<16xf32>
      %select_n3A_1030 = arith.select %lt3A_1028, %abs3A_1027, %select_n3A_1021 : vector<16xi1>, vector<16xf32>
      %add3A_1031 = arith.constant -8 : i32
      %add3A_1032 = arith.addi %add3A_891, %add3A_1031 : i32
      %get3A_1033 = arith.index_cast %add3A_1032 : i32 to index
      %get3A_1034 = tpu.vector_load %arg7[%get3A_1033] {strides = array<i32>} : memref<32896xf32, #tpu.memory_space<vmem>>, vector<16xf32>,
      %sub3A_1035 = arith.subf %get3A_889, %get3A_1034 : vector<16xf32>
      %abs3A_1036 = math.absf %sub3A_1035 : vector<16xf32>
      %lt3A_1037 = arith.cmpf olt, %abs3A_1036, %select_n3A_1030 : vector<16xf32>
      %select_n3A_1038 = arith.select %lt3A_1037, %sub3A_1035, %select_n3A_1029 : vector<16xi1>, vector<16xf32>
      %select_n3A_1039 = arith.select %lt3A_1037, %abs3A_1036, %select_n3A_1030 : vector<16xi1>, vector<16xf32>
      %swap3A_1040 = arith.constant 4 : i32
      %swap3A_1041 = arith.index_cast %swap3A_1040 : i32 to index
      %swap3A_1042 = arith.index_cast %mul3A_254 : i32 to index
      %swap3A_1043 = tpu.vector_load %arg5[%swap3A_1041, %swap3A_1042] {strides = array<i32>} : memref<8x4096xf32, #tpu.memory_space<vmem>>, vector<16xf32>,
      tpu.vector_store %arg5[%swap3A_1041, %swap3A_1042], %select_n3A_1038 {strides = array<i32>} : memref<8x4096xf32, #tpu.memory_space<vmem>>, vector<16xf32>,
      %get3A_1044 = arith.constant 5 : i32
      %get3A_1045 = arith.index_cast %get3A_1044 : i32 to index
      %get3A_1046 = arith.index_cast %mul3A_254 : i32 to index
      %get3A_1047 = tpu.vector_load %arg6[%get3A_1045, %get3A_1046] {strides = array<i32>} : memref<8x4096xf32, #tpu.memory_space<vmem>>, vector<16xf32>,
      %add3A_1048 = arith.constant 20568 : i32
      %add3A_1049 = arith.addi %add3A_1048, %mul3A_254 : i32
      %get3A_1050 = arith.index_cast %add3A_1049 : i32 to index
      %get3A_1051 = tpu.vector_load %arg7[%get3A_1050] {strides = array<i32>} : memref<32896xf32, #tpu.memory_space<vmem>>, vector<16xf32>,
      %sub3A_1052 = arith.subf %get3A_1047, %get3A_1051 : vector<16xf32>
      %abs3A_1053 = math.absf %sub3A_1052 : vector<16xf32>
      %add3A_1054 = arith.constant 1 : i32
      %add3A_1055 = arith.addi %add3A_1049, %add3A_1054 : i32
      %get3A_1056 = arith.index_cast %add3A_1055 : i32 to index
      %get3A_1057 = tpu.vector_load %arg7[%get3A_1056] {strides = array<i32>} : memref<32896xf32, #tpu.memory_space<vmem>>, vector<16xf32>,
      %sub3A_1058 = arith.subf %get3A_1047, %get3A_1057 : vector<16xf32>
      %abs3A_1059 = math.absf %sub3A_1058 : vector<16xf32>
      %lt3A_1060 = arith.cmpf olt, %abs3A_1059, %abs3A_1053 : vector<16xf32>
      %select_n3A_1061 = arith.select %lt3A_1060, %sub3A_1058, %sub3A_1052 : vector<16xi1>, vector<16xf32>
      %select_n3A_1062 = arith.select %lt3A_1060, %abs3A_1059, %abs3A_1053 : vector<16xi1>, vector<16xf32>
      %add3A_1063 = arith.constant 2 : i32
      %add3A_1064 = arith.addi %add3A_1049, %add3A_1063 : i32
      %get3A_1065 = arith.index_cast %add3A_1064 : i32 to index
      %get3A_1066 = tpu.vector_load %arg7[%get3A_1065] {strides = array<i32>} : memref<32896xf32, #tpu.memory_space<vmem>>, vector<16xf32>,
      %sub3A_1067 = arith.subf %get3A_1047, %get3A_1066 : vector<16xf32>
      %abs3A_1068 = math.absf %sub3A_1067 : vector<16xf32>
      %lt3A_1069 = arith.cmpf olt, %abs3A_1068, %select_n3A_1062 : vector<16xf32>
      %select_n3A_1070 = arith.select %lt3A_1069, %sub3A_1067, %select_n3A_1061 : vector<16xi1>, vector<16xf32>
      %select_n3A_1071 = arith.select %lt3A_1069, %abs3A_1068, %select_n3A_1062 : vector<16xi1>, vector<16xf32>
      %add3A_1072 = arith.constant 3 : i32
      %add3A_1073 = arith.addi %add3A_1049, %add3A_1072 : i32
      %get3A_1074 = arith.index_cast %add3A_1073 : i32 to index
      %get3A_1075 = tpu.vector_load %arg7[%get3A_1074] {strides = array<i32>} : memref<32896xf32, #tpu.memory_space<vmem>>, vector<16xf32>,
      %sub3A_1076 = arith.subf %get3A_1047, %get3A_1075 : vector<16xf32>
      %abs3A_1077 = math.absf %sub3A_1076 : vector<16xf32>
      %lt3A_1078 = arith.cmpf olt, %abs3A_1077, %select_n3A_1071 : vector<16xf32>
      %select_n3A_1079 = arith.select %lt3A_1078, %sub3A_1076, %select_n3A_1070 : vector<16xi1>, vector<16xf32>
      %select_n3A_1080 = arith.select %lt3A_1078, %abs3A_1077, %select_n3A_1071 : vector<16xi1>, vector<16xf32>
      %add3A_1081 = arith.constant 4 : i32
      %add3A_1082 = arith.addi %add3A_1049, %add3A_1081 : i32
      %get3A_1083 = arith.index_cast %add3A_1082 : i32 to index
      %get3A_1084 = tpu.vector_load %arg7[%get3A_1083] {strides = array<i32>} : memref<32896xf32, #tpu.memory_space<vmem>>, vector<16xf32>,
      %sub3A_1085 = arith.subf %get3A_1047, %get3A_1084 : vector<16xf32>
      %abs3A_1086 = math.absf %sub3A_1085 : vector<16xf32>
      %lt3A_1087 = arith.cmpf olt, %abs3A_1086, %select_n3A_1080 : vector<16xf32>
      %select_n3A_1088 = arith.select %lt3A_1087, %sub3A_1085, %select_n3A_1079 : vector<16xi1>, vector<16xf32>
      %select_n3A_1089 = arith.select %lt3A_1087, %abs3A_1086, %select_n3A_1080 : vector<16xi1>, vector<16xf32>
      %add3A_1090 = arith.constant 5 : i32
      %add3A_1091 = arith.addi %add3A_1049, %add3A_1090 : i32
      %get3A_1092 = arith.index_cast %add3A_1091 : i32 to index
      %get3A_1093 = tpu.vector_load %arg7[%get3A_1092] {strides = array<i32>} : memref<32896xf32, #tpu.memory_space<vmem>>, vector<16xf32>,
      %sub3A_1094 = arith.subf %get3A_1047, %get3A_1093 : vector<16xf32>
      %abs3A_1095 = math.absf %sub3A_1094 : vector<16xf32>
      %lt3A_1096 = arith.cmpf olt, %abs3A_1095, %select_n3A_1089 : vector<16xf32>
      %select_n3A_1097 = arith.select %lt3A_1096, %sub3A_1094, %select_n3A_1088 : vector<16xi1>, vector<16xf32>
      %select_n3A_1098 = arith.select %lt3A_1096, %abs3A_1095, %select_n3A_1089 : vector<16xi1>, vector<16xf32>
      %add3A_1099 = arith.constant 6 : i32
      %add3A_1100 = arith.addi %add3A_1049, %add3A_1099 : i32
      %get3A_1101 = arith.index_cast %add3A_1100 : i32 to index
      %get3A_1102 = tpu.vector_load %arg7[%get3A_1101] {strides = array<i32>} : memref<32896xf32, #tpu.memory_space<vmem>>, vector<16xf32>,
      %sub3A_1103 = arith.subf %get3A_1047, %get3A_1102 : vector<16xf32>
      %abs3A_1104 = math.absf %sub3A_1103 : vector<16xf32>
      %lt3A_1105 = arith.cmpf olt, %abs3A_1104, %select_n3A_1098 : vector<16xf32>
      %select_n3A_1106 = arith.select %lt3A_1105, %sub3A_1103, %select_n3A_1097 : vector<16xi1>, vector<16xf32>
      %select_n3A_1107 = arith.select %lt3A_1105, %abs3A_1104, %select_n3A_1098 : vector<16xi1>, vector<16xf32>
      %add3A_1108 = arith.constant 7 : i32
      %add3A_1109 = arith.addi %add3A_1049, %add3A_1108 : i32
      %get3A_1110 = arith.index_cast %add3A_1109 : i32 to index
      %get3A_1111 = tpu.vector_load %arg7[%get3A_1110] {strides = array<i32>} : memref<32896xf32, #tpu.memory_space<vmem>>, vector<16xf32>,
      %sub3A_1112 = arith.subf %get3A_1047, %get3A_1111 : vector<16xf32>
      %abs3A_1113 = math.absf %sub3A_1112 : vector<16xf32>
      %lt3A_1114 = arith.cmpf olt, %abs3A_1113, %select_n3A_1107 : vector<16xf32>
      %select_n3A_1115 = arith.select %lt3A_1114, %sub3A_1112, %select_n3A_1106 : vector<16xi1>, vector<16xf32>
      %select_n3A_1116 = arith.select %lt3A_1114, %abs3A_1113, %select_n3A_1107 : vector<16xi1>, vector<16xf32>
      %add3A_1117 = arith.constant 8 : i32
      %add3A_1118 = arith.addi %add3A_1049, %add3A_1117 : i32
      %get3A_1119 = arith.index_cast %add3A_1118 : i32 to index
      %get3A_1120 = tpu.vector_load %arg7[%get3A_1119] {strides = array<i32>} : memref<32896xf32, #tpu.memory_space<vmem>>, vector<16xf32>,
      %sub3A_1121 = arith.subf %get3A_1047, %get3A_1120 : vector<16xf32>
      %abs3A_1122 = math.absf %sub3A_1121 : vector<16xf32>
      %lt3A_1123 = arith.cmpf olt, %abs3A_1122, %select_n3A_1116 : vector<16xf32>
      %select_n3A_1124 = arith.select %lt3A_1123, %sub3A_1121, %select_n3A_1115 : vector<16xi1>, vector<16xf32>
      %select_n3A_1125 = arith.select %lt3A_1123, %abs3A_1122, %select_n3A_1116 : vector<16xi1>, vector<16xf32>
      %add3A_1126 = arith.constant -1 : i32
      %add3A_1127 = arith.addi %add3A_1049, %add3A_1126 : i32
      %get3A_1128 = arith.index_cast %add3A_1127 : i32 to index
      %get3A_1129 = tpu.vector_load %arg7[%get3A_1128] {strides = array<i32>} : memref<32896xf32, #tpu.memory_space<vmem>>, vector<16xf32>,
      %sub3A_1130 = arith.subf %get3A_1047, %get3A_1129 : vector<16xf32>
      %abs3A_1131 = math.absf %sub3A_1130 : vector<16xf32>
      %lt3A_1132 = arith.cmpf olt, %abs3A_1131, %select_n3A_1125 : vector<16xf32>
      %select_n3A_1133 = arith.select %lt3A_1132, %sub3A_1130, %select_n3A_1124 : vector<16xi1>, vector<16xf32>
      %select_n3A_1134 = arith.select %lt3A_1132, %abs3A_1131, %select_n3A_1125 : vector<16xi1>, vector<16xf32>
      %add3A_1135 = arith.constant -2 : i32
      %add3A_1136 = arith.addi %add3A_1049, %add3A_1135 : i32
      %get3A_1137 = arith.index_cast %add3A_1136 : i32 to index
      %get3A_1138 = tpu.vector_load %arg7[%get3A_1137] {strides = array<i32>} : memref<32896xf32, #tpu.memory_space<vmem>>, vector<16xf32>,
      %sub3A_1139 = arith.subf %get3A_1047, %get3A_1138 : vector<16xf32>
      %abs3A_1140 = math.absf %sub3A_1139 : vector<16xf32>
      %lt3A_1141 = arith.cmpf olt, %abs3A_1140, %select_n3A_1134 : vector<16xf32>
      %select_n3A_1142 = arith.select %lt3A_1141, %sub3A_1139, %select_n3A_1133 : vector<16xi1>, vector<16xf32>
      %select_n3A_1143 = arith.select %lt3A_1141, %abs3A_1140, %select_n3A_1134 : vector<16xi1>, vector<16xf32>
      %add3A_1144 = arith.constant -3 : i32
      %add3A_1145 = arith.addi %add3A_1049, %add3A_1144 : i32
      %get3A_1146 = arith.index_cast %add3A_1145 : i32 to index
      %get3A_1147 = tpu.vector_load %arg7[%get3A_1146] {strides = array<i32>} : memref<32896xf32, #tpu.memory_space<vmem>>, vector<16xf32>,
      %sub3A_1148 = arith.subf %get3A_1047, %get3A_1147 : vector<16xf32>
      %abs3A_1149 = math.absf %sub3A_1148 : vector<16xf32>
      %lt3A_1150 = arith.cmpf olt, %abs3A_1149, %select_n3A_1143 : vector<16xf32>
      %select_n3A_1151 = arith.select %lt3A_1150, %sub3A_1148, %select_n3A_1142 : vector<16xi1>, vector<16xf32>
      %select_n3A_1152 = arith.select %lt3A_1150, %abs3A_1149, %select_n3A_1143 : vector<16xi1>, vector<16xf32>
      %add3A_1153 = arith.constant -4 : i32
      %add3A_1154 = arith.addi %add3A_1049, %add3A_1153 : i32
      %get3A_1155 = arith.index_cast %add3A_1154 : i32 to index
      %get3A_1156 = tpu.vector_load %arg7[%get3A_1155] {strides = array<i32>} : memref<32896xf32, #tpu.memory_space<vmem>>, vector<16xf32>,
      %sub3A_1157 = arith.subf %get3A_1047, %get3A_1156 : vector<16xf32>
      %abs3A_1158 = math.absf %sub3A_1157 : vector<16xf32>
      %lt3A_1159 = arith.cmpf olt, %abs3A_1158, %select_n3A_1152 : vector<16xf32>
      %select_n3A_1160 = arith.select %lt3A_1159, %sub3A_1157, %select_n3A_1151 : vector<16xi1>, vector<16xf32>
      %select_n3A_1161 = arith.select %lt3A_1159, %abs3A_1158, %select_n3A_1152 : vector<16xi1>, vector<16xf32>
      %add3A_1162 = arith.constant -5 : i32
      %add3A_1163 = arith.addi %add3A_1049, %add3A_1162 : i32
      %get3A_1164 = arith.index_cast %add3A_1163 : i32 to index
      %get3A_1165 = tpu.vector_load %arg7[%get3A_1164] {strides = array<i32>} : memref<32896xf32, #tpu.memory_space<vmem>>, vector<16xf32>,
      %sub3A_1166 = arith.subf %get3A_1047, %get3A_1165 : vector<16xf32>
      %abs3A_1167 = math.absf %sub3A_1166 : vector<16xf32>
      %lt3A_1168 = arith.cmpf olt, %abs3A_1167, %select_n3A_1161 : vector<16xf32>
      %select_n3A_1169 = arith.select %lt3A_1168, %sub3A_1166, %select_n3A_1160 : vector<16xi1>, vector<16xf32>
      %select_n3A_1170 = arith.select %lt3A_1168, %abs3A_1167, %select_n3A_1161 : vector<16xi1>, vector<16xf32>
      %add3A_1171 = arith.constant -6 : i32
      %add3A_1172 = arith.addi %add3A_1049, %add3A_1171 : i32
      %get3A_1173 = arith.index_cast %add3A_1172 : i32 to index
      %get3A_1174 = tpu.vector_load %arg7[%get3A_1173] {strides = array<i32>} : memref<32896xf32, #tpu.memory_space<vmem>>, vector<16xf32>,
      %sub3A_1175 = arith.subf %get3A_1047, %get3A_1174 : vector<16xf32>
      %abs3A_1176 = math.absf %sub3A_1175 : vector<16xf32>
      %lt3A_1177 = arith.cmpf olt, %abs3A_1176, %select_n3A_1170 : vector<16xf32>
      %select_n3A_1178 = arith.select %lt3A_1177, %sub3A_1175, %select_n3A_1169 : vector<16xi1>, vector<16xf32>
      %select_n3A_1179 = arith.select %lt3A_1177, %abs3A_1176, %select_n3A_1170 : vector<16xi1>, vector<16xf32>
      %add3A_1180 = arith.constant -7 : i32
      %add3A_1181 = arith.addi %add3A_1049, %add3A_1180 : i32
      %get3A_1182 = arith.index_cast %add3A_1181 : i32 to index
      %get3A_1183 = tpu.vector_load %arg7[%get3A_1182] {strides = array<i32>} : memref<32896xf32, #tpu.memory_space<vmem>>, vector<16xf32>,
      %sub3A_1184 = arith.subf %get3A_1047, %get3A_1183 : vector<16xf32>
      %abs3A_1185 = math.absf %sub3A_1184 : vector<16xf32>
      %lt3A_1186 = arith.cmpf olt, %abs3A_1185, %select_n3A_1179 : vector<16xf32>
      %select_n3A_1187 = arith.select %lt3A_1186, %sub3A_1184, %select_n3A_1178 : vector<16xi1>, vector<16xf32>
      %select_n3A_1188 = arith.select %lt3A_1186, %abs3A_1185, %select_n3A_1179 : vector<16xi1>, vector<16xf32>
      %add3A_1189 = arith.constant -8 : i32
      %add3A_1190 = arith.addi %add3A_1049, %add3A_1189 : i32
      %get3A_1191 = arith.index_cast %add3A_1190 : i32 to index
      %get3A_1192 = tpu.vector_load %arg7[%get3A_1191] {strides = array<i32>} : memref<32896xf32, #tpu.memory_space<vmem>>, vector<16xf32>,
      %sub3A_1193 = arith.subf %get3A_1047, %get3A_1192 : vector<16xf32>
      %abs3A_1194 = math.absf %sub3A_1193 : vector<16xf32>
      %lt3A_1195 = arith.cmpf olt, %abs3A_1194, %select_n3A_1188 : vector<16xf32>
      %select_n3A_1196 = arith.select %lt3A_1195, %sub3A_1193, %select_n3A_1187 : vector<16xi1>, vector<16xf32>
      %select_n3A_1197 = arith.select %lt3A_1195, %abs3A_1194, %select_n3A_1188 : vector<16xi1>, vector<16xf32>
      %swap3A_1198 = arith.constant 5 : i32
      %swap3A_1199 = arith.index_cast %swap3A_1198 : i32 to index
      %swap3A_1200 = arith.index_cast %mul3A_254 : i32 to index
      %swap3A_1201 = tpu.vector_load %arg5[%swap3A_1199, %swap3A_1200] {strides = array<i32>} : memref<8x4096xf32, #tpu.memory_space<vmem>>, vector<16xf32>,
      tpu.vector_store %arg5[%swap3A_1199, %swap3A_1200], %select_n3A_1196 {strides = array<i32>} : memref<8x4096xf32, #tpu.memory_space<vmem>>, vector<16xf32>,
      %get3A_1202 = arith.constant 6 : i32
      %get3A_1203 = arith.index_cast %get3A_1202 : i32 to index
      %get3A_1204 = arith.index_cast %mul3A_254 : i32 to index
      %get3A_1205 = tpu.vector_load %arg6[%get3A_1203, %get3A_1204] {strides = array<i32>} : memref<8x4096xf32, #tpu.memory_space<vmem>>, vector<16xf32>,
      %add3A_1206 = arith.constant 24680 : i32
      %add3A_1207 = arith.addi %add3A_1206, %mul3A_254 : i32
      %get3A_1208 = arith.index_cast %add3A_1207 : i32 to index
      %get3A_1209 = tpu.vector_load %arg7[%get3A_1208] {strides = array<i32>} : memref<32896xf32, #tpu.memory_space<vmem>>, vector<16xf32>,
      %sub3A_1210 = arith.subf %get3A_1205, %get3A_1209 : vector<16xf32>
      %abs3A_1211 = math.absf %sub3A_1210 : vector<16xf32>
      %add3A_1212 = arith.constant 1 : i32
      %add3A_1213 = arith.addi %add3A_1207, %add3A_1212 : i32
      %get3A_1214 = arith.index_cast %add3A_1213 : i32 to index
      %get3A_1215 = tpu.vector_load %arg7[%get3A_1214] {strides = array<i32>} : memref<32896xf32, #tpu.memory_space<vmem>>, vector<16xf32>,
      %sub3A_1216 = arith.subf %get3A_1205, %get3A_1215 : vector<16xf32>
      %abs3A_1217 = math.absf %sub3A_1216 : vector<16xf32>
      %lt3A_1218 = arith.cmpf olt, %abs3A_1217, %abs3A_1211 : vector<16xf32>
      %select_n3A_1219 = arith.select %lt3A_1218, %sub3A_1216, %sub3A_1210 : vector<16xi1>, vector<16xf32>
      %select_n3A_1220 = arith.select %lt3A_1218, %abs3A_1217, %abs3A_1211 : vector<16xi1>, vector<16xf32>
      %add3A_1221 = arith.constant 2 : i32
      %add3A_1222 = arith.addi %add3A_1207, %add3A_1221 : i32
      %get3A_1223 = arith.index_cast %add3A_1222 : i32 to index
      %get3A_1224 = tpu.vector_load %arg7[%get3A_1223] {strides = array<i32>} : memref<32896xf32, #tpu.memory_space<vmem>>, vector<16xf32>,
      %sub3A_1225 = arith.subf %get3A_1205, %get3A_1224 : vector<16xf32>
      %abs3A_1226 = math.absf %sub3A_1225 : vector<16xf32>
      %lt3A_1227 = arith.cmpf olt, %abs3A_1226, %select_n3A_1220 : vector<16xf32>
      %select_n3A_1228 = arith.select %lt3A_1227, %sub3A_1225, %select_n3A_1219 : vector<16xi1>, vector<16xf32>
      %select_n3A_1229 = arith.select %lt3A_1227, %abs3A_1226, %select_n3A_1220 : vector<16xi1>, vector<16xf32>
      %add3A_1230 = arith.constant 3 : i32
      %add3A_1231 = arith.addi %add3A_1207, %add3A_1230 : i32
      %get3A_1232 = arith.index_cast %add3A_1231 : i32 to index
      %get3A_1233 = tpu.vector_load %arg7[%get3A_1232] {strides = array<i32>} : memref<32896xf32, #tpu.memory_space<vmem>>, vector<16xf32>,
      %sub3A_1234 = arith.subf %get3A_1205, %get3A_1233 : vector<16xf32>
      %abs3A_1235 = math.absf %sub3A_1234 : vector<16xf32>
      %lt3A_1236 = arith.cmpf olt, %abs3A_1235, %select_n3A_1229 : vector<16xf32>
      %select_n3A_1237 = arith.select %lt3A_1236, %sub3A_1234, %select_n3A_1228 : vector<16xi1>, vector<16xf32>
      %select_n3A_1238 = arith.select %lt3A_1236, %abs3A_1235, %select_n3A_1229 : vector<16xi1>, vector<16xf32>
      %add3A_1239 = arith.constant 4 : i32
      %add3A_1240 = arith.addi %add3A_1207, %add3A_1239 : i32
      %get3A_1241 = arith.index_cast %add3A_1240 : i32 to index
      %get3A_1242 = tpu.vector_load %arg7[%get3A_1241] {strides = array<i32>} : memref<32896xf32, #tpu.memory_space<vmem>>, vector<16xf32>,
      %sub3A_1243 = arith.subf %get3A_1205, %get3A_1242 : vector<16xf32>
      %abs3A_1244 = math.absf %sub3A_1243 : vector<16xf32>
      %lt3A_1245 = arith.cmpf olt, %abs3A_1244, %select_n3A_1238 : vector<16xf32>
      %select_n3A_1246 = arith.select %lt3A_1245, %sub3A_1243, %select_n3A_1237 : vector<16xi1>, vector<16xf32>
      %select_n3A_1247 = arith.select %lt3A_1245, %abs3A_1244, %select_n3A_1238 : vector<16xi1>, vector<16xf32>
      %add3A_1248 = arith.constant 5 : i32
      %add3A_1249 = arith.addi %add3A_1207, %add3A_1248 : i32
      %get3A_1250 = arith.index_cast %add3A_1249 : i32 to index
      %get3A_1251 = tpu.vector_load %arg7[%get3A_1250] {strides = array<i32>} : memref<32896xf32, #tpu.memory_space<vmem>>, vector<16xf32>,
      %sub3A_1252 = arith.subf %get3A_1205, %get3A_1251 : vector<16xf32>
      %abs3A_1253 = math.absf %sub3A_1252 : vector<16xf32>
      %lt3A_1254 = arith.cmpf olt, %abs3A_1253, %select_n3A_1247 : vector<16xf32>
      %select_n3A_1255 = arith.select %lt3A_1254, %sub3A_1252, %select_n3A_1246 : vector<16xi1>, vector<16xf32>
      %select_n3A_1256 = arith.select %lt3A_1254, %abs3A_1253, %select_n3A_1247 : vector<16xi1>, vector<16xf32>
      %add3A_1257 = arith.constant 6 : i32
      %add3A_1258 = arith.addi %add3A_1207, %add3A_1257 : i32
      %get3A_1259 = arith.index_cast %add3A_1258 : i32 to index
      %get3A_1260 = tpu.vector_load %arg7[%get3A_1259] {strides = array<i32>} : memref<32896xf32, #tpu.memory_space<vmem>>, vector<16xf32>,
      %sub3A_1261 = arith.subf %get3A_1205, %get3A_1260 : vector<16xf32>
      %abs3A_1262 = math.absf %sub3A_1261 : vector<16xf32>
      %lt3A_1263 = arith.cmpf olt, %abs3A_1262, %select_n3A_1256 : vector<16xf32>
      %select_n3A_1264 = arith.select %lt3A_1263, %sub3A_1261, %select_n3A_1255 : vector<16xi1>, vector<16xf32>
      %select_n3A_1265 = arith.select %lt3A_1263, %abs3A_1262, %select_n3A_1256 : vector<16xi1>, vector<16xf32>
      %add3A_1266 = arith.constant 7 : i32
      %add3A_1267 = arith.addi %add3A_1207, %add3A_1266 : i32
      %get3A_1268 = arith.index_cast %add3A_1267 : i32 to index
      %get3A_1269 = tpu.vector_load %arg7[%get3A_1268] {strides = array<i32>} : memref<32896xf32, #tpu.memory_space<vmem>>, vector<16xf32>,
      %sub3A_1270 = arith.subf %get3A_1205, %get3A_1269 : vector<16xf32>
      %abs3A_1271 = math.absf %sub3A_1270 : vector<16xf32>
      %lt3A_1272 = arith.cmpf olt, %abs3A_1271, %select_n3A_1265 : vector<16xf32>
      %select_n3A_1273 = arith.select %lt3A_1272, %sub3A_1270, %select_n3A_1264 : vector<16xi1>, vector<16xf32>
      %select_n3A_1274 = arith.select %lt3A_1272, %abs3A_1271, %select_n3A_1265 : vector<16xi1>, vector<16xf32>
      %add3A_1275 = arith.constant 8 : i32
      %add3A_1276 = arith.addi %add3A_1207, %add3A_1275 : i32
      %get3A_1277 = arith.index_cast %add3A_1276 : i32 to index
      %get3A_1278 = tpu.vector_load %arg7[%get3A_1277] {strides = array<i32>} : memref<32896xf32, #tpu.memory_space<vmem>>, vector<16xf32>,
      %sub3A_1279 = arith.subf %get3A_1205, %get3A_1278 : vector<16xf32>
      %abs3A_1280 = math.absf %sub3A_1279 : vector<16xf32>
      %lt3A_1281 = arith.cmpf olt, %abs3A_1280, %select_n3A_1274 : vector<16xf32>
      %select_n3A_1282 = arith.select %lt3A_1281, %sub3A_1279, %select_n3A_1273 : vector<16xi1>, vector<16xf32>
      %select_n3A_1283 = arith.select %lt3A_1281, %abs3A_1280, %select_n3A_1274 : vector<16xi1>, vector<16xf32>
      %add3A_1284 = arith.constant -1 : i32
      %add3A_1285 = arith.addi %add3A_1207, %add3A_1284 : i32
      %get3A_1286 = arith.index_cast %add3A_1285 : i32 to index
      %get3A_1287 = tpu.vector_load %arg7[%get3A_1286] {strides = array<i32>} : memref<32896xf32, #tpu.memory_space<vmem>>, vector<16xf32>,
      %sub3A_1288 = arith.subf %get3A_1205, %get3A_1287 : vector<16xf32>
      %abs3A_1289 = math.absf %sub3A_1288 : vector<16xf32>
      %lt3A_1290 = arith.cmpf olt, %abs3A_1289, %select_n3A_1283 : vector<16xf32>
      %select_n3A_1291 = arith.select %lt3A_1290, %sub3A_1288, %select_n3A_1282 : vector<16xi1>, vector<16xf32>
      %select_n3A_1292 = arith.select %lt3A_1290, %abs3A_1289, %select_n3A_1283 : vector<16xi1>, vector<16xf32>
      %add3A_1293 = arith.constant -2 : i32
      %add3A_1294 = arith.addi %add3A_1207, %add3A_1293 : i32
      %get3A_1295 = arith.index_cast %add3A_1294 : i32 to index
      %get3A_1296 = tpu.vector_load %arg7[%get3A_1295] {strides = array<i32>} : memref<32896xf32, #tpu.memory_space<vmem>>, vector<16xf32>,
      %sub3A_1297 = arith.subf %get3A_1205, %get3A_1296 : vector<16xf32>
      %abs3A_1298 = math.absf %sub3A_1297 : vector<16xf32>
      %lt3A_1299 = arith.cmpf olt, %abs3A_1298, %select_n3A_1292 : vector<16xf32>
      %select_n3A_1300 = arith.select %lt3A_1299, %sub3A_1297, %select_n3A_1291 : vector<16xi1>, vector<16xf32>
      %select_n3A_1301 = arith.select %lt3A_1299, %abs3A_1298, %select_n3A_1292 : vector<16xi1>, vector<16xf32>
      %add3A_1302 = arith.constant -3 : i32
      %add3A_1303 = arith.addi %add3A_1207, %add3A_1302 : i32
      %get3A_1304 = arith.index_cast %add3A_1303 : i32 to index
      %get3A_1305 = tpu.vector_load %arg7[%get3A_1304] {strides = array<i32>} : memref<32896xf32, #tpu.memory_space<vmem>>, vector<16xf32>,
      %sub3A_1306 = arith.subf %get3A_1205, %get3A_1305 : vector<16xf32>
      %abs3A_1307 = math.absf %sub3A_1306 : vector<16xf32>
      %lt3A_1308 = arith.cmpf olt, %abs3A_1307, %select_n3A_1301 : vector<16xf32>
      %select_n3A_1309 = arith.select %lt3A_1308, %sub3A_1306, %select_n3A_1300 : vector<16xi1>, vector<16xf32>
      %select_n3A_1310 = arith.select %lt3A_1308, %abs3A_1307, %select_n3A_1301 : vector<16xi1>, vector<16xf32>
      %add3A_1311 = arith.constant -4 : i32
      %add3A_1312 = arith.addi %add3A_1207, %add3A_1311 : i32
      %get3A_1313 = arith.index_cast %add3A_1312 : i32 to index
      %get3A_1314 = tpu.vector_load %arg7[%get3A_1313] {strides = array<i32>} : memref<32896xf32, #tpu.memory_space<vmem>>, vector<16xf32>,
      %sub3A_1315 = arith.subf %get3A_1205, %get3A_1314 : vector<16xf32>
      %abs3A_1316 = math.absf %sub3A_1315 : vector<16xf32>
      %lt3A_1317 = arith.cmpf olt, %abs3A_1316, %select_n3A_1310 : vector<16xf32>
      %select_n3A_1318 = arith.select %lt3A_1317, %sub3A_1315, %select_n3A_1309 : vector<16xi1>, vector<16xf32>
      %select_n3A_1319 = arith.select %lt3A_1317, %abs3A_1316, %select_n3A_1310 : vector<16xi1>, vector<16xf32>
      %add3A_1320 = arith.constant -5 : i32
      %add3A_1321 = arith.addi %add3A_1207, %add3A_1320 : i32
      %get3A_1322 = arith.index_cast %add3A_1321 : i32 to index
      %get3A_1323 = tpu.vector_load %arg7[%get3A_1322] {strides = array<i32>} : memref<32896xf32, #tpu.memory_space<vmem>>, vector<16xf32>,
      %sub3A_1324 = arith.subf %get3A_1205, %get3A_1323 : vector<16xf32>
      %abs3A_1325 = math.absf %sub3A_1324 : vector<16xf32>
      %lt3A_1326 = arith.cmpf olt, %abs3A_1325, %select_n3A_1319 : vector<16xf32>
      %select_n3A_1327 = arith.select %lt3A_1326, %sub3A_1324, %select_n3A_1318 : vector<16xi1>, vector<16xf32>
      %select_n3A_1328 = arith.select %lt3A_1326, %abs3A_1325, %select_n3A_1319 : vector<16xi1>, vector<16xf32>
      %add3A_1329 = arith.constant -6 : i32
      %add3A_1330 = arith.addi %add3A_1207, %add3A_1329 : i32
      %get3A_1331 = arith.index_cast %add3A_1330 : i32 to index
      %get3A_1332 = tpu.vector_load %arg7[%get3A_1331] {strides = array<i32>} : memref<32896xf32, #tpu.memory_space<vmem>>, vector<16xf32>,
      %sub3A_1333 = arith.subf %get3A_1205, %get3A_1332 : vector<16xf32>
      %abs3A_1334 = math.absf %sub3A_1333 : vector<16xf32>
      %lt3A_1335 = arith.cmpf olt, %abs3A_1334, %select_n3A_1328 : vector<16xf32>
      %select_n3A_1336 = arith.select %lt3A_1335, %sub3A_1333, %select_n3A_1327 : vector<16xi1>, vector<16xf32>
      %select_n3A_1337 = arith.select %lt3A_1335, %abs3A_1334, %select_n3A_1328 : vector<16xi1>, vector<16xf32>
      %add3A_1338 = arith.constant -7 : i32
      %add3A_1339 = arith.addi %add3A_1207, %add3A_1338 : i32
      %get3A_1340 = arith.index_cast %add3A_1339 : i32 to index
      %get3A_1341 = tpu.vector_load %arg7[%get3A_1340] {strides = array<i32>} : memref<32896xf32, #tpu.memory_space<vmem>>, vector<16xf32>,
      %sub3A_1342 = arith.subf %get3A_1205, %get3A_1341 : vector<16xf32>
      %abs3A_1343 = math.absf %sub3A_1342 : vector<16xf32>
      %lt3A_1344 = arith.cmpf olt, %abs3A_1343, %select_n3A_1337 : vector<16xf32>
      %select_n3A_1345 = arith.select %lt3A_1344, %sub3A_1342, %select_n3A_1336 : vector<16xi1>, vector<16xf32>
      %select_n3A_1346 = arith.select %lt3A_1344, %abs3A_1343, %select_n3A_1337 : vector<16xi1>, vector<16xf32>
      %add3A_1347 = arith.constant -8 : i32
      %add3A_1348 = arith.addi %add3A_1207, %add3A_1347 : i32
      %get3A_1349 = arith.index_cast %add3A_1348 : i32 to index
      %get3A_1350 = tpu.vector_load %arg7[%get3A_1349] {strides = array<i32>} : memref<32896xf32, #tpu.memory_space<vmem>>, vector<16xf32>,
      %sub3A_1351 = arith.subf %get3A_1205, %get3A_1350 : vector<16xf32>
      %abs3A_1352 = math.absf %sub3A_1351 : vector<16xf32>
      %lt3A_1353 = arith.cmpf olt, %abs3A_1352, %select_n3A_1346 : vector<16xf32>
      %select_n3A_1354 = arith.select %lt3A_1353, %sub3A_1351, %select_n3A_1345 : vector<16xi1>, vector<16xf32>
      %select_n3A_1355 = arith.select %lt3A_1353, %abs3A_1352, %select_n3A_1346 : vector<16xi1>, vector<16xf32>
      %swap3A_1356 = arith.constant 6 : i32
      %swap3A_1357 = arith.index_cast %swap3A_1356 : i32 to index
      %swap3A_1358 = arith.index_cast %mul3A_254 : i32 to index
      %swap3A_1359 = tpu.vector_load %arg5[%swap3A_1357, %swap3A_1358] {strides = array<i32>} : memref<8x4096xf32, #tpu.memory_space<vmem>>, vector<16xf32>,
      tpu.vector_store %arg5[%swap3A_1357, %swap3A_1358], %select_n3A_1354 {strides = array<i32>} : memref<8x4096xf32, #tpu.memory_space<vmem>>, vector<16xf32>,
      %get3A_1360 = arith.constant 7 : i32
      %get3A_1361 = arith.index_cast %get3A_1360 : i32 to index
      %get3A_1362 = arith.index_cast %mul3A_254 : i32 to index
      %get3A_1363 = tpu.vector_load %arg6[%get3A_1361, %get3A_1362] {strides = array<i32>} : memref<8x4096xf32, #tpu.memory_space<vmem>>, vector<16xf32>,
      %add3A_1364 = arith.constant 28792 : i32
      %add3A_1365 = arith.addi %add3A_1364, %mul3A_254 : i32
      %get3A_1366 = arith.index_cast %add3A_1365 : i32 to index
      %get3A_1367 = tpu.vector_load %arg7[%get3A_1366] {strides = array<i32>} : memref<32896xf32, #tpu.memory_space<vmem>>, vector<16xf32>,
      %sub3A_1368 = arith.subf %get3A_1363, %get3A_1367 : vector<16xf32>
      %abs3A_1369 = math.absf %sub3A_1368 : vector<16xf32>
      %add3A_1370 = arith.constant 1 : i32
      %add3A_1371 = arith.addi %add3A_1365, %add3A_1370 : i32
      %get3A_1372 = arith.index_cast %add3A_1371 : i32 to index
      %get3A_1373 = tpu.vector_load %arg7[%get3A_1372] {strides = array<i32>} : memref<32896xf32, #tpu.memory_space<vmem>>, vector<16xf32>,
      %sub3A_1374 = arith.subf %get3A_1363, %get3A_1373 : vector<16xf32>
      %abs3A_1375 = math.absf %sub3A_1374 : vector<16xf32>
      %lt3A_1376 = arith.cmpf olt, %abs3A_1375, %abs3A_1369 : vector<16xf32>
      %select_n3A_1377 = arith.select %lt3A_1376, %sub3A_1374, %sub3A_1368 : vector<16xi1>, vector<16xf32>
      %select_n3A_1378 = arith.select %lt3A_1376, %abs3A_1375, %abs3A_1369 : vector<16xi1>, vector<16xf32>
      %add3A_1379 = arith.constant 2 : i32
      %add3A_1380 = arith.addi %add3A_1365, %add3A_1379 : i32
      %get3A_1381 = arith.index_cast %add3A_1380 : i32 to index
      %get3A_1382 = tpu.vector_load %arg7[%get3A_1381] {strides = array<i32>} : memref<32896xf32, #tpu.memory_space<vmem>>, vector<16xf32>,
      %sub3A_1383 = arith.subf %get3A_1363, %get3A_1382 : vector<16xf32>
      %abs3A_1384 = math.absf %sub3A_1383 : vector<16xf32>
      %lt3A_1385 = arith.cmpf olt, %abs3A_1384, %select_n3A_1378 : vector<16xf32>
      %select_n3A_1386 = arith.select %lt3A_1385, %sub3A_1383, %select_n3A_1377 : vector<16xi1>, vector<16xf32>
      %select_n3A_1387 = arith.select %lt3A_1385, %abs3A_1384, %select_n3A_1378 : vector<16xi1>, vector<16xf32>
      %add3A_1388 = arith.constant 3 : i32
      %add3A_1389 = arith.addi %add3A_1365, %add3A_1388 : i32
      %get3A_1390 = arith.index_cast %add3A_1389 : i32 to index
      %get3A_1391 = tpu.vector_load %arg7[%get3A_1390] {strides = array<i32>} : memref<32896xf32, #tpu.memory_space<vmem>>, vector<16xf32>,
      %sub3A_1392 = arith.subf %get3A_1363, %get3A_1391 : vector<16xf32>
      %abs3A_1393 = math.absf %sub3A_1392 : vector<16xf32>
      %lt3A_1394 = arith.cmpf olt, %abs3A_1393, %select_n3A_1387 : vector<16xf32>
      %select_n3A_1395 = arith.select %lt3A_1394, %sub3A_1392, %select_n3A_1386 : vector<16xi1>, vector<16xf32>
      %select_n3A_1396 = arith.select %lt3A_1394, %abs3A_1393, %select_n3A_1387 : vector<16xi1>, vector<16xf32>
      %add3A_1397 = arith.constant 4 : i32
      %add3A_1398 = arith.addi %add3A_1365, %add3A_1397 : i32
      %get3A_1399 = arith.index_cast %add3A_1398 : i32 to index
      %get3A_1400 = tpu.vector_load %arg7[%get3A_1399] {strides = array<i32>} : memref<32896xf32, #tpu.memory_space<vmem>>, vector<16xf32>,
      %sub3A_1401 = arith.subf %get3A_1363, %get3A_1400 : vector<16xf32>
      %abs3A_1402 = math.absf %sub3A_1401 : vector<16xf32>
      %lt3A_1403 = arith.cmpf olt, %abs3A_1402, %select_n3A_1396 : vector<16xf32>
      %select_n3A_1404 = arith.select %lt3A_1403, %sub3A_1401, %select_n3A_1395 : vector<16xi1>, vector<16xf32>
      %select_n3A_1405 = arith.select %lt3A_1403, %abs3A_1402, %select_n3A_1396 : vector<16xi1>, vector<16xf32>
      %add3A_1406 = arith.constant 5 : i32
      %add3A_1407 = arith.addi %add3A_1365, %add3A_1406 : i32
      %get3A_1408 = arith.index_cast %add3A_1407 : i32 to index
      %get3A_1409 = tpu.vector_load %arg7[%get3A_1408] {strides = array<i32>} : memref<32896xf32, #tpu.memory_space<vmem>>, vector<16xf32>,
      %sub3A_1410 = arith.subf %get3A_1363, %get3A_1409 : vector<16xf32>
      %abs3A_1411 = math.absf %sub3A_1410 : vector<16xf32>
      %lt3A_1412 = arith.cmpf olt, %abs3A_1411, %select_n3A_1405 : vector<16xf32>
      %select_n3A_1413 = arith.select %lt3A_1412, %sub3A_1410, %select_n3A_1404 : vector<16xi1>, vector<16xf32>
      %select_n3A_1414 = arith.select %lt3A_1412, %abs3A_1411, %select_n3A_1405 : vector<16xi1>, vector<16xf32>
      %add3A_1415 = arith.constant 6 : i32
      %add3A_1416 = arith.addi %add3A_1365, %add3A_1415 : i32
      %get3A_1417 = arith.index_cast %add3A_1416 : i32 to index
      %get3A_1418 = tpu.vector_load %arg7[%get3A_1417] {strides = array<i32>} : memref<32896xf32, #tpu.memory_space<vmem>>, vector<16xf32>,
      %sub3A_1419 = arith.subf %get3A_1363, %get3A_1418 : vector<16xf32>
      %abs3A_1420 = math.absf %sub3A_1419 : vector<16xf32>
      %lt3A_1421 = arith.cmpf olt, %abs3A_1420, %select_n3A_1414 : vector<16xf32>
      %select_n3A_1422 = arith.select %lt3A_1421, %sub3A_1419, %select_n3A_1413 : vector<16xi1>, vector<16xf32>
      %select_n3A_1423 = arith.select %lt3A_1421, %abs3A_1420, %select_n3A_1414 : vector<16xi1>, vector<16xf32>
      %add3A_1424 = arith.constant 7 : i32
      %add3A_1425 = arith.addi %add3A_1365, %add3A_1424 : i32
      %get3A_1426 = arith.index_cast %add3A_1425 : i32 to index
      %get3A_1427 = tpu.vector_load %arg7[%get3A_1426] {strides = array<i32>} : memref<32896xf32, #tpu.memory_space<vmem>>, vector<16xf32>,
      %sub3A_1428 = arith.subf %get3A_1363, %get3A_1427 : vector<16xf32>
      %abs3A_1429 = math.absf %sub3A_1428 : vector<16xf32>
      %lt3A_1430 = arith.cmpf olt, %abs3A_1429, %select_n3A_1423 : vector<16xf32>
      %select_n3A_1431 = arith.select %lt3A_1430, %sub3A_1428, %select_n3A_1422 : vector<16xi1>, vector<16xf32>
      %select_n3A_1432 = arith.select %lt3A_1430, %abs3A_1429, %select_n3A_1423 : vector<16xi1>, vector<16xf32>
      %add3A_1433 = arith.constant 8 : i32
      %add3A_1434 = arith.addi %add3A_1365, %add3A_1433 : i32
      %get3A_1435 = arith.index_cast %add3A_1434 : i32 to index
      %get3A_1436 = tpu.vector_load %arg7[%get3A_1435] {strides = array<i32>} : memref<32896xf32, #tpu.memory_space<vmem>>, vector<16xf32>,
      %sub3A_1437 = arith.subf %get3A_1363, %get3A_1436 : vector<16xf32>
      %abs3A_1438 = math.absf %sub3A_1437 : vector<16xf32>
      %lt3A_1439 = arith.cmpf olt, %abs3A_1438, %select_n3A_1432 : vector<16xf32>
      %select_n3A_1440 = arith.select %lt3A_1439, %sub3A_1437, %select_n3A_1431 : vector<16xi1>, vector<16xf32>
      %select_n3A_1441 = arith.select %lt3A_1439, %abs3A_1438, %select_n3A_1432 : vector<16xi1>, vector<16xf32>
      %add3A_1442 = arith.constant -1 : i32
      %add3A_1443 = arith.addi %add3A_1365, %add3A_1442 : i32
      %get3A_1444 = arith.index_cast %add3A_1443 : i32 to index
      %get3A_1445 = tpu.vector_load %arg7[%get3A_1444] {strides = array<i32>} : memref<32896xf32, #tpu.memory_space<vmem>>, vector<16xf32>,
      %sub3A_1446 = arith.subf %get3A_1363, %get3A_1445 : vector<16xf32>
      %abs3A_1447 = math.absf %sub3A_1446 : vector<16xf32>
      %lt3A_1448 = arith.cmpf olt, %abs3A_1447, %select_n3A_1441 : vector<16xf32>
      %select_n3A_1449 = arith.select %lt3A_1448, %sub3A_1446, %select_n3A_1440 : vector<16xi1>, vector<16xf32>
      %select_n3A_1450 = arith.select %lt3A_1448, %abs3A_1447, %select_n3A_1441 : vector<16xi1>, vector<16xf32>
      %add3A_1451 = arith.constant -2 : i32
      %add3A_1452 = arith.addi %add3A_1365, %add3A_1451 : i32
      %get3A_1453 = arith.index_cast %add3A_1452 : i32 to index
      %get3A_1454 = tpu.vector_load %arg7[%get3A_1453] {strides = array<i32>} : memref<32896xf32, #tpu.memory_space<vmem>>, vector<16xf32>,
      %sub3A_1455 = arith.subf %get3A_1363, %get3A_1454 : vector<16xf32>
      %abs3A_1456 = math.absf %sub3A_1455 : vector<16xf32>
      %lt3A_1457 = arith.cmpf olt, %abs3A_1456, %select_n3A_1450 : vector<16xf32>
      %select_n3A_1458 = arith.select %lt3A_1457, %sub3A_1455, %select_n3A_1449 : vector<16xi1>, vector<16xf32>
      %select_n3A_1459 = arith.select %lt3A_1457, %abs3A_1456, %select_n3A_1450 : vector<16xi1>, vector<16xf32>
      %add3A_1460 = arith.constant -3 : i32
      %add3A_1461 = arith.addi %add3A_1365, %add3A_1460 : i32
      %get3A_1462 = arith.index_cast %add3A_1461 : i32 to index
      %get3A_1463 = tpu.vector_load %arg7[%get3A_1462] {strides = array<i32>} : memref<32896xf32, #tpu.memory_space<vmem>>, vector<16xf32>,
      %sub3A_1464 = arith.subf %get3A_1363, %get3A_1463 : vector<16xf32>
      %abs3A_1465 = math.absf %sub3A_1464 : vector<16xf32>
      %lt3A_1466 = arith.cmpf olt, %abs3A_1465, %select_n3A_1459 : vector<16xf32>
      %select_n3A_1467 = arith.select %lt3A_1466, %sub3A_1464, %select_n3A_1458 : vector<16xi1>, vector<16xf32>
      %select_n3A_1468 = arith.select %lt3A_1466, %abs3A_1465, %select_n3A_1459 : vector<16xi1>, vector<16xf32>
      %add3A_1469 = arith.constant -4 : i32
      %add3A_1470 = arith.addi %add3A_1365, %add3A_1469 : i32
      %get3A_1471 = arith.index_cast %add3A_1470 : i32 to index
      %get3A_1472 = tpu.vector_load %arg7[%get3A_1471] {strides = array<i32>} : memref<32896xf32, #tpu.memory_space<vmem>>, vector<16xf32>,
      %sub3A_1473 = arith.subf %get3A_1363, %get3A_1472 : vector<16xf32>
      %abs3A_1474 = math.absf %sub3A_1473 : vector<16xf32>
      %lt3A_1475 = arith.cmpf olt, %abs3A_1474, %select_n3A_1468 : vector<16xf32>
      %select_n3A_1476 = arith.select %lt3A_1475, %sub3A_1473, %select_n3A_1467 : vector<16xi1>, vector<16xf32>
      %select_n3A_1477 = arith.select %lt3A_1475, %abs3A_1474, %select_n3A_1468 : vector<16xi1>, vector<16xf32>
      %add3A_1478 = arith.constant -5 : i32
      %add3A_1479 = arith.addi %add3A_1365, %add3A_1478 : i32
      %get3A_1480 = arith.index_cast %add3A_1479 : i32 to index
      %get3A_1481 = tpu.vector_load %arg7[%get3A_1480] {strides = array<i32>} : memref<32896xf32, #tpu.memory_space<vmem>>, vector<16xf32>,
      %sub3A_1482 = arith.subf %get3A_1363, %get3A_1481 : vector<16xf32>
      %abs3A_1483 = math.absf %sub3A_1482 : vector<16xf32>
      %lt3A_1484 = arith.cmpf olt, %abs3A_1483, %select_n3A_1477 : vector<16xf32>
      %select_n3A_1485 = arith.select %lt3A_1484, %sub3A_1482, %select_n3A_1476 : vector<16xi1>, vector<16xf32>
      %select_n3A_1486 = arith.select %lt3A_1484, %abs3A_1483, %select_n3A_1477 : vector<16xi1>, vector<16xf32>
      %add3A_1487 = arith.constant -6 : i32
      %add3A_1488 = arith.addi %add3A_1365, %add3A_1487 : i32
      %get3A_1489 = arith.index_cast %add3A_1488 : i32 to index
      %get3A_1490 = tpu.vector_load %arg7[%get3A_1489] {strides = array<i32>} : memref<32896xf32, #tpu.memory_space<vmem>>, vector<16xf32>,
      %sub3A_1491 = arith.subf %get3A_1363, %get3A_1490 : vector<16xf32>
      %abs3A_1492 = math.absf %sub3A_1491 : vector<16xf32>
      %lt3A_1493 = arith.cmpf olt, %abs3A_1492, %select_n3A_1486 : vector<16xf32>
      %select_n3A_1494 = arith.select %lt3A_1493, %sub3A_1491, %select_n3A_1485 : vector<16xi1>, vector<16xf32>
      %select_n3A_1495 = arith.select %lt3A_1493, %abs3A_1492, %select_n3A_1486 : vector<16xi1>, vector<16xf32>
      %add3A_1496 = arith.constant -7 : i32
      %add3A_1497 = arith.addi %add3A_1365, %add3A_1496 : i32
      %get3A_1498 = arith.index_cast %add3A_1497 : i32 to index
      %get3A_1499 = tpu.vector_load %arg7[%get3A_1498] {strides = array<i32>} : memref<32896xf32, #tpu.memory_space<vmem>>, vector<16xf32>,
      %sub3A_1500 = arith.subf %get3A_1363, %get3A_1499 : vector<16xf32>
      %abs3A_1501 = math.absf %sub3A_1500 : vector<16xf32>
      %lt3A_1502 = arith.cmpf olt, %abs3A_1501, %select_n3A_1495 : vector<16xf32>
      %select_n3A_1503 = arith.select %lt3A_1502, %sub3A_1500, %select_n3A_1494 : vector<16xi1>, vector<16xf32>
      %select_n3A_1504 = arith.select %lt3A_1502, %abs3A_1501, %select_n3A_1495 : vector<16xi1>, vector<16xf32>
      %add3A_1505 = arith.constant -8 : i32
      %add3A_1506 = arith.addi %add3A_1365, %add3A_1505 : i32
      %get3A_1507 = arith.index_cast %add3A_1506 : i32 to index
      %get3A_1508 = tpu.vector_load %arg7[%get3A_1507] {strides = array<i32>} : memref<32896xf32, #tpu.memory_space<vmem>>, vector<16xf32>,
      %sub3A_1509 = arith.subf %get3A_1363, %get3A_1508 : vector<16xf32>
      %abs3A_1510 = math.absf %sub3A_1509 : vector<16xf32>
      %lt3A_1511 = arith.cmpf olt, %abs3A_1510, %select_n3A_1504 : vector<16xf32>
      %select_n3A_1512 = arith.select %lt3A_1511, %sub3A_1509, %select_n3A_1503 : vector<16xi1>, vector<16xf32>
      %select_n3A_1513 = arith.select %lt3A_1511, %abs3A_1510, %select_n3A_1504 : vector<16xi1>, vector<16xf32>
      %swap3A_1514 = arith.constant 7 : i32
      %swap3A_1515 = arith.index_cast %swap3A_1514 : i32 to index
      %swap3A_1516 = arith.index_cast %mul3A_254 : i32 to index
      %swap3A_1517 = tpu.vector_load %arg5[%swap3A_1515, %swap3A_1516] {strides = array<i32>} : memref<8x4096xf32, #tpu.memory_space<vmem>>, vector<16xf32>,
      tpu.vector_store %arg5[%swap3A_1515, %swap3A_1516], %select_n3A_1512 {strides = array<i32>} : memref<8x4096xf32, #tpu.memory_space<vmem>>, vector<16xf32>,
      %scan3A_1518 = arith.constant 0 : i32
      scf.yield %scan3A_1518 : i32
    }
    %scan3A_238 = arith.constant 256 : i32
    %dma_start3A_239 = arith.constant 0 : i32
    %dma_start3A_240 = tpu.memref_slice %arg4[%select_n3A, %mul3A_32, %dma_start3A_239] : memref<4x64x4096xf32, #tpu.memory_space<hbm>> -> memref<1x8x4096xf32, #tpu.memory_space<hbm>>
    %dma_start3A_241 = tpu.memref_squeeze %dma_start3A_240 : memref<1x8x4096xf32, #tpu.memory_space<hbm>> -> memref<8x4096xf32, #tpu.memory_space<hbm>>
    %dma_start3A_242 = arith.constant 0 : i32
    %dma_start3A_243 = tpu.memref_slice %arg4[%select_n3A, %mul3A_32, %dma_start3A_242] : memref<4x64x4096xf32, #tpu.memory_space<hbm>> -> memref<1x8x4096xf32, #tpu.memory_space<hbm>>
    %dma_start3A_244 = tpu.memref_squeeze %dma_start3A_243 : memref<1x8x4096xf32, #tpu.memory_space<hbm>> -> memref<8x4096xf32, #tpu.memory_space<hbm>>
    tpu.enqueue_dma source(%arg5 : memref<8x4096xf32, #tpu.memory_space<vmem>>) target(%dma_start3A_244 : memref<8x4096xf32, #tpu.memory_space<hbm>>) target_semaphore(%arg10 : memref<!tpu.dma_semaphore, #tpu.memory_space<semaphore_mem>>)
    %dma_wait3A_245 = arith.constant 0 : i32
    %dma_wait3A_246 = tpu.memref_slice %arg4[%select_n3A, %mul3A_32, %dma_wait3A_245] : memref<4x64x4096xf32, #tpu.memory_space<hbm>> -> memref<1x8x4096xf32, #tpu.memory_space<hbm>>
    %dma_wait3A_247 = tpu.memref_squeeze %dma_wait3A_246 : memref<1x8x4096xf32, #tpu.memory_space<hbm>> -> memref<8x4096xf32, #tpu.memory_space<hbm>>
    %dma_wait3A_248 = arith.constant 0 : i32
    %dma_wait3A_249 = tpu.memref_slice %arg4[%select_n3A, %mul3A_32, %dma_wait3A_248] : memref<4x64x4096xf32, #tpu.memory_space<hbm>> -> memref<1x8x4096xf32, #tpu.memory_space<hbm>>
    %dma_wait3A_250 = tpu.memref_squeeze %dma_wait3A_249 : memref<1x8x4096xf32, #tpu.memory_space<hbm>> -> memref<8x4096xf32, #tpu.memory_space<hbm>>
    tpu.wait_dma2 semaphore(%arg10 : memref<!tpu.dma_semaphore, #tpu.memory_space<semaphore_mem>>) src(%arg5 : memref<8x4096xf32, #tpu.memory_space<vmem>>) dst(%dma_wait3A_250 : memref<8x4096xf32, #tpu.memory_space<hbm>>)
    return
  }
}

module attributes {stable_mosaic.version = 14 : i64} {
  func.func @_tc_body(%arg0: i32, %arg1: memref<1x64x4096xf32, #tpu.memory_space<vmem>>, %arg2: memref<1x64x4096xf32, #tpu.memory_space<vmem>>, %arg3: memref<1x64x4096xf32, #tpu.memory_space<vmem>>, %arg4: memref<64x4112xf32, #tpu.memory_space<vmem>>) attributes {dimension_semantics = [#tpu.dimension_semantics<arbitrary>], iteration_bounds = array<i64: 4>, scalar_prefetch = 0 : i64, scratch_operands = 1 : i64, tpu.core_type = #tpu.core_type<tc>, window_params = [{transform_indices = @transform_0, window_bounds = array<i64: 1, 64, 4096>}, {transform_indices = @transform_1, window_bounds = array<i64: 1, 64, 4096>}, {transform_indices = @transform_2, window_bounds = array<i64: 1, 64, 4096>}]} {
    %get3A = arith.constant 0 : index
    %get3A_0 = arith.constant 0 : index
    %get3A_1 = arith.constant 0 : index
    %get3A_2 = vector.load %arg2[%get3A, %get3A_0, %get3A_1] : memref<1x64x4096xf32, #tpu.memory_space<vmem>>, vector<1x64x4096xf32>
    %get3A_3 = vector.shape_cast %get3A_2 : vector<1x64x4096xf32> to vector<64x4096xf32>
    %swap3A = arith.constant 0 : index
    %swap3A_4 = arith.constant 8 : index
    %swap3A_5 = vector.load %arg4[%swap3A, %swap3A_4] : memref<64x4112xf32, #tpu.memory_space<vmem>>, vector<64x4096xf32>
    tpu.vector_store %arg4[%swap3A, %swap3A_4], %get3A_3 {strides = array<i32>} : memref<64x4112xf32, #tpu.memory_space<vmem>>, vector<64x4096xf32>,
    %slice3A = vector.extract_strided_slice %get3A_3 {offsets = [0, 0], sizes = [64, 1], strides = [1, 1]} : vector<64x4096xf32> to vector<64x1xf32>
    %broadcast_in_dim3A = vector.shape_cast %slice3A : vector<64x1xf32> to vector<64x1xf32>
    %broadcast_in_dim3A_6 = vector.broadcast %broadcast_in_dim3A : vector<64x1xf32> to vector<64x8xf32>
    %swap3A_7 = arith.constant 0 : index
    %swap3A_8 = arith.constant 0 : index
    %swap3A_9 = vector.load %arg4[%swap3A_7, %swap3A_8] : memref<64x4112xf32, #tpu.memory_space<vmem>>, vector<64x8xf32>
    tpu.vector_store %arg4[%swap3A_7, %swap3A_8], %broadcast_in_dim3A_6 {strides = array<i32>} : memref<64x4112xf32, #tpu.memory_space<vmem>>, vector<64x8xf32>,
    %slice3A_10 = vector.extract_strided_slice %get3A_3 {offsets = [0, 4095], sizes = [64, 1], strides = [1, 1]} : vector<64x4096xf32> to vector<64x1xf32>
    %broadcast_in_dim3A_11 = vector.shape_cast %slice3A_10 : vector<64x1xf32> to vector<64x1xf32>
    %broadcast_in_dim3A_12 = vector.broadcast %broadcast_in_dim3A_11 : vector<64x1xf32> to vector<64x8xf32>
    %swap3A_13 = arith.constant 0 : index
    %swap3A_14 = arith.constant 4104 : index
    %swap3A_15 = vector.load %arg4[%swap3A_13, %swap3A_14] : memref<64x4112xf32, #tpu.memory_space<vmem>>, vector<64x8xf32>
    tpu.vector_store %arg4[%swap3A_13, %swap3A_14], %broadcast_in_dim3A_12 {strides = array<i32>} : memref<64x4112xf32, #tpu.memory_space<vmem>>, vector<64x8xf32>,
    %get3A_16 = arith.constant 0 : index
    %get3A_17 = arith.constant 0 : index
    %get3A_18 = arith.constant 0 : index
    %get3A_19 = vector.load %arg1[%get3A_16, %get3A_17, %get3A_18] : memref<1x64x4096xf32, #tpu.memory_space<vmem>>, vector<1x64x4096xf32>
    %get3A_20 = vector.shape_cast %get3A_19 : vector<1x64x4096xf32> to vector<64x4096xf32>
    %sub3A = arith.subf %get3A_20, %get3A_3 : vector<64x4096xf32>
    %abs3A = math.absf %sub3A : vector<64x4096xf32>
    %get3A_21 = arith.constant 0 : index
    %get3A_22 = arith.constant 9 : index
    %get3A_23 = vector.load %arg4[%get3A_21, %get3A_22] : memref<64x4112xf32, #tpu.memory_space<vmem>>, vector<64x4096xf32>
    %sub3A_24 = arith.subf %get3A_20, %get3A_23 : vector<64x4096xf32>
    %abs3A_25 = math.absf %sub3A_24 : vector<64x4096xf32>
    %lt3A = arith.cmpf olt, %abs3A_25, %abs3A : vector<64x4096xf32>
    %select_n3A = arith.select %lt3A, %sub3A_24, %sub3A : vector<64x4096xi1>, vector<64x4096xf32>
    %select_n3A_26 = arith.select %lt3A, %abs3A_25, %abs3A : vector<64x4096xi1>, vector<64x4096xf32>
    %get3A_27 = arith.constant 0 : index
    %get3A_28 = arith.constant 10 : index
    %get3A_29 = vector.load %arg4[%get3A_27, %get3A_28] : memref<64x4112xf32, #tpu.memory_space<vmem>>, vector<64x4096xf32>
    %sub3A_30 = arith.subf %get3A_20, %get3A_29 : vector<64x4096xf32>
    %abs3A_31 = math.absf %sub3A_30 : vector<64x4096xf32>
    %lt3A_32 = arith.cmpf olt, %abs3A_31, %select_n3A_26 : vector<64x4096xf32>
    %select_n3A_33 = arith.select %lt3A_32, %sub3A_30, %select_n3A : vector<64x4096xi1>, vector<64x4096xf32>
    %select_n3A_34 = arith.select %lt3A_32, %abs3A_31, %select_n3A_26 : vector<64x4096xi1>, vector<64x4096xf32>
    %get3A_35 = arith.constant 0 : index
    %get3A_36 = arith.constant 11 : index
    %get3A_37 = vector.load %arg4[%get3A_35, %get3A_36] : memref<64x4112xf32, #tpu.memory_space<vmem>>, vector<64x4096xf32>
    %sub3A_38 = arith.subf %get3A_20, %get3A_37 : vector<64x4096xf32>
    %abs3A_39 = math.absf %sub3A_38 : vector<64x4096xf32>
    %lt3A_40 = arith.cmpf olt, %abs3A_39, %select_n3A_34 : vector<64x4096xf32>
    %select_n3A_41 = arith.select %lt3A_40, %sub3A_38, %select_n3A_33 : vector<64x4096xi1>, vector<64x4096xf32>
    %select_n3A_42 = arith.select %lt3A_40, %abs3A_39, %select_n3A_34 : vector<64x4096xi1>, vector<64x4096xf32>
    %get3A_43 = arith.constant 0 : index
    %get3A_44 = arith.constant 12 : index
    %get3A_45 = vector.load %arg4[%get3A_43, %get3A_44] : memref<64x4112xf32, #tpu.memory_space<vmem>>, vector<64x4096xf32>
    %sub3A_46 = arith.subf %get3A_20, %get3A_45 : vector<64x4096xf32>
    %abs3A_47 = math.absf %sub3A_46 : vector<64x4096xf32>
    %lt3A_48 = arith.cmpf olt, %abs3A_47, %select_n3A_42 : vector<64x4096xf32>
    %select_n3A_49 = arith.select %lt3A_48, %sub3A_46, %select_n3A_41 : vector<64x4096xi1>, vector<64x4096xf32>
    %select_n3A_50 = arith.select %lt3A_48, %abs3A_47, %select_n3A_42 : vector<64x4096xi1>, vector<64x4096xf32>
    %get3A_51 = arith.constant 0 : index
    %get3A_52 = arith.constant 13 : index
    %get3A_53 = vector.load %arg4[%get3A_51, %get3A_52] : memref<64x4112xf32, #tpu.memory_space<vmem>>, vector<64x4096xf32>
    %sub3A_54 = arith.subf %get3A_20, %get3A_53 : vector<64x4096xf32>
    %abs3A_55 = math.absf %sub3A_54 : vector<64x4096xf32>
    %lt3A_56 = arith.cmpf olt, %abs3A_55, %select_n3A_50 : vector<64x4096xf32>
    %select_n3A_57 = arith.select %lt3A_56, %sub3A_54, %select_n3A_49 : vector<64x4096xi1>, vector<64x4096xf32>
    %select_n3A_58 = arith.select %lt3A_56, %abs3A_55, %select_n3A_50 : vector<64x4096xi1>, vector<64x4096xf32>
    %get3A_59 = arith.constant 0 : index
    %get3A_60 = arith.constant 14 : index
    %get3A_61 = vector.load %arg4[%get3A_59, %get3A_60] : memref<64x4112xf32, #tpu.memory_space<vmem>>, vector<64x4096xf32>
    %sub3A_62 = arith.subf %get3A_20, %get3A_61 : vector<64x4096xf32>
    %abs3A_63 = math.absf %sub3A_62 : vector<64x4096xf32>
    %lt3A_64 = arith.cmpf olt, %abs3A_63, %select_n3A_58 : vector<64x4096xf32>
    %select_n3A_65 = arith.select %lt3A_64, %sub3A_62, %select_n3A_57 : vector<64x4096xi1>, vector<64x4096xf32>
    %select_n3A_66 = arith.select %lt3A_64, %abs3A_63, %select_n3A_58 : vector<64x4096xi1>, vector<64x4096xf32>
    %get3A_67 = arith.constant 0 : index
    %get3A_68 = arith.constant 15 : index
    %get3A_69 = vector.load %arg4[%get3A_67, %get3A_68] : memref<64x4112xf32, #tpu.memory_space<vmem>>, vector<64x4096xf32>
    %sub3A_70 = arith.subf %get3A_20, %get3A_69 : vector<64x4096xf32>
    %abs3A_71 = math.absf %sub3A_70 : vector<64x4096xf32>
    %lt3A_72 = arith.cmpf olt, %abs3A_71, %select_n3A_66 : vector<64x4096xf32>
    %select_n3A_73 = arith.select %lt3A_72, %sub3A_70, %select_n3A_65 : vector<64x4096xi1>, vector<64x4096xf32>
    %select_n3A_74 = arith.select %lt3A_72, %abs3A_71, %select_n3A_66 : vector<64x4096xi1>, vector<64x4096xf32>
    %get3A_75 = arith.constant 0 : index
    %get3A_76 = arith.constant 16 : index
    %get3A_77 = vector.load %arg4[%get3A_75, %get3A_76] : memref<64x4112xf32, #tpu.memory_space<vmem>>, vector<64x4096xf32>
    %sub3A_78 = arith.subf %get3A_20, %get3A_77 : vector<64x4096xf32>
    %abs3A_79 = math.absf %sub3A_78 : vector<64x4096xf32>
    %lt3A_80 = arith.cmpf olt, %abs3A_79, %select_n3A_74 : vector<64x4096xf32>
    %select_n3A_81 = arith.select %lt3A_80, %sub3A_78, %select_n3A_73 : vector<64x4096xi1>, vector<64x4096xf32>
    %select_n3A_82 = arith.select %lt3A_80, %abs3A_79, %select_n3A_74 : vector<64x4096xi1>, vector<64x4096xf32>
    %get3A_83 = arith.constant 0 : index
    %get3A_84 = arith.constant 7 : index
    %get3A_85 = vector.load %arg4[%get3A_83, %get3A_84] : memref<64x4112xf32, #tpu.memory_space<vmem>>, vector<64x4096xf32>
    %sub3A_86 = arith.subf %get3A_20, %get3A_85 : vector<64x4096xf32>
    %abs3A_87 = math.absf %sub3A_86 : vector<64x4096xf32>
    %lt3A_88 = arith.cmpf olt, %abs3A_87, %select_n3A_82 : vector<64x4096xf32>
    %select_n3A_89 = arith.select %lt3A_88, %sub3A_86, %select_n3A_81 : vector<64x4096xi1>, vector<64x4096xf32>
    %select_n3A_90 = arith.select %lt3A_88, %abs3A_87, %select_n3A_82 : vector<64x4096xi1>, vector<64x4096xf32>
    %get3A_91 = arith.constant 0 : index
    %get3A_92 = arith.constant 6 : index
    %get3A_93 = vector.load %arg4[%get3A_91, %get3A_92] : memref<64x4112xf32, #tpu.memory_space<vmem>>, vector<64x4096xf32>
    %sub3A_94 = arith.subf %get3A_20, %get3A_93 : vector<64x4096xf32>
    %abs3A_95 = math.absf %sub3A_94 : vector<64x4096xf32>
    %lt3A_96 = arith.cmpf olt, %abs3A_95, %select_n3A_90 : vector<64x4096xf32>
    %select_n3A_97 = arith.select %lt3A_96, %sub3A_94, %select_n3A_89 : vector<64x4096xi1>, vector<64x4096xf32>
    %select_n3A_98 = arith.select %lt3A_96, %abs3A_95, %select_n3A_90 : vector<64x4096xi1>, vector<64x4096xf32>
    %get3A_99 = arith.constant 0 : index
    %get3A_100 = arith.constant 5 : index
    %get3A_101 = vector.load %arg4[%get3A_99, %get3A_100] : memref<64x4112xf32, #tpu.memory_space<vmem>>, vector<64x4096xf32>
    %sub3A_102 = arith.subf %get3A_20, %get3A_101 : vector<64x4096xf32>
    %abs3A_103 = math.absf %sub3A_102 : vector<64x4096xf32>
    %lt3A_104 = arith.cmpf olt, %abs3A_103, %select_n3A_98 : vector<64x4096xf32>
    %select_n3A_105 = arith.select %lt3A_104, %sub3A_102, %select_n3A_97 : vector<64x4096xi1>, vector<64x4096xf32>
    %select_n3A_106 = arith.select %lt3A_104, %abs3A_103, %select_n3A_98 : vector<64x4096xi1>, vector<64x4096xf32>
    %get3A_107 = arith.constant 0 : index
    %get3A_108 = arith.constant 4 : index
    %get3A_109 = vector.load %arg4[%get3A_107, %get3A_108] : memref<64x4112xf32, #tpu.memory_space<vmem>>, vector<64x4096xf32>
    %sub3A_110 = arith.subf %get3A_20, %get3A_109 : vector<64x4096xf32>
    %abs3A_111 = math.absf %sub3A_110 : vector<64x4096xf32>
    %lt3A_112 = arith.cmpf olt, %abs3A_111, %select_n3A_106 : vector<64x4096xf32>
    %select_n3A_113 = arith.select %lt3A_112, %sub3A_110, %select_n3A_105 : vector<64x4096xi1>, vector<64x4096xf32>
    %select_n3A_114 = arith.select %lt3A_112, %abs3A_111, %select_n3A_106 : vector<64x4096xi1>, vector<64x4096xf32>
    %get3A_115 = arith.constant 0 : index
    %get3A_116 = arith.constant 3 : index
    %get3A_117 = vector.load %arg4[%get3A_115, %get3A_116] : memref<64x4112xf32, #tpu.memory_space<vmem>>, vector<64x4096xf32>
    %sub3A_118 = arith.subf %get3A_20, %get3A_117 : vector<64x4096xf32>
    %abs3A_119 = math.absf %sub3A_118 : vector<64x4096xf32>
    %lt3A_120 = arith.cmpf olt, %abs3A_119, %select_n3A_114 : vector<64x4096xf32>
    %select_n3A_121 = arith.select %lt3A_120, %sub3A_118, %select_n3A_113 : vector<64x4096xi1>, vector<64x4096xf32>
    %select_n3A_122 = arith.select %lt3A_120, %abs3A_119, %select_n3A_114 : vector<64x4096xi1>, vector<64x4096xf32>
    %get3A_123 = arith.constant 0 : index
    %get3A_124 = arith.constant 2 : index
    %get3A_125 = vector.load %arg4[%get3A_123, %get3A_124] : memref<64x4112xf32, #tpu.memory_space<vmem>>, vector<64x4096xf32>
    %sub3A_126 = arith.subf %get3A_20, %get3A_125 : vector<64x4096xf32>
    %abs3A_127 = math.absf %sub3A_126 : vector<64x4096xf32>
    %lt3A_128 = arith.cmpf olt, %abs3A_127, %select_n3A_122 : vector<64x4096xf32>
    %select_n3A_129 = arith.select %lt3A_128, %sub3A_126, %select_n3A_121 : vector<64x4096xi1>, vector<64x4096xf32>
    %select_n3A_130 = arith.select %lt3A_128, %abs3A_127, %select_n3A_122 : vector<64x4096xi1>, vector<64x4096xf32>
    %get3A_131 = arith.constant 0 : index
    %get3A_132 = arith.constant 1 : index
    %get3A_133 = vector.load %arg4[%get3A_131, %get3A_132] : memref<64x4112xf32, #tpu.memory_space<vmem>>, vector<64x4096xf32>
    %sub3A_134 = arith.subf %get3A_20, %get3A_133 : vector<64x4096xf32>
    %abs3A_135 = math.absf %sub3A_134 : vector<64x4096xf32>
    %lt3A_136 = arith.cmpf olt, %abs3A_135, %select_n3A_130 : vector<64x4096xf32>
    %select_n3A_137 = arith.select %lt3A_136, %sub3A_134, %select_n3A_129 : vector<64x4096xi1>, vector<64x4096xf32>
    %select_n3A_138 = arith.select %lt3A_136, %abs3A_135, %select_n3A_130 : vector<64x4096xi1>, vector<64x4096xf32>
    %get3A_139 = arith.constant 0 : index
    %get3A_140 = arith.constant 0 : index
    %get3A_141 = vector.load %arg4[%get3A_139, %get3A_140] : memref<64x4112xf32, #tpu.memory_space<vmem>>, vector<64x4096xf32>
    %sub3A_142 = arith.subf %get3A_20, %get3A_141 : vector<64x4096xf32>
    %abs3A_143 = math.absf %sub3A_142 : vector<64x4096xf32>
    %lt3A_144 = arith.cmpf olt, %abs3A_143, %select_n3A_138 : vector<64x4096xf32>
    %select_n3A_145 = arith.select %lt3A_144, %sub3A_142, %select_n3A_137 : vector<64x4096xi1>, vector<64x4096xf32>
    %swap3A_146 = arith.constant 0 : index
    %swap3A_147 = arith.constant 0 : index
    %swap3A_148 = arith.constant 0 : index
    %swap3A_149 = vector.load %arg3[%swap3A_146, %swap3A_147, %swap3A_148] : memref<1x64x4096xf32, #tpu.memory_space<vmem>>, vector<1x64x4096xf32>
    %swap3A_150 = vector.shape_cast %swap3A_149 : vector<1x64x4096xf32> to vector<64x4096xf32>
    %swap3A_151 = vector.shape_cast %select_n3A_145 : vector<64x4096xf32> to vector<1x64x4096xf32>
    tpu.vector_store %arg3[%swap3A_146, %swap3A_147, %swap3A_148], %swap3A_151 {strides = array<i32>} : memref<1x64x4096xf32, #tpu.memory_space<vmem>>, vector<1x64x4096xf32>,
    return
  }
  func.func @transform_0(%arg0: i32) -> (i32, i32, i32) {
    %add3A = arith.constant 4 : i32
    %add3A_0 = arith.addi %arg0, %add3A : i32
    %c0_i32 = arith.constant 0 : i32
    %c0_i32_1 = arith.constant 0 : i32
    %c0_i32_2 = arith.constant 0 : i32
    return %add3A_0, %c0_i32, %c0_i32_1 : i32, i32, i32
  }
  func.func @transform_1(%arg0: i32) -> (i32, i32, i32) {
    %add3A = arith.constant 4 : i32
    %add3A_0 = arith.addi %arg0, %add3A : i32
    %c0_i32 = arith.constant 0 : i32
    %c0_i32_1 = arith.constant 0 : i32
    %c0_i32_2 = arith.constant 0 : i32
    return %add3A_0, %c0_i32, %c0_i32_1 : i32, i32, i32
  }
  func.func @transform_2(%arg0: i32) -> (i32, i32, i32) {
    %add3A = arith.constant 4 : i32
    %add3A_0 = arith.addi %arg0, %add3A : i32
    %c0_i32 = arith.constant 0 : i32
    %c0_i32_1 = arith.constant 0 : i32
    %c0_i32_2 = arith.constant 0 : i32
    return %add3A_0, %c0_i32, %c0_i32_1 : i32, i32, i32
  }
}

</mosaic_0001>

<sc_bundles>
// kernel: kernel.4.cloned.1.call-start
scs
__scs_entry_jumppad:
0x0: {  	(pc) =	sbr.rel $0x88, $3  }
0x1: {  	(tag) =	ssettag $0x0;
	lr =	simm.s32 $0x1  }
0x2: {  	[smem:$0x3F9F] =	sst lr;
	_ =	strace $0xD0000000  }
0x3: {  	_ = 	snop  }
0x4: {  	_ = 	snop  }
0x5: {  	_ = 	snop  }
0x6: {  	_ = 	snop  }
0x7: {  	_ = 	snop  }
__scs_overlays_trampoline_lowered:
0x8: {  	[smem:$0x3FAE] =	sst s0  }
0x9: {  	[smem:$0x3FAF] =	sst s1  }
0xa: {  	[smem:$0x3FB0] =	sst s2  }
0xb: {  	[smem:$0x3FB1] =	sst s3  }
0xc: {  	[smem:$0x3FB2] =	sst s4  }
0xd: {  	[smem:$0x3FB3] =	sst s5  }
0xe: {  	[smem:$0x3FB4] =	sst s6  }
0xf: {  	[smem:$0x3FB5] =	sst s7  }
0x10: {  	[smem:$0x3FB6] =	sst s8  }
0x11: {  	[smem:$0x3FB7] =	sst s9;
	s0 =	simm.s32 @!p0 $0x0  }
0x12: {  	s1 =	sld [smem:$0x3F9D];
	s0 =	simm.s32 @p0 $0x1  }
0x13: {  	[smem:$0x3FB8] =	sst s0;
	s0 =	simm.s32 @!p1 $0x0  }
0x14: {  	s2 =	sld [smem:$0x3F9C];
	s0 =	simm.s32 @p1 $0x1  }
0x15: {  	[smem:$0x3FB9] =	sst s0;
	s0 =	simm.s32 @!p2 $0x0  }
0x16: {  	s3 =	sld [smem:$0x3FDB];
	s0 =	simm.s32 @p2 $0x1  }
0x17: {  	s4 =	simm.s32 $0x1BF5;
	[smem:$0x3FBB] =	sst s0  }
0x18: {  	s0 =	sld [smem:$0x3F9E];
	_ =	swait.ge [sflag:s4], $0x0  }
0x19: {  	s7 =	sld [smem:$0x3F9F]  }
0x1a: {  	s8 =	sadd.s32 $0xFFFFE003, lr  }
0x1b: {  	s9 =	sadd.s32 $0xFFFFFEF7, lr;
	s5 =	simm.s32 $0xFFFFFFFF;
	p2 =	slt.u32 s8, $0xFFFFF086  }
0x1c: {  	p1 =	slt.u32 s9, $0xF7A;
	s5 =	simm.s32 @!p2 $0x0  }
0x1d: {  	s5 =	simm.s32 @p1 $0x1;
	p0 =	seq.s32 s7, s2  }
0x1e: {  	s7 =	smul.u32 @!p0 $0xF7A, s2;
	p2 =	seq.s32 @!p0 s5, $0x0  }
0x1f: {  	s9 =	smul.u32 $0xF7A, s1;
	s8 =	simm.s32 @!p0 $0x1BF5;
	p2 =	por !p2, p0  }
0x20: {  	[sflag:s8] =	ssyncset.s32 @!p0 $0xFFFFF086;
	s6 =	sadd.s32 @!p0 s3, s7;
	s7 =	simm.s32 @!p0 $0x108  }
0x21: {  	s3 =	sadd.s32 s3, s9;
	s6 =	sadd.s32 @!p0 $0x88, s6;
	s7 =	simm.s32 @p2 $0x1082  }
0x22: {  	[simem:s7], [sflag:s8] =	dma.local @!p0 [hbm:s6], $0xF7A  }
0x23: {  	s9 =	sor.u32 $0xD0000000, s2;
	s6 =	simm.s32 $0x108;
	_ =	swait.ge @!p0 [sflag:s8], $0x0  }
0x24: {  	s3 =	sadd.s32 $0x88, s3;
	s6 =	simm.s32 @!p1 $0x1082;
	[sflag:s4] =	ssyncset.s32 $0xFFFFF086  }
0x25: {  	[simem:s6], [sflag:s4] =	dma.local [hbm:s3], $0xF7A  }
0x26: {  	[smem:$0x3F9F] =	sst s1;
	(tag) =	ssettag s2;
	_ =	strace s9  }
0x27: {  	s1 =	sld [smem:$0x3FAF]  }
0x28: {  	s2 =	sld [smem:$0x3FB0]  }
0x29: {  	s4 =	sld [smem:$0x3FB2]  }
0x2a: {  	p0 =	seq.s32 s5, $0x0;
	s5 =	sld [smem:$0x3FB3]  }
0x2b: {  	s6 =	sld [smem:$0x3FB4]  }
0x2c: {  	s7 =	sld [smem:$0x3FB5]  }
0x2d: {  	s3 =	simm.s32 $0x108;
	s8 =	sld [smem:$0x3FB6]  }
0x2e: {  	s3 =	simm.s32 @!p0 $0x1082;
	s9 =	sld [smem:$0x3FB7]  }
0x2f: {  	lr =	sadd.s32 s0, s3;
	s0 =	sld [smem:$0x3FAE]  }
0x30: {  	s3 =	sld [smem:$0x3FB1]  }
0x31: {  	[smem:$0x3FBA] =	sst s10  }
0x32: {  	s10 =	sld [smem:$0x3FB8];
	_ =	sdelay $0x3  }
0x33: {  	p0 =	seq.s32 s10, $0x1;
	s10 =	sld [smem:$0x3FBA];
	_ =	sdelay $0x3  }
0x34: {  	[smem:$0x3FBA] =	sst s10  }
0x35: {  	s10 =	sld [smem:$0x3FB9];
	_ =	sdelay $0x3  }
0x36: {  	p1 =	seq.s32 s10, $0x1;
	s10 =	sld [smem:$0x3FBA];
	_ =	sdelay $0x3  }
0x37: {  	[smem:$0x3FBA] =	sst s10  }
0x38: {  	s10 =	sld [smem:$0x3FBB]  }
0x39: {  	_ = 	snop;
	(pc) =	sbr.ind lr, $3  }
0x3a: {  	_ = 	snop  }
0x3b: {  	_ = 	snop  }
0x3c: {  	p2 =	seq.s32 s10, $0x1;
	s10 =	sld [smem:$0x3FBA]  }
0x3d: {  	_ =	shalt  }
0x3e: {  	_ =	shalt  }
0x3f: {  	_ =	shalt  }
0x40: {  	_ =	shalt  }
0x41: {  	_ =	shalt  }
0x42: {  	_ =	shalt  }
0x43: {  	_ =	shalt  }
0x44: {  	_ =	shalt  }
0x45: {  	_ =	shalt  }
0x46: {  	_ =	shalt  }
0x47: {  	_ =	shalt  }
0x48: {  	_ =	shalt  }
0x49: {  	_ =	shalt  }
0x4a: {  	_ =	shalt  }
0x4b: {  	_ =	shalt  }
0x4c: {  	_ =	shalt  }
0x4d: {  	_ =	shalt  }
0x4e: {  	_ =	shalt  }
0x4f: {  	_ =	shalt  }
0x50: {  	_ =	shalt  }
0x51: {  	_ =	shalt  }
0x52: {  	_ =	shalt  }
0x53: {  	_ =	shalt  }
0x54: {  	_ =	shalt  }
0x55: {  	_ =	shalt  }
0x56: {  	_ =	shalt  }
0x57: {  	_ =	shalt  }
0x58: {  	_ =	shalt  }
0x59: {  	_ =	shalt  }
0x5a: {  	_ =	shalt  }
0x5b: {  	_ =	shalt  }
0x5c: {  	_ =	shalt  }
0x5d: {  	_ =	shalt  }
0x5e: {  	_ =	shalt  }
0x5f: {  	_ =	shalt  }
0x60: {  	_ =	shalt  }
0x61: {  	_ =	shalt  }
0x62: {  	_ =	shalt  }
0x63: {  	_ =	shalt  }
0x64: {  	_ =	shalt  }
0x65: {  	_ =	shalt  }
0x66: {  	_ =	shalt  }
0x67: {  	_ =	shalt  }
0x68: {  	_ =	shalt  }
0x69: {  	_ =	shalt  }
0x6a: {  	_ =	shalt  }
0x6b: {  	_ =	shalt  }
0x6c: {  	_ =	shalt  }
0x6d: {  	_ =	shalt  }
0x6e: {  	_ =	shalt  }
0x6f: {  	_ =	shalt  }
0x70: {  	_ =	shalt  }
0x71: {  	_ =	shalt  }
0x72: {  	_ =	shalt  }
0x73: {  	_ =	shalt  }
0x74: {  	_ =	shalt  }
0x75: {  	_ =	shalt  }
0x76: {  	_ =	shalt  }
0x77: {  	_ =	shalt  }
0x78: {  	_ =	shalt  }
0x79: {  	_ =	shalt  }
0x7a: {  	_ =	shalt  }
0x7b: {  	_ =	shalt  }
0x7c: {  	_ =	shalt  }
0x7d: {  	_ =	shalt  }
0x7e: {  	_ =	shalt  }
0x7f: {  	_ =	shalt  }
0x80: {  	_ =	shalt  }
0x81: {  	_ =	shalt  }
0x82: {  	_ =	shalt  }
0x83: {  	_ =	shalt  }
0x84: {  	_ =	shalt  }
0x85: {  	_ =	shalt  }
0x86: {  	_ =	shalt  }
0x87: {  	_ =	shalt  }
.Lfunc_end0:
.L_simem_size_0:
called_computation_lowered:
.L_overlay_start_0:
0x88: {  	s2 =	sld [smem:$0x3FD9]  }
0x89: {  	s3 =	sld [smem:$0x3FFE];
	_ =	sdelay $0x1  }
0x8a: {  	s1 =	srdreg.scid  }
0x8b: {  	s0 =	sand.u32 $0x1, s1  }
0x8c: {  	s17 =	sshll.u32 s0, $0xA;
	s2 =	sadd.s32 s3, s2  }
0x8d: {  	s2 =	sadd.s32 s2, s17  }
0x8e: {  	[smem:$0x3FC6] =	sst s2  }
0x8f: {  	_ = 	snop  }
0x90: {  	s2 =	sld [smem:$0x3FC9]  }
0x91: {  	s18 =	sld [smem:$0x3FC8];
	(tm) =	ssettm $0x1  }
0x92: {  	s4 =	sld [smem:$0x3FFB];
	_ =	sdelay $0x3  }
0x93: {  	_ =	strace s4  }
0x94: {  	s4 =	sld [smem:$0x3FFC];
	_ =	sdelay $0x3  }
0x95: {  	_ =	strace s4  }
0x96: {  	s4 =	sld [smem:$0x3FFD];
	_ =	sdelay $0x3  }
0x97: {  	_ =	strace s4  }
0x98: {  	_ =	strace $0x8FFFFFFF  }
0x99: {  	s19 =	sld [smem:$0x3FDB];
	_ =	sdelay $0x1  }
0x9a: {  	s5 =	simm.s32 $_scs_section_size  }
0x9b: {  	s6 =	simm.s32 $_size__tile_overlayer_lowered;
	s7 =	simm.s32 $_tile_overlayer_lowered  }
0x9c: {  	s22 =	simm.s32 $0x1BFF;
	s21 =	sshll.u32 s7, $0x1;
	s4 =	sadd.s32 s5, s19  }
0x9d: {  	s8 =	simm.s32 $0x0;
	s20 =	sshll.u32 s6, $0x1;
	s6 =	sadd.s32 s21, s4  }
0x9e: {  	[timem:s8], [sflag:s22] =	dma.local [hbm:s6], s20  }
0x9f: {  	_ =	swait.ge [sflag:s22], s20  }
0xa0: {  	s5 =	ssub.s32 $0x0, s20;
	[sflag:s22] =	ssyncset.done $0x0  }
0xa1: {  	[sflag:s22] =	ssyncadd.s32 s5;
	_ =	sdelay $0x1  }
0xa2: {  	s23 =	simm.s32 $0x1B8B  }
0xa3: {  	_ =	swait.ge [sflag:s23], $0x1  }
0xa4: {  	[sflag:s23] =	ssyncset.done $0x0  }
0xa5: {  	s25 =	simm.s32 $0x1B8E;
	s24 =	sld [smem:$0x3FFE];
	[sflag:s23] =	ssyncadd.s32 $0xFFFFFFFF  }
0xa6: {  	s26 =	simm.s32 $execute0_lowered;
	[smem:$0x3FD2] =	sst s25  }
0xa7: {  	s6 =	sshll.u32 s26, $0x1;
	_ =	strace $0x80000046;
	[dreg:$0x1] =	wrdreg $0xFFFFFFFF  }
0xa8: {  	s28 =	simm.s32 $_size_execute0_lowered;
	s4 =	sadd.s32 s4, s6;
	[dreg:$0x0] =	wrdreg $0x0  }
0xa9: {  	s6 =	sshll.u32 s28, $0x1;
	[dreg:$0x2] =	wrdreg s4  }
0xaa: {  	[dreg:$0x3] =	wrdreg s6  }
0xab: {  	[dreg:$0x4] =	wrdreg $0xC0  }
0xac: {  	_ =	task [dreg:s8], $0x5FFFF  }
0xad: {  	[dreg:$0x1] =	wrdreg $0xFFFFFFFF  }
0xae: {  	[dreg:$0x0] =	wrdreg $0x60  }
0xaf: {  	[dreg:$0x2] =	wrdreg s2  }
0xb0: {  	[dreg:$0x3] =	wrdreg s18  }
0xb1: {  	[dreg:$0x4] =	wrdreg s24  }
0xb2: {  	[dreg:$0x5] =	wrdreg $0x9  }
0xb3: {  	_ =	task.clear_ibuf [dreg:s8], $0x6FFFF;
	_ =	strace $0x90000046  }
0xb4: {  	s29 =	simm.s32 $0x9;
	_ =	strace $0x80000048  }
0xb5: {  	_ =	swait.ge [sflag:s29], $0x1  }
0xb6: {  	[sflag:s29] =	ssyncadd.s32 $0xFFFFFFFF  }
0xb7: {  	_ =	strace $0x90000048  }
0xb8: {  	_ =	sfence  }
0xb9: {  	s30 =	sld [smem:$0x0];
	_ =	sdelay $0x2  }
0xba: {  	s31 =	sshll.u32 s1, $0xD;
	s1 =	sshrl.u32 s1, $0x2  }
0xbb: {  	s3 =	sand.u32 $0x4000, s31;
	s1 =	sadd.s32 s1, s30  }
0xbc: {  	s0 =	sor.u32 s3, s0;
	s1 =	sshll.u32 s1, $0x11  }
0xbd: {  	s0 =	sor.u32 s1, s0  }
0xbe: {  	s0 =	sadd.s32 $0x8F2B, s0  }
0xbf: {  	[sflag:s0] =	ssyncadd.remote.s32 $0x1  }
0xc0: {  	_ =	sfence.sel $0xFFFF  }
0xc1: {  	[dreg:$0x0] =	wrdreg $0xFFFFFFFF;
	(pc) =	sbr.abs _section_cstart, $3  }
0xc2: {  	[dreg:$0x1] =	wrdreg $0xFFFFFFFF  }
0xc3: {  	_ =	task.clear_ibuf [dreg:s8], $0x2FFFF;
	_ =	strace $0x9FFFFFFF  }
0xc4: {  	(tm) =	ssettm $0x7FFFFFFF  }
0xc5: {  	_ =	shalt  }
tec
execute0_lowered:
.L_overlay_start_1:
0x0: {  	(tag) =	ssettag $0x1  }
0x1: {  	s4 =	rddreg [dreg:$0x0]  }
0x2: {  	s3 =	rddreg [dreg:$0x1]  }
0x3: {  	s5 =	rddreg [dreg:$0x2];
	s1 =	stileid.u32  }
0x4: {  	s0 =	rddreg [dreg:$0x3];
	s6 =	srdreg.scid;
	s2 =	simm.s32 $0x0  }
0x5: {  	s9 =	simm.s32 $0x10000;
	s10 =	simm.s32 $0x2;
	s11 =	simm.s32 $0x3  }
0x6: {  	s12 =	simm.s32 $0x0;
	s7 =	sshll.u32 s1, $0x1;
	s6 =	sand.u32 $0x1, s6  }
0x7: {  	v0 =	vimm.s32 $0x8;
	vm0 =	vmmov $0xff;
	[smem:$0x7FF] =	sst s2;
	s8 =	sshll.u32 s1, $0xD;
	s7 =	sand.u32 $0x6, s7  }
0x8: {  	v1 =	vimm.s32 $0x1007;
	v2 =	vimm.s32 $0x1018;
	v3 =	vimm.s32 $0x2017;
	s8 =	sand.u32 $0x18000, s8;
	s7 =	sor.u32 s6, s7;
	s6 =	ssub.s32 $0x2, s6  }
0x9: {  	v4 =	vimm.s32 $0x2028;
	v5 =	vimm.s32 $0x3027;
	v6 =	vimm.s32 $0x3038;
	_ =	strace $0x80000047;
	s7 =	sshll.u32 s7, $0xC;
	s31 =	sshrl.u32 s6, $0x1  }
0xa: {  	v7 =	vimm.s32 $0x4037;
	v8 =	vimm.s32 $0x4048;
	v9 =	vimm.s32 $0x5047;
	s7 =	sor.u32 s8, s7;
	s6 =	ssub.s32 s6, s31;
	s8 =	simm.s32 $0x1  }
0xb: {  	v10 =	vimm.s32 $0x5058;
	v11 =	vimm.s32 $0x6057;
	v12 =	vimm.s32 $0x6068;
	s5 =	sadd.s32 s7, s5;
	s3 =	sadd.s32 s3, s7;
	s4 =	sadd.s32 s4, s7  }
0xc: {  	v13 =	vimm.s32 $0x7067;
	v14 =	vimm.s32 $0x7078;
	v15 =	vimm.s32 $0x8077;
	s6 =	smax.u32 s6, $0x1;
	s7 =	simm.s32 $0x8000;
	s5 =	sadd.s32 $0x800, s5  }
.LBB2_1:
0xd: {  	[tilespmem:s2], [sflag:$0x1] =	stream.linear.gather [hbm4b:s3+s2], $0x8000, $0x38;
	[tilespmem:$0x18080] =	vst v63  }
0xe: {  	_ = 	snop  }
0xf: {  	[tilespmem:s7], [sflag:$0x2] =	stream.linear.gather [hbm4b:s4+s2], $0x8000, $0x38;
	[tilespmem:$0x18080] =	vst v63  }
0x10: {  	_ =	swait.ge [sflag:s8], $0x8000  }
0x11: {  	s13 =	sand.u32 $0x70, s2;
	s14 =	sand.u32 $0x7C00, s2;
	[sflag:s8] =	ssyncset.done $0x0  }
0x12: {  	s13 =	sor.u32 s13, s14;
	[sflag:s8] =	ssyncadd.s32 $0xFFFF8000  }
0x13: {  	v16 =	vld [tilespmem:s13+$0x0];
	_ =	sdelay $0x3  }
0x14: {  	s14 =	simm.s32 $0x0  }
0x15: {  	[tilespmem:s14+$0x10008] =	vst v16  }
0x16: {  	v16 =	vld [tilespmem:s13+$0x80];
	_ =	sdelay $0x4  }
0x17: {  	[tilespmem:s14+$0x11018] =	vst v16  }
0x18: {  	v16 =	vld [tilespmem:s13+$0x100];
	_ =	sdelay $0x4  }
0x19: {  	[tilespmem:s14+$0x12028] =	vst v16  }
0x1a: {  	v16 =	vld [tilespmem:s13+$0x180];
	_ =	sdelay $0x4  }
0x1b: {  	[tilespmem:s14+$0x13038] =	vst v16  }
0x1c: {  	v16 =	vld [tilespmem:s13+$0x200];
	_ =	sdelay $0x4  }
0x1d: {  	[tilespmem:s14+$0x14048] =	vst v16  }
0x1e: {  	v16 =	vld [tilespmem:s13+$0x280];
	_ =	sdelay $0x4  }
0x1f: {  	[tilespmem:s14+$0x15058] =	vst v16  }
0x20: {  	v16 =	vld [tilespmem:s13+$0x300];
	_ =	sdelay $0x1  }
0x21: {  	s31 =	sand.u32 $0x7, s2  }
0x22: {  	s13 =	sshll.u32 s31, $0x4  }
0x23: {  	s13 =	sadd.s32 $0x0, s13  }
0x24: {  	s15 =	sor.u32 $0x380, s13;
	[tilespmem:s14+$0x16068] =	vst v16  }
0x25: {  	v16 =	vld [tilespmem:s15+$0x0];
	_ =	sdelay $0x1  }
0x26: {  	s16 =	simm.s32 $0x40  }
0x27: {  	s17 =	simm.s32 $0x10;
	s18 =	simm.s32 $0x80;
	s13 =	simm.s32 $0x80  }
0x28: {  	s19 =	sand.u32 $0x70, s17;
	s20 =	sand.u32 $0x7C00, s13;
	s15 =	simm.s32 $0x0  }
.LBB2_2:
0x29: {  	p0 =	sne.s32 s18, $0x3FC0;
	s19 =	sor.u32 s19, s20;
	[tilespmem:s14+$0x17078] =	vst v16  }
0x2a: {  	v16 =	vld [tilespmem:s19+$0x0];
	_ =	sdelay $0x3  }
0x2b: {  	s14 =	sshra.s32 s16, $0x2;
	s16 =	smov.u32 s18  }
0x2c: {  	[tilespmem:s14+$0x10008] =	vst v16  }
0x2d: {  	v16 =	vld [tilespmem:s19+$0x80];
	_ =	sdelay $0x4  }
0x2e: {  	[tilespmem:s14+$0x11018] =	vst v16  }
0x2f: {  	v16 =	vld [tilespmem:s19+$0x100];
	_ =	sdelay $0x4  }
0x30: {  	[tilespmem:s14+$0x12028] =	vst v16  }
0x31: {  	v16 =	vld [tilespmem:s19+$0x180];
	_ =	sdelay $0x4  }
0x32: {  	[tilespmem:s14+$0x13038] =	vst v16  }
0x33: {  	v16 =	vld [tilespmem:s19+$0x200];
	_ =	sdelay $0x4  }
0x34: {  	[tilespmem:s14+$0x14048] =	vst v16  }
0x35: {  	v16 =	vld [tilespmem:s19+$0x280];
	_ =	sdelay $0x4  }
0x36: {  	[tilespmem:s14+$0x15058] =	vst v16  }
0x37: {  	v16 =	vld [tilespmem:s19+$0x300]  }
0x38: {  	s15 =	sadd.s32 $0x1, s15  }
0x39: {  	s19 =	sand.u32 $0x7, s15  }
0x3a: {  	s19 =	sshll.u32 s19, $0x4  }
0x3b: {  	s19 =	sadd.s32 s19, s13  }
0x3c: {  	s19 =	sor.u32 $0x380, s19;
	[tilespmem:s14+$0x16068] =	vst v16  }
.Ltmp0:
0x3d: {  	v16 =	vld [tilespmem:s19+$0x0];
	(pc) =	sbr.rel @p0 .LBB2_2-.Ltmp0, $3  }
0x3e: {  	_ =	sdelay $0x1  }
0x3f: {  	s17 =	sadd.s32 $0x10, s17;
	s13 =	sadd.s32 $0x80, s13  }
0x40: {  	s18 =	sadd.s32 $0x40, s18;
	s20 =	sand.u32 $0x7C00, s13;
	s19 =	sand.u32 $0x70, s17  }
0x41: {  	s17 =	sor.u32 s19, s20;
	[tilespmem:s14+$0x17078] =	vst v16  }
0x42: {  	v16 =	vld [tilespmem:s17+$0x0];
	_ =	sdelay $0x3  }
0x43: {  	s31 =	sshra.s32 s16, $0x2  }
0x44: {  	[tilespmem:s31+$0x10008] =	vst v16  }
0x45: {  	v16 =	vld [tilespmem:s17+$0x80];
	_ =	sdelay $0x4  }
0x46: {  	[tilespmem:s31+$0x11018] =	vst v16  }
0x47: {  	v16 =	vld [tilespmem:s17+$0x100];
	_ =	sdelay $0x4  }
0x48: {  	[tilespmem:s31+$0x12028] =	vst v16  }
0x49: {  	v16 =	vld [tilespmem:s17+$0x180];
	_ =	sdelay $0x4  }
0x4a: {  	[tilespmem:s31+$0x13038] =	vst v16  }
0x4b: {  	v16 =	vld [tilespmem:s17+$0x200];
	_ =	sdelay $0x4  }
0x4c: {  	[tilespmem:s31+$0x14048] =	vst v16  }
0x4d: {  	v16 =	vld [tilespmem:s17+$0x280];
	_ =	sdelay $0x4  }
0x4e: {  	[tilespmem:s31+$0x15058] =	vst v16  }
0x4f: {  	v16 =	vld [tilespmem:s17+$0x300]  }
0x50: {  	s15 =	sadd.s32 $0x1, s15  }
0x51: {  	s15 =	sand.u32 $0x7, s15  }
0x52: {  	s15 =	sshll.u32 s15, $0x4  }
0x53: {  	s13 =	sadd.s32 s15, s13  }
0x54: {  	s13 =	sor.u32 $0x380, s13;
	[tilespmem:s31+$0x16068] =	vst v16  }
0x55: {  	v16 =	vld [tilespmem:s13+$0x0];
	_ =	sdelay $0x4  }
0x56: {  	[tilespmem:s31+$0x17078] =	vst v16  }
0x57: {  	v16 =	vld.idx.msk [tilespmem:v0+s9+$0x0], $0xffff  }
0x58: {  	v17 =	vld [tilespmem:$0x10000];
	_ =	sdelay $0x4  }
0x59: {  	v16 =	vsel vm0, v16, v17  }
0x5a: {  	v17 =	vld [tilespmem:$0x11000];
	[tilespmem:$0x10000] =	vst v16  }
0x5b: {  	v16 =	vld.idx.msk [tilespmem:v1+s9+$0x0], $0xffff;
	_ =	sdelay $0x4  }
0x5c: {  	v16 =	vsel vm0, v17, v16  }
0x5d: {  	v17 =	vld [tilespmem:$0x11010];
	[tilespmem:$0x11000] =	vst v16  }
0x5e: {  	v16 =	vld.idx.msk [tilespmem:v2+s9+$0x0], $0xffff;
	_ =	sdelay $0x4  }
0x5f: {  	v16 =	vsel vm0, v16, v17  }
0x60: {  	v17 =	vld [tilespmem:$0x12010];
	[tilespmem:$0x11010] =	vst v16  }
0x61: {  	v16 =	vld.idx.msk [tilespmem:v3+s9+$0x0], $0xffff;
	_ =	sdelay $0x4  }
0x62: {  	v16 =	vsel vm0, v17, v16  }
0x63: {  	v17 =	vld [tilespmem:$0x12020];
	[tilespmem:$0x12010] =	vst v16  }
0x64: {  	v16 =	vld.idx.msk [tilespmem:v4+s9+$0x0], $0xffff;
	_ =	sdelay $0x4  }
0x65: {  	v16 =	vsel vm0, v16, v17  }
0x66: {  	v17 =	vld [tilespmem:$0x13020];
	[tilespmem:$0x12020] =	vst v16  }
0x67: {  	v16 =	vld.idx.msk [tilespmem:v5+s9+$0x0], $0xffff;
	_ =	sdelay $0x4  }
0x68: {  	v16 =	vsel vm0, v17, v16  }
0x69: {  	v17 =	vld [tilespmem:$0x13030];
	[tilespmem:$0x13020] =	vst v16  }
0x6a: {  	v16 =	vld.idx.msk [tilespmem:v6+s9+$0x0], $0xffff;
	_ =	sdelay $0x4  }
0x6b: {  	v16 =	vsel vm0, v16, v17  }
0x6c: {  	v17 =	vld [tilespmem:$0x14030];
	[tilespmem:$0x13030] =	vst v16  }
0x6d: {  	v16 =	vld.idx.msk [tilespmem:v7+s9+$0x0], $0xffff;
	_ =	sdelay $0x4  }
0x6e: {  	v16 =	vsel vm0, v17, v16  }
0x6f: {  	v17 =	vld [tilespmem:$0x14040];
	[tilespmem:$0x14030] =	vst v16  }
0x70: {  	v16 =	vld.idx.msk [tilespmem:v8+s9+$0x0], $0xffff;
	_ =	sdelay $0x4  }
0x71: {  	v16 =	vsel vm0, v16, v17  }
0x72: {  	v17 =	vld [tilespmem:$0x15040];
	[tilespmem:$0x14040] =	vst v16  }
0x73: {  	v16 =	vld.idx.msk [tilespmem:v9+s9+$0x0], $0xffff;
	_ =	sdelay $0x4  }
0x74: {  	v16 =	vsel vm0, v17, v16  }
0x75: {  	v17 =	vld [tilespmem:$0x15050];
	[tilespmem:$0x15040] =	vst v16  }
0x76: {  	v16 =	vld.idx.msk [tilespmem:v10+s9+$0x0], $0xffff;
	_ =	sdelay $0x4  }
0x77: {  	v16 =	vsel vm0, v16, v17  }
0x78: {  	v17 =	vld [tilespmem:$0x16050];
	[tilespmem:$0x15050] =	vst v16  }
0x79: {  	v16 =	vld.idx.msk [tilespmem:v11+s9+$0x0], $0xffff;
	_ =	sdelay $0x4  }
0x7a: {  	v16 =	vsel vm0, v17, v16  }
0x7b: {  	v17 =	vld [tilespmem:$0x16060];
	[tilespmem:$0x16050] =	vst v16  }
0x7c: {  	v16 =	vld.idx.msk [tilespmem:v12+s9+$0x0], $0xffff;
	_ =	sdelay $0x4  }
0x7d: {  	v16 =	vsel vm0, v16, v17  }
0x7e: {  	v17 =	vld [tilespmem:$0x17060];
	[tilespmem:$0x16060] =	vst v16  }
0x7f: {  	v16 =	vld.idx.msk [tilespmem:v13+s9+$0x0], $0xffff;
	_ =	sdelay $0x4  }
0x80: {  	v16 =	vsel vm0, v17, v16  }
0x81: {  	v17 =	vld [tilespmem:$0x17070];
	[tilespmem:$0x17060] =	vst v16  }
0x82: {  	v16 =	vld.idx.msk [tilespmem:v14+s9+$0x0], $0xffff;
	_ =	sdelay $0x4  }
0x83: {  	v16 =	vsel vm0, v16, v17  }
0x84: {  	v17 =	vld [tilespmem:$0x18070];
	[tilespmem:$0x17070] =	vst v16  }
0x85: {  	v16 =	vld.idx.msk [tilespmem:v15+s9+$0x0], $0xffff;
	_ =	sdelay $0x4  }
0x86: {  	v16 =	vsel vm0, v17, v16  }
0x87: {  	[tilespmem:$0x18070] =	vst v16  }
0x88: {  	_ =	swait.ge [sflag:s10], $0x8000  }
0x89: {  	s14 =	simm.s32 $0x0;
	s16 =	simm.s32 $0x0;
	[sflag:s10] =	ssyncset.done $0x0  }
0x8a: {  	s15 =	simm.s32 $0x0;
	s13 =	simm.s32 $0x0;
	[sflag:s10] =	ssyncadd.s32 $0xFFFF8000  }
.LBB2_4:
0x8b: {  	s29 =	sshra.s32 s16, $0x2  }
0x8c: {  	s17 =	sand.u32 $0x70, s13;
	s18 =	sand.u32 $0x7C00, s15;
	v17 =	vld [tilespmem:s29+$0x10008]  }
0x8d: {  	s18 =	sor.u32 s17, s18;
	v18 =	vld [tilespmem:s29+$0x10009]  }
0x8e: {  	v16 =	vld [tilespmem:s18+$0x8000];
	_ =	sdelay $0x1  }
0x8f: {  	v19 =	vld [tilespmem:s29+$0x1000A];
	_ =	sdelay $0x1  }
0x90: {  	v20 =	vld [tilespmem:s29+$0x1000B]  }
0x91: {  	v17 =	vsub.f32 v16, v17;
	v18 =	vsub.f32 v16, v18  }
0x92: {  	v21 =	vld [tilespmem:s29+$0x1000C]  }
0x93: {  	v19 =	vsub.f32 v16, v19;
	v22 =	vand.u32 $0x7FFFFFFF, v17;
	v23 =	vand.u32 $0x7FFFFFFF, v18  }
0x94: {  	v24 =	vld [tilespmem:s29+$0x1000D];
	vm1 =	vlt.f32 v23, v22  }
0x95: {  	v20 =	vsub.f32 v16, v20;
	v57 =	vand.u32 $0x7FFFFFFF, v19;
	v22 =	vsel vm1, v23, v22  }
0x96: {  	v25 =	vld [tilespmem:s29+$0x1000E];
	vm2 =	vlt.f32 v57, v22  }
0x97: {  	v21 =	vsub.f32 v16, v21;
	v58 =	vand.u32 $0x7FFFFFFF, v20;
	v22 =	vsel vm2, v57, v22  }
0x98: {  	v59 =	vld [tilespmem:s29+$0x1000F];
	v17 =	vsel vm1, v18, v17;
	vm1 =	vlt.f32 v58, v22  }
0x99: {  	v24 =	vsub.f32 v16, v24;
	v60 =	vand.u32 $0x7FFFFFFF, v21;
	v22 =	vsel vm1, v58, v22  }
0x9a: {  	v61 =	vld [tilespmem:s29+$0x10010];
	v17 =	vsel vm2, v19, v17;
	vm2 =	vlt.f32 v60, v22  }
0x9b: {  	v25 =	vsub.f32 v16, v25;
	v62 =	vand.u32 $0x7FFFFFFF, v24;
	v22 =	vsel vm2, v60, v22  }
0x9c: {  	v63 =	vld [tilespmem:s29+$0x10007];
	v17 =	vsel vm1, v20, v17;
	vm1 =	vlt.f32 v62, v22  }
0x9d: {  	v28 =	vand.u32 $0x7FFFFFFF, v25;
	v18 =	vsub.f32 v16, v59;
	v22 =	vsel vm1, v62, v22  }
0x9e: {  	v29 =	vld [tilespmem:s29+$0x10006];
	v17 =	vsel vm2, v21, v17;
	vm2 =	vlt.f32 v28, v22  }
0x9f: {  	v30 =	vand.u32 $0x7FFFFFFF, v18;
	v19 =	vsub.f32 v16, v61;
	v22 =	vsel vm2, v28, v22  }
0xa0: {  	v31 =	vld [tilespmem:s29+$0x10005];
	v17 =	vsel vm1, v24, v17;
	vm1 =	vlt.f32 v30, v22  }
0xa1: {  	v32 =	vand.u32 $0x7FFFFFFF, v19;
	v20 =	vsub.f32 v16, v63;
	v22 =	vsel vm1, v30, v22  }
0xa2: {  	v33 =	vld [tilespmem:s29+$0x10004];
	v17 =	vsel vm2, v25, v17;
	vm2 =	vlt.f32 v32, v22  }
0xa3: {  	v34 =	vand.u32 $0x7FFFFFFF, v20;
	v21 =	vsub.f32 v16, v29;
	v22 =	vsel vm2, v32, v22  }
0xa4: {  	v35 =	vld [tilespmem:s29+$0x10003];
	v17 =	vsel vm1, v18, v17;
	vm1 =	vlt.f32 v34, v22  }
0xa5: {  	v36 =	vand.u32 $0x7FFFFFFF, v21;
	v24 =	vsub.f32 v16, v31;
	v22 =	vsel vm1, v34, v22  }
0xa6: {  	v37 =	vld [tilespmem:s29+$0x10002];
	v17 =	vsel vm2, v19, v17;
	vm2 =	vlt.f32 v36, v22  }
0xa7: {  	v38 =	vand.u32 $0x7FFFFFFF, v24;
	v25 =	vsub.f32 v16, v33;
	v22 =	vsel vm2, v36, v22  }
0xa8: {  	v39 =	vld [tilespmem:s29+$0x10001];
	v17 =	vsel vm1, v20, v17;
	vm1 =	vlt.f32 v38, v22  }
0xa9: {  	v40 =	vand.u32 $0x7FFFFFFF, v25;
	v18 =	vsub.f32 v16, v35;
	v22 =	vsel vm1, v38, v22  }
0xaa: {  	v41 =	vld [tilespmem:s29+$0x10000];
	v17 =	vsel vm2, v21, v17;
	vm2 =	vlt.f32 v40, v22  }
0xab: {  	v42 =	vand.u32 $0x7FFFFFFF, v18;
	v19 =	vsub.f32 v16, v37;
	v22 =	vsel vm2, v40, v22  }
0xac: {  	v17 =	vsel vm1, v24, v17;
	vm1 =	vlt.f32 v42, v22  }
0xad: {  	v43 =	vand.u32 $0x7FFFFFFF, v19;
	v20 =	vsub.f32 v16, v39;
	v22 =	vsel vm1, v42, v22  }
0xae: {  	v17 =	vsel vm2, v25, v17;
	vm2 =	vlt.f32 v43, v22  }
0xaf: {  	v16 =	vsub.f32 v16, v41;
	v44 =	vand.u32 $0x7FFFFFFF, v20;
	v22 =	vsel vm2, v43, v22  }
0xb0: {  	v17 =	vsel vm1, v18, v17;
	vm1 =	vlt.f32 v44, v22  }
0xb1: {  	v46 =	vand.u32 $0x7FFFFFFF, v16;
	v17 =	vsel vm2, v19, v17;
	v45 =	vsel vm1, v44, v22  }
0xb2: {  	v17 =	vsel vm1, v20, v17;
	vm1 =	vlt.f32 v46, v45  }
0xb3: {  	v16 =	vsel vm1, v16, v17  }
0xb4: {  	[tilespmem:s18+$0x0] =	vst v16;
	v16 =	vld [tilespmem:s18+$0x8080]  }
0xb5: {  	v17 =	vld [tilespmem:s29+$0x11018]  }
0xb6: {  	v47 =	vld [tilespmem:s29+$0x11019];
	_ =	sdelay $0x1  }
0xb7: {  	v48 =	vld [tilespmem:s29+$0x1101A];
	_ =	sdelay $0x1  }
0xb8: {  	v49 =	vld [tilespmem:s29+$0x1101B]  }
0xb9: {  	v17 =	vsub.f32 v16, v17;
	v18 =	vsub.f32 v16, v47  }
0xba: {  	v50 =	vld [tilespmem:s29+$0x1101C]  }
0xbb: {  	v19 =	vsub.f32 v16, v48;
	v51 =	vand.u32 $0x7FFFFFFF, v17;
	v52 =	vand.u32 $0x7FFFFFFF, v18  }
0xbc: {  	v53 =	vld [tilespmem:s29+$0x1101D];
	vm1 =	vlt.f32 v52, v51  }
0xbd: {  	v20 =	vsub.f32 v16, v49;
	v54 =	vand.u32 $0x7FFFFFFF, v19;
	v22 =	vsel vm1, v52, v51  }
0xbe: {  	v55 =	vld [tilespmem:s29+$0x1101E];
	vm2 =	vlt.f32 v54, v22  }
0xbf: {  	v21 =	vsub.f32 v16, v50;
	v56 =	vand.u32 $0x7FFFFFFF, v20;
	v22 =	vsel vm2, v54, v22  }
0xc0: {  	v57 =	vld [tilespmem:s29+$0x1101F];
	v17 =	vsel vm1, v18, v17;
	vm1 =	vlt.f32 v56, v22  }
0xc1: {  	v24 =	vsub.f32 v16, v53;
	v58 =	vand.u32 $0x7FFFFFFF, v21;
	v22 =	vsel vm1, v56, v22  }
0xc2: {  	v59 =	vld [tilespmem:s29+$0x11020];
	v17 =	vsel vm2, v19, v17;
	vm2 =	vlt.f32 v58, v22  }
0xc3: {  	v25 =	vsub.f32 v16, v55;
	v60 =	vand.u32 $0x7FFFFFFF, v24;
	v22 =	vsel vm2, v58, v22  }
0xc4: {  	v61 =	vld [tilespmem:s29+$0x11017];
	v17 =	vsel vm1, v20, v17;
	vm1 =	vlt.f32 v60, v22  }
0xc5: {  	v62 =	vand.u32 $0x7FFFFFFF, v25;
	v18 =	vsub.f32 v16, v57;
	v22 =	vsel vm1, v60, v22  }
0xc6: {  	v63 =	vld [tilespmem:s29+$0x11016];
	v17 =	vsel vm2, v21, v17;
	vm2 =	vlt.f32 v62, v22  }
0xc7: {  	v28 =	vand.u32 $0x7FFFFFFF, v18;
	v19 =	vsub.f32 v16, v59;
	v22 =	vsel vm2, v62, v22  }
0xc8: {  	v29 =	vld [tilespmem:s29+$0x11015];
	v17 =	vsel vm1, v24, v17;
	vm1 =	vlt.f32 v28, v22  }
0xc9: {  	v30 =	vand.u32 $0x7FFFFFFF, v19;
	v20 =	vsub.f32 v16, v61;
	v22 =	vsel vm1, v28, v22  }
0xca: {  	v31 =	vld [tilespmem:s29+$0x11014];
	v17 =	vsel vm2, v25, v17;
	vm2 =	vlt.f32 v30, v22  }
0xcb: {  	v32 =	vand.u32 $0x7FFFFFFF, v20;
	v21 =	vsub.f32 v16, v63;
	v22 =	vsel vm2, v30, v22  }
0xcc: {  	v33 =	vld [tilespmem:s29+$0x11013];
	v17 =	vsel vm1, v18, v17;
	vm1 =	vlt.f32 v32, v22  }
0xcd: {  	v34 =	vand.u32 $0x7FFFFFFF, v21;
	v24 =	vsub.f32 v16, v29;
	v22 =	vsel vm1, v32, v22  }
0xce: {  	v35 =	vld [tilespmem:s29+$0x11012];
	v17 =	vsel vm2, v19, v17;
	vm2 =	vlt.f32 v34, v22  }
0xcf: {  	v36 =	vand.u32 $0x7FFFFFFF, v24;
	v25 =	vsub.f32 v16, v31;
	v22 =	vsel vm2, v34, v22  }
0xd0: {  	v37 =	vld [tilespmem:s29+$0x11011];
	v17 =	vsel vm1, v20, v17;
	vm1 =	vlt.f32 v36, v22  }
0xd1: {  	v38 =	vand.u32 $0x7FFFFFFF, v25;
	v18 =	vsub.f32 v16, v33;
	v22 =	vsel vm1, v36, v22  }
0xd2: {  	v39 =	vld [tilespmem:s29+$0x11010];
	v17 =	vsel vm2, v21, v17;
	vm2 =	vlt.f32 v38, v22  }
0xd3: {  	v40 =	vand.u32 $0x7FFFFFFF, v18;
	v19 =	vsub.f32 v16, v35;
	v22 =	vsel vm2, v38, v22  }
0xd4: {  	v17 =	vsel vm1, v24, v17;
	vm1 =	vlt.f32 v40, v22  }
0xd5: {  	v41 =	vand.u32 $0x7FFFFFFF, v19;
	v20 =	vsub.f32 v16, v37;
	v22 =	vsel vm1, v40, v22  }
0xd6: {  	v17 =	vsel vm2, v25, v17;
	vm2 =	vlt.f32 v41, v22  }
0xd7: {  	v16 =	vsub.f32 v16, v39;
	v42 =	vand.u32 $0x7FFFFFFF, v20;
	v22 =	vsel vm2, v41, v22  }
0xd8: {  	v17 =	vsel vm1, v18, v17;
	vm1 =	vlt.f32 v42, v22  }
0xd9: {  	v44 =	vand.u32 $0x7FFFFFFF, v16;
	v17 =	vsel vm2, v19, v17;
	v43 =	vsel vm1, v42, v22  }
0xda: {  	v17 =	vsel vm1, v20, v17;
	vm1 =	vlt.f32 v44, v43  }
0xdb: {  	v16 =	vsel vm1, v16, v17  }
0xdc: {  	[tilespmem:s18+$0x80] =	vst v16;
	v16 =	vld [tilespmem:s18+$0x8100]  }
0xdd: {  	v17 =	vld [tilespmem:s29+$0x12028]  }
0xde: {  	v45 =	vld [tilespmem:s29+$0x12029];
	_ =	sdelay $0x1  }
0xdf: {  	v46 =	vld [tilespmem:s29+$0x1202A];
	_ =	sdelay $0x1  }
0xe0: {  	v47 =	vld [tilespmem:s29+$0x1202B]  }
0xe1: {  	v17 =	vsub.f32 v16, v17;
	v18 =	vsub.f32 v16, v45  }
0xe2: {  	v48 =	vld [tilespmem:s29+$0x1202C]  }
0xe3: {  	v19 =	vsub.f32 v16, v46;
	v49 =	vand.u32 $0x7FFFFFFF, v17;
	v50 =	vand.u32 $0x7FFFFFFF, v18  }
0xe4: {  	v51 =	vld [tilespmem:s29+$0x1202D];
	vm1 =	vlt.f32 v50, v49  }
0xe5: {  	v20 =	vsub.f32 v16, v47;
	v52 =	vand.u32 $0x7FFFFFFF, v19;
	v22 =	vsel vm1, v50, v49  }
0xe6: {  	v53 =	vld [tilespmem:s29+$0x1202E];
	vm2 =	vlt.f32 v52, v22  }
0xe7: {  	v21 =	vsub.f32 v16, v48;
	v54 =	vand.u32 $0x7FFFFFFF, v20;
	v22 =	vsel vm2, v52, v22  }
0xe8: {  	v55 =	vld [tilespmem:s29+$0x1202F];
	v17 =	vsel vm1, v18, v17;
	vm1 =	vlt.f32 v54, v22  }
0xe9: {  	v24 =	vsub.f32 v16, v51;
	v56 =	vand.u32 $0x7FFFFFFF, v21;
	v22 =	vsel vm1, v54, v22  }
0xea: {  	v57 =	vld [tilespmem:s29+$0x12030];
	v17 =	vsel vm2, v19, v17;
	vm2 =	vlt.f32 v56, v22  }
0xeb: {  	v25 =	vsub.f32 v16, v53;
	v58 =	vand.u32 $0x7FFFFFFF, v24;
	v22 =	vsel vm2, v56, v22  }
0xec: {  	v59 =	vld [tilespmem:s29+$0x12027];
	v17 =	vsel vm1, v20, v17;
	vm1 =	vlt.f32 v58, v22  }
0xed: {  	v60 =	vand.u32 $0x7FFFFFFF, v25;
	v18 =	vsub.f32 v16, v55;
	v22 =	vsel vm1, v58, v22  }
0xee: {  	v61 =	vld [tilespmem:s29+$0x12026];
	v17 =	vsel vm2, v21, v17;
	vm2 =	vlt.f32 v60, v22  }
0xef: {  	v62 =	vand.u32 $0x7FFFFFFF, v18;
	v19 =	vsub.f32 v16, v57;
	v22 =	vsel vm2, v60, v22  }
0xf0: {  	v63 =	vld [tilespmem:s29+$0x12025];
	v17 =	vsel vm1, v24, v17;
	vm1 =	vlt.f32 v62, v22  }
0xf1: {  	v28 =	vand.u32 $0x7FFFFFFF, v19;
	v20 =	vsub.f32 v16, v59;
	v22 =	vsel vm1, v62, v22  }
0xf2: {  	v29 =	vld [tilespmem:s29+$0x12024];
	v17 =	vsel vm2, v25, v17;
	vm2 =	vlt.f32 v28, v22  }
0xf3: {  	v30 =	vand.u32 $0x7FFFFFFF, v20;
	v21 =	vsub.f32 v16, v61;
	v22 =	vsel vm2, v28, v22  }
0xf4: {  	v31 =	vld [tilespmem:s29+$0x12023];
	v17 =	vsel vm1, v18, v17;
	vm1 =	vlt.f32 v30, v22  }
0xf5: {  	v32 =	vand.u32 $0x7FFFFFFF, v21;
	v24 =	vsub.f32 v16, v63;
	v22 =	vsel vm1, v30, v22  }
0xf6: {  	v33 =	vld [tilespmem:s29+$0x12022];
	v17 =	vsel vm2, v19, v17;
	vm2 =	vlt.f32 v32, v22  }
0xf7: {  	v34 =	vand.u32 $0x7FFFFFFF, v24;
	v25 =	vsub.f32 v16, v29;
	v22 =	vsel vm2, v32, v22  }
0xf8: {  	v35 =	vld [tilespmem:s29+$0x12021];
	v17 =	vsel vm1, v20, v17;
	vm1 =	vlt.f32 v34, v22  }
0xf9: {  	v36 =	vand.u32 $0x7FFFFFFF, v25;
	v18 =	vsub.f32 v16, v31;
	v22 =	vsel vm1, v34, v22  }
0xfa: {  	v37 =	vld [tilespmem:s29+$0x12020];
	v17 =	vsel vm2, v21, v17;
	vm2 =	vlt.f32 v36, v22  }
0xfb: {  	v38 =	vand.u32 $0x7FFFFFFF, v18;
	v19 =	vsub.f32 v16, v33;
	v22 =	vsel vm2, v36, v22  }
0xfc: {  	v17 =	vsel vm1, v24, v17;
	vm1 =	vlt.f32 v38, v22  }
0xfd: {  	v39 =	vand.u32 $0x7FFFFFFF, v19;
	v20 =	vsub.f32 v16, v35;
	v22 =	vsel vm1, v38, v22  }
0xfe: {  	v17 =	vsel vm2, v25, v17;
	vm2 =	vlt.f32 v39, v22  }
0xff: {  	v16 =	vsub.f32 v16, v37;
	v40 =	vand.u32 $0x7FFFFFFF, v20;
	v22 =	vsel vm2, v39, v22  }
0x100: {  	v17 =	vsel vm1, v18, v17;
	vm1 =	vlt.f32 v40, v22  }
0x101: {  	v42 =	vand.u32 $0x7FFFFFFF, v16;
	v17 =	vsel vm2, v19, v17;
	v41 =	vsel vm1, v40, v22  }
0x102: {  	v17 =	vsel vm1, v20, v17;
	vm1 =	vlt.f32 v42, v41  }
0x103: {  	v16 =	vsel vm1, v16, v17  }
0x104: {  	[tilespmem:s18+$0x100] =	vst v16;
	v16 =	vld [tilespmem:s18+$0x8180]  }
0x105: {  	v17 =	vld [tilespmem:s29+$0x13038]  }
0x106: {  	v43 =	vld [tilespmem:s29+$0x13039];
	_ =	sdelay $0x1  }
0x107: {  	v44 =	vld [tilespmem:s29+$0x1303A];
	_ =	sdelay $0x1  }
0x108: {  	v45 =	vld [tilespmem:s29+$0x1303B]  }
0x109: {  	v17 =	vsub.f32 v16, v17;
	v18 =	vsub.f32 v16, v43  }
0x10a: {  	v46 =	vld [tilespmem:s29+$0x1303C]  }
0x10b: {  	v19 =	vsub.f32 v16, v44;
	v47 =	vand.u32 $0x7FFFFFFF, v17;
	v48 =	vand.u32 $0x7FFFFFFF, v18  }
0x10c: {  	v49 =	vld [tilespmem:s29+$0x1303D];
	vm1 =	vlt.f32 v48, v47  }
0x10d: {  	v20 =	vsub.f32 v16, v45;
	v50 =	vand.u32 $0x7FFFFFFF, v19;
	v22 =	vsel vm1, v48, v47  }
0x10e: {  	v51 =	vld [tilespmem:s29+$0x1303E];
	vm2 =	vlt.f32 v50, v22  }
0x10f: {  	v21 =	vsub.f32 v16, v46;
	v52 =	vand.u32 $0x7FFFFFFF, v20;
	v22 =	vsel vm2, v50, v22  }
0x110: {  	v53 =	vld [tilespmem:s29+$0x1303F];
	v17 =	vsel vm1, v18, v17;
	vm1 =	vlt.f32 v52, v22  }
0x111: {  	v24 =	vsub.f32 v16, v49;
	v54 =	vand.u32 $0x7FFFFFFF, v21;
	v22 =	vsel vm1, v52, v22  }
0x112: {  	v55 =	vld [tilespmem:s29+$0x13040];
	v17 =	vsel vm2, v19, v17;
	vm2 =	vlt.f32 v54, v22  }
0x113: {  	v25 =	vsub.f32 v16, v51;
	v56 =	vand.u32 $0x7FFFFFFF, v24;
	v22 =	vsel vm2, v54, v22  }
0x114: {  	v57 =	vld [tilespmem:s29+$0x13037];
	v17 =	vsel vm1, v20, v17;
	vm1 =	vlt.f32 v56, v22  }
0x115: {  	v58 =	vand.u32 $0x7FFFFFFF, v25;
	v18 =	vsub.f32 v16, v53;
	v22 =	vsel vm1, v56, v22  }
0x116: {  	v59 =	vld [tilespmem:s29+$0x13036];
	v17 =	vsel vm2, v21, v17;
	vm2 =	vlt.f32 v58, v22  }
0x117: {  	v60 =	vand.u32 $0x7FFFFFFF, v18;
	v19 =	vsub.f32 v16, v55;
	v22 =	vsel vm2, v58, v22  }
0x118: {  	v61 =	vld [tilespmem:s29+$0x13035];
	v17 =	vsel vm1, v24, v17;
	vm1 =	vlt.f32 v60, v22  }
0x119: {  	v62 =	vand.u32 $0x7FFFFFFF, v19;
	v20 =	vsub.f32 v16, v57;
	v22 =	vsel vm1, v60, v22  }
0x11a: {  	v63 =	vld [tilespmem:s29+$0x13034];
	v17 =	vsel vm2, v25, v17;
	vm2 =	vlt.f32 v62, v22  }
0x11b: {  	v27 =	vand.u32 $0x7FFFFFFF, v20;
	v21 =	vsub.f32 v16, v59;
	v22 =	vsel vm2, v62, v22  }
0x11c: {  	v28 =	vld [tilespmem:s29+$0x13033];
	v17 =	vsel vm1, v18, v17;
	vm1 =	vlt.f32 v27, v22  }
0x11d: {  	v29 =	vand.u32 $0x7FFFFFFF, v21;
	v24 =	vsub.f32 v16, v61;
	v22 =	vsel vm1, v27, v22  }
0x11e: {  	v30 =	vld [tilespmem:s29+$0x13032];
	v17 =	vsel vm2, v19, v17;
	vm2 =	vlt.f32 v29, v22  }
0x11f: {  	v31 =	vand.u32 $0x7FFFFFFF, v24;
	v25 =	vsub.f32 v16, v63;
	v22 =	vsel vm2, v29, v22  }
0x120: {  	v32 =	vld [tilespmem:s29+$0x13031];
	v17 =	vsel vm1, v20, v17;
	vm1 =	vlt.f32 v31, v22  }
0x121: {  	v33 =	vand.u32 $0x7FFFFFFF, v25;
	v18 =	vsub.f32 v16, v28;
	v22 =	vsel vm1, v31, v22  }
0x122: {  	v34 =	vld [tilespmem:s29+$0x13030];
	v17 =	vsel vm2, v21, v17;
	vm2 =	vlt.f32 v33, v22  }
0x123: {  	v35 =	vand.u32 $0x7FFFFFFF, v18;
	v19 =	vsub.f32 v16, v30;
	v22 =	vsel vm2, v33, v22  }
0x124: {  	v17 =	vsel vm1, v24, v17;
	vm1 =	vlt.f32 v35, v22  }
0x125: {  	v36 =	vand.u32 $0x7FFFFFFF, v19;
	v20 =	vsub.f32 v16, v32;
	v22 =	vsel vm1, v35, v22  }
0x126: {  	v17 =	vsel vm2, v25, v17;
	vm2 =	vlt.f32 v36, v22  }
0x127: {  	v16 =	vsub.f32 v16, v34;
	v37 =	vand.u32 $0x7FFFFFFF, v20;
	v22 =	vsel vm2, v36, v22  }
0x128: {  	v17 =	vsel vm1, v18, v17;
	vm1 =	vlt.f32 v37, v22  }
0x129: {  	v39 =	vand.u32 $0x7FFFFFFF, v16;
	v17 =	vsel vm2, v19, v17;
	v38 =	vsel vm1, v37, v22  }
0x12a: {  	v17 =	vsel vm1, v20, v17;
	vm1 =	vlt.f32 v39, v38  }
0x12b: {  	v16 =	vsel vm1, v16, v17  }
0x12c: {  	[tilespmem:s18+$0x180] =	vst v16;
	v16 =	vld [tilespmem:s18+$0x8200]  }
0x12d: {  	v17 =	vld [tilespmem:s29+$0x14048]  }
0x12e: {  	v40 =	vld [tilespmem:s29+$0x14049];
	_ =	sdelay $0x1  }
0x12f: {  	v41 =	vld [tilespmem:s29+$0x1404A];
	_ =	sdelay $0x1  }
0x130: {  	v42 =	vld [tilespmem:s29+$0x1404B]  }
0x131: {  	v17 =	vsub.f32 v16, v17;
	v18 =	vsub.f32 v16, v40  }
0x132: {  	v43 =	vld [tilespmem:s29+$0x1404C]  }
0x133: {  	v19 =	vsub.f32 v16, v41;
	v44 =	vand.u32 $0x7FFFFFFF, v17;
	v45 =	vand.u32 $0x7FFFFFFF, v18  }
0x134: {  	v46 =	vld [tilespmem:s29+$0x1404D];
	vm1 =	vlt.f32 v45, v44  }
0x135: {  	v20 =	vsub.f32 v16, v42;
	v47 =	vand.u32 $0x7FFFFFFF, v19;
	v22 =	vsel vm1, v45, v44  }
0x136: {  	v48 =	vld [tilespmem:s29+$0x1404E];
	vm2 =	vlt.f32 v47, v22  }
0x137: {  	v21 =	vsub.f32 v16, v43;
	v49 =	vand.u32 $0x7FFFFFFF, v20;
	v22 =	vsel vm2, v47, v22  }
0x138: {  	v50 =	vld [tilespmem:s29+$0x1404F];
	v17 =	vsel vm1, v18, v17;
	vm1 =	vlt.f32 v49, v22  }
0x139: {  	v24 =	vsub.f32 v16, v46;
	v51 =	vand.u32 $0x7FFFFFFF, v21;
	v22 =	vsel vm1, v49, v22  }
0x13a: {  	v52 =	vld [tilespmem:s29+$0x14050];
	v17 =	vsel vm2, v19, v17;
	vm2 =	vlt.f32 v51, v22  }
0x13b: {  	v25 =	vsub.f32 v16, v48;
	v53 =	vand.u32 $0x7FFFFFFF, v24;
	v22 =	vsel vm2, v51, v22  }
0x13c: {  	v54 =	vld [tilespmem:s29+$0x14047];
	v17 =	vsel vm1, v20, v17;
	vm1 =	vlt.f32 v53, v22  }
0x13d: {  	v55 =	vand.u32 $0x7FFFFFFF, v25;
	v18 =	vsub.f32 v16, v50;
	v22 =	vsel vm1, v53, v22  }
0x13e: {  	v56 =	vld [tilespmem:s29+$0x14046];
	v17 =	vsel vm2, v21, v17;
	vm2 =	vlt.f32 v55, v22  }
0x13f: {  	v57 =	vand.u32 $0x7FFFFFFF, v18;
	v19 =	vsub.f32 v16, v52;
	v22 =	vsel vm2, v55, v22  }
0x140: {  	v58 =	vld [tilespmem:s29+$0x14045];
	v17 =	vsel vm1, v24, v17;
	vm1 =	vlt.f32 v57, v22  }
0x141: {  	v59 =	vand.u32 $0x7FFFFFFF, v19;
	v20 =	vsub.f32 v16, v54;
	v22 =	vsel vm1, v57, v22  }
0x142: {  	v60 =	vld [tilespmem:s29+$0x14044];
	v17 =	vsel vm2, v25, v17;
	vm2 =	vlt.f32 v59, v22  }
0x143: {  	v61 =	vand.u32 $0x7FFFFFFF, v20;
	v21 =	vsub.f32 v16, v56;
	v22 =	vsel vm2, v59, v22  }
0x144: {  	v62 =	vld [tilespmem:s29+$0x14043];
	v17 =	vsel vm1, v18, v17;
	vm1 =	vlt.f32 v61, v22  }
0x145: {  	v63 =	vand.u32 $0x7FFFFFFF, v21;
	v24 =	vsub.f32 v16, v58;
	v22 =	vsel vm1, v61, v22  }
0x146: {  	v28 =	vld [tilespmem:s29+$0x14042];
	v17 =	vsel vm2, v19, v17;
	vm2 =	vlt.f32 v63, v22  }
0x147: {  	v29 =	vand.u32 $0x7FFFFFFF, v24;
	v25 =	vsub.f32 v16, v60;
	v22 =	vsel vm2, v63, v22  }
0x148: {  	v30 =	vld [tilespmem:s29+$0x14041];
	v17 =	vsel vm1, v20, v17;
	vm1 =	vlt.f32 v29, v22  }
0x149: {  	v31 =	vand.u32 $0x7FFFFFFF, v25;
	v18 =	vsub.f32 v16, v62;
	v22 =	vsel vm1, v29, v22  }
0x14a: {  	v32 =	vld [tilespmem:s29+$0x14040];
	v17 =	vsel vm2, v21, v17;
	vm2 =	vlt.f32 v31, v22  }
0x14b: {  	v33 =	vand.u32 $0x7FFFFFFF, v18;
	v19 =	vsub.f32 v16, v28;
	v22 =	vsel vm2, v31, v22  }
0x14c: {  	v17 =	vsel vm1, v24, v17;
	vm1 =	vlt.f32 v33, v22  }
0x14d: {  	v34 =	vand.u32 $0x7FFFFFFF, v19;
	v20 =	vsub.f32 v16, v30;
	v22 =	vsel vm1, v33, v22  }
0x14e: {  	v17 =	vsel vm2, v25, v17;
	vm2 =	vlt.f32 v34, v22  }
0x14f: {  	v16 =	vsub.f32 v16, v32;
	v35 =	vand.u32 $0x7FFFFFFF, v20;
	v22 =	vsel vm2, v34, v22  }
0x150: {  	v17 =	vsel vm1, v18, v17;
	vm1 =	vlt.f32 v35, v22  }
0x151: {  	v37 =	vand.u32 $0x7FFFFFFF, v16;
	v17 =	vsel vm2, v19, v17;
	v36 =	vsel vm1, v35, v22  }
0x152: {  	v17 =	vsel vm1, v20, v17;
	vm1 =	vlt.f32 v37, v36  }
0x153: {  	v16 =	vsel vm1, v16, v17  }
0x154: {  	[tilespmem:s18+$0x200] =	vst v16;
	v16 =	vld [tilespmem:s18+$0x8280]  }
0x155: {  	v17 =	vld [tilespmem:s29+$0x15058]  }
0x156: {  	v38 =	vld [tilespmem:s29+$0x15059];
	_ =	sdelay $0x1  }
0x157: {  	v39 =	vld [tilespmem:s29+$0x1505A];
	_ =	sdelay $0x1  }
0x158: {  	v40 =	vld [tilespmem:s29+$0x1505B]  }
0x159: {  	v17 =	vsub.f32 v16, v17;
	v18 =	vsub.f32 v16, v38  }
0x15a: {  	v41 =	vld [tilespmem:s29+$0x1505C]  }
0x15b: {  	v19 =	vsub.f32 v16, v39;
	v42 =	vand.u32 $0x7FFFFFFF, v17;
	v43 =	vand.u32 $0x7FFFFFFF, v18  }
0x15c: {  	v44 =	vld [tilespmem:s29+$0x1505D];
	vm1 =	vlt.f32 v43, v42  }
0x15d: {  	v20 =	vsub.f32 v16, v40;
	v45 =	vand.u32 $0x7FFFFFFF, v19;
	v22 =	vsel vm1, v43, v42  }
0x15e: {  	v46 =	vld [tilespmem:s29+$0x1505E];
	vm2 =	vlt.f32 v45, v22  }
0x15f: {  	v21 =	vsub.f32 v16, v41;
	v47 =	vand.u32 $0x7FFFFFFF, v20;
	v22 =	vsel vm2, v45, v22  }
0x160: {  	v48 =	vld [tilespmem:s29+$0x1505F];
	v17 =	vsel vm1, v18, v17;
	vm1 =	vlt.f32 v47, v22  }
0x161: {  	v24 =	vsub.f32 v16, v44;
	v49 =	vand.u32 $0x7FFFFFFF, v21;
	v22 =	vsel vm1, v47, v22  }
0x162: {  	v50 =	vld [tilespmem:s29+$0x15060];
	v17 =	vsel vm2, v19, v17;
	vm2 =	vlt.f32 v49, v22  }
0x163: {  	v25 =	vsub.f32 v16, v46;
	v51 =	vand.u32 $0x7FFFFFFF, v24;
	v22 =	vsel vm2, v49, v22  }
0x164: {  	v52 =	vld [tilespmem:s29+$0x15057];
	v17 =	vsel vm1, v20, v17;
	vm1 =	vlt.f32 v51, v22  }
0x165: {  	v53 =	vand.u32 $0x7FFFFFFF, v25;
	v18 =	vsub.f32 v16, v48;
	v22 =	vsel vm1, v51, v22  }
0x166: {  	v54 =	vld [tilespmem:s29+$0x15056];
	v17 =	vsel vm2, v21, v17;
	vm2 =	vlt.f32 v53, v22  }
0x167: {  	v55 =	vand.u32 $0x7FFFFFFF, v18;
	v19 =	vsub.f32 v16, v50;
	v22 =	vsel vm2, v53, v22  }
0x168: {  	v56 =	vld [tilespmem:s29+$0x15055];
	v17 =	vsel vm1, v24, v17;
	vm1 =	vlt.f32 v55, v22  }
0x169: {  	v57 =	vand.u32 $0x7FFFFFFF, v19;
	v20 =	vsub.f32 v16, v52;
	v22 =	vsel vm1, v55, v22  }
0x16a: {  	v58 =	vld [tilespmem:s29+$0x15054];
	v17 =	vsel vm2, v25, v17;
	vm2 =	vlt.f32 v57, v22  }
0x16b: {  	v59 =	vand.u32 $0x7FFFFFFF, v20;
	v21 =	vsub.f32 v16, v54;
	v22 =	vsel vm2, v57, v22  }
0x16c: {  	v60 =	vld [tilespmem:s29+$0x15053];
	v17 =	vsel vm1, v18, v17;
	vm1 =	vlt.f32 v59, v22  }
0x16d: {  	v61 =	vand.u32 $0x7FFFFFFF, v21;
	v24 =	vsub.f32 v16, v56;
	v22 =	vsel vm1, v59, v22  }
0x16e: {  	v62 =	vld [tilespmem:s29+$0x15052];
	v17 =	vsel vm2, v19, v17;
	vm2 =	vlt.f32 v61, v22  }
0x16f: {  	v63 =	vand.u32 $0x7FFFFFFF, v24;
	v25 =	vsub.f32 v16, v58;
	v22 =	vsel vm2, v61, v22  }
0x170: {  	v26 =	vld [tilespmem:s29+$0x15051];
	v17 =	vsel vm1, v20, v17;
	vm1 =	vlt.f32 v63, v22  }
0x171: {  	v27 =	vand.u32 $0x7FFFFFFF, v25;
	v18 =	vsub.f32 v16, v60;
	v22 =	vsel vm1, v63, v22  }
0x172: {  	v28 =	vld [tilespmem:s29+$0x15050];
	v17 =	vsel vm2, v21, v17;
	vm2 =	vlt.f32 v27, v22  }
0x173: {  	v29 =	vand.u32 $0x7FFFFFFF, v18;
	v19 =	vsub.f32 v16, v62;
	v22 =	vsel vm2, v27, v22  }
0x174: {  	v17 =	vsel vm1, v24, v17;
	vm1 =	vlt.f32 v29, v22  }
0x175: {  	v30 =	vand.u32 $0x7FFFFFFF, v19;
	v20 =	vsub.f32 v16, v26;
	v22 =	vsel vm1, v29, v22  }
0x176: {  	v17 =	vsel vm2, v25, v17;
	vm2 =	vlt.f32 v30, v22  }
0x177: {  	v16 =	vsub.f32 v16, v28;
	v31 =	vand.u32 $0x7FFFFFFF, v20;
	v22 =	vsel vm2, v30, v22  }
0x178: {  	v17 =	vsel vm1, v18, v17;
	vm1 =	vlt.f32 v31, v22  }
0x179: {  	v33 =	vand.u32 $0x7FFFFFFF, v16;
	v17 =	vsel vm2, v19, v17;
	v32 =	vsel vm1, v31, v22  }
0x17a: {  	v17 =	vsel vm1, v20, v17;
	vm1 =	vlt.f32 v33, v32  }
0x17b: {  	v16 =	vsel vm1, v16, v17  }
0x17c: {  	[tilespmem:s18+$0x280] =	vst v16;
	v16 =	vld [tilespmem:s18+$0x8300]  }
0x17d: {  	v17 =	vld [tilespmem:s29+$0x16068]  }
0x17e: {  	v34 =	vld [tilespmem:s29+$0x16069];
	_ =	sdelay $0x1  }
0x17f: {  	v35 =	vld [tilespmem:s29+$0x1606A];
	_ =	sdelay $0x1  }
0x180: {  	v36 =	vld [tilespmem:s29+$0x1606B]  }
0x181: {  	v17 =	vsub.f32 v16, v17;
	v18 =	vsub.f32 v16, v34  }
0x182: {  	v37 =	vld [tilespmem:s29+$0x1606C]  }
0x183: {  	v19 =	vsub.f32 v16, v35;
	v38 =	vand.u32 $0x7FFFFFFF, v17;
	v39 =	vand.u32 $0x7FFFFFFF, v18  }
0x184: {  	v40 =	vld [tilespmem:s29+$0x1606D];
	vm1 =	vlt.f32 v39, v38  }
0x185: {  	v20 =	vsub.f32 v16, v36;
	v41 =	vand.u32 $0x7FFFFFFF, v19;
	v22 =	vsel vm1, v39, v38  }
0x186: {  	v42 =	vld [tilespmem:s29+$0x1606E];
	vm2 =	vlt.f32 v41, v22  }
0x187: {  	v21 =	vsub.f32 v16, v37;
	v43 =	vand.u32 $0x7FFFFFFF, v20;
	v22 =	vsel vm2, v41, v22  }
0x188: {  	v44 =	vld [tilespmem:s29+$0x1606F];
	v17 =	vsel vm1, v18, v17;
	vm1 =	vlt.f32 v43, v22  }
0x189: {  	v24 =	vsub.f32 v16, v40;
	v45 =	vand.u32 $0x7FFFFFFF, v21;
	v22 =	vsel vm1, v43, v22  }
0x18a: {  	v46 =	vld [tilespmem:s29+$0x16070];
	v17 =	vsel vm2, v19, v17;
	vm2 =	vlt.f32 v45, v22  }
0x18b: {  	v25 =	vsub.f32 v16, v42;
	v47 =	vand.u32 $0x7FFFFFFF, v24;
	v22 =	vsel vm2, v45, v22  }
0x18c: {  	v48 =	vld [tilespmem:s29+$0x16067];
	v17 =	vsel vm1, v20, v17;
	vm1 =	vlt.f32 v47, v22  }
0x18d: {  	v49 =	vand.u32 $0x7FFFFFFF, v25;
	v18 =	vsub.f32 v16, v44;
	v22 =	vsel vm1, v47, v22  }
0x18e: {  	v50 =	vld [tilespmem:s29+$0x16066];
	v17 =	vsel vm2, v21, v17;
	vm2 =	vlt.f32 v49, v22  }
0x18f: {  	v51 =	vand.u32 $0x7FFFFFFF, v18;
	v19 =	vsub.f32 v16, v46;
	v22 =	vsel vm2, v49, v22  }
0x190: {  	v52 =	vld [tilespmem:s29+$0x16065];
	v17 =	vsel vm1, v24, v17;
	vm1 =	vlt.f32 v51, v22  }
0x191: {  	v53 =	vand.u32 $0x7FFFFFFF, v19;
	v20 =	vsub.f32 v16, v48;
	v22 =	vsel vm1, v51, v22  }
0x192: {  	v54 =	vld [tilespmem:s29+$0x16064];
	v17 =	vsel vm2, v25, v17;
	vm2 =	vlt.f32 v53, v22  }
0x193: {  	v55 =	vand.u32 $0x7FFFFFFF, v20;
	v21 =	vsub.f32 v16, v50;
	v22 =	vsel vm2, v53, v22  }
0x194: {  	v56 =	vld [tilespmem:s29+$0x16063];
	v17 =	vsel vm1, v18, v17;
	vm1 =	vlt.f32 v55, v22  }
0x195: {  	v57 =	vand.u32 $0x7FFFFFFF, v21;
	v24 =	vsub.f32 v16, v52;
	v22 =	vsel vm1, v55, v22  }
0x196: {  	v58 =	vld [tilespmem:s29+$0x16062];
	v17 =	vsel vm2, v19, v17;
	vm2 =	vlt.f32 v57, v22  }
0x197: {  	v59 =	vand.u32 $0x7FFFFFFF, v24;
	v25 =	vsub.f32 v16, v54;
	v22 =	vsel vm2, v57, v22  }
0x198: {  	v60 =	vld [tilespmem:s29+$0x16061];
	v17 =	vsel vm1, v20, v17;
	vm1 =	vlt.f32 v59, v22  }
0x199: {  	v61 =	vand.u32 $0x7FFFFFFF, v25;
	v18 =	vsub.f32 v16, v56;
	v22 =	vsel vm1, v59, v22  }
0x19a: {  	v62 =	vld [tilespmem:s29+$0x16060];
	v17 =	vsel vm2, v21, v17;
	vm2 =	vlt.f32 v61, v22  }
0x19b: {  	v63 =	vand.u32 $0x7FFFFFFF, v18;
	v19 =	vsub.f32 v16, v58;
	v22 =	vsel vm2, v61, v22  }
0x19c: {  	v17 =	vsel vm1, v24, v17;
	vm1 =	vlt.f32 v63, v22  }
0x19d: {  	v26 =	vand.u32 $0x7FFFFFFF, v19;
	v20 =	vsub.f32 v16, v60;
	v22 =	vsel vm1, v63, v22  }
0x19e: {  	v17 =	vsel vm2, v25, v17;
	vm2 =	vlt.f32 v26, v22  }
0x19f: {  	v16 =	vsub.f32 v16, v62;
	v27 =	vand.u32 $0x7FFFFFFF, v20;
	v22 =	vsel vm2, v26, v22  }
0x1a0: {  	v17 =	vsel vm1, v18, v17;
	vm1 =	vlt.f32 v27, v22  }
0x1a1: {  	s19 =	sand.u32 $0x7, s14;
	v29 =	vand.u32 $0x7FFFFFFF, v16;
	v17 =	vsel vm2, v19, v17;
	v28 =	vsel vm1, v27, v22  }
0x1a2: {  	s19 =	sshll.u32 s19, $0x4;
	v17 =	vsel vm1, v20, v17;
	vm1 =	vlt.f32 v29, v28  }
0x1a3: {  	s19 =	sadd.s32 s19, s15;
	v16 =	vsel vm1, v16, v17  }
0x1a4: {  	s30 =	sor.u32 $0x380, s19;
	[tilespmem:s18+$0x300] =	vst v16  }
0x1a5: {  	v16 =	vld [tilespmem:s30+$0x8000]  }
0x1a6: {  	v17 =	vld [tilespmem:s29+$0x17078]  }
0x1a7: {  	v30 =	vld [tilespmem:s29+$0x17079];
	_ =	sdelay $0x1  }
0x1a8: {  	v31 =	vld [tilespmem:s29+$0x1707A];
	_ =	sdelay $0x1  }
0x1a9: {  	v32 =	vld [tilespmem:s29+$0x1707B]  }
0x1aa: {  	v17 =	vsub.f32 v16, v17;
	v18 =	vsub.f32 v16, v30  }
0x1ab: {  	v33 =	vld [tilespmem:s29+$0x1707C]  }
0x1ac: {  	v19 =	vsub.f32 v16, v31;
	v34 =	vand.u32 $0x7FFFFFFF, v17;
	v35 =	vand.u32 $0x7FFFFFFF, v18  }
0x1ad: {  	v36 =	vld [tilespmem:s29+$0x1707D];
	vm1 =	vlt.f32 v35, v34  }
0x1ae: {  	v20 =	vsub.f32 v16, v32;
	v37 =	vand.u32 $0x7FFFFFFF, v19;
	v22 =	vsel vm1, v35, v34  }
0x1af: {  	v38 =	vld [tilespmem:s29+$0x1707E];
	vm2 =	vlt.f32 v37, v22  }
0x1b0: {  	v21 =	vsub.f32 v16, v33;
	v39 =	vand.u32 $0x7FFFFFFF, v20;
	v22 =	vsel vm2, v37, v22  }
0x1b1: {  	v40 =	vld [tilespmem:s29+$0x1707F];
	v17 =	vsel vm1, v18, v17;
	vm1 =	vlt.f32 v39, v22  }
0x1b2: {  	s31 =	sand.u32 $0xFF0, s13;
	v24 =	vsub.f32 v16, v36;
	v41 =	vand.u32 $0x7FFFFFFF, v21;
	v22 =	vsel vm1, v39, v22  }
0x1b3: {  	v42 =	vld [tilespmem:s31+$0x17080];
	v17 =	vsel vm2, v19, v17;
	vm2 =	vlt.f32 v41, v22  }
0x1b4: {  	v25 =	vsub.f32 v16, v38;
	v43 =	vand.u32 $0x7FFFFFFF, v24;
	v22 =	vsel vm2, v41, v22  }
0x1b5: {  	v44 =	vld [tilespmem:s29+$0x17077];
	v17 =	vsel vm1, v20, v17;
	vm1 =	vlt.f32 v43, v22  }
0x1b6: {  	v45 =	vand.u32 $0x7FFFFFFF, v25;
	v18 =	vsub.f32 v16, v40;
	v22 =	vsel vm1, v43, v22  }
0x1b7: {  	v46 =	vld [tilespmem:s29+$0x17076];
	v17 =	vsel vm2, v21, v17;
	vm2 =	vlt.f32 v45, v22  }
0x1b8: {  	v47 =	vand.u32 $0x7FFFFFFF, v18;
	v19 =	vsub.f32 v16, v42;
	v22 =	vsel vm2, v45, v22  }
0x1b9: {  	v48 =	vld [tilespmem:s29+$0x17075];
	v17 =	vsel vm1, v24, v17;
	vm1 =	vlt.f32 v47, v22  }
0x1ba: {  	v49 =	vand.u32 $0x7FFFFFFF, v19;
	v20 =	vsub.f32 v16, v44;
	v22 =	vsel vm1, v47, v22  }
0x1bb: {  	v50 =	vld [tilespmem:s29+$0x17074];
	v17 =	vsel vm2, v25, v17;
	vm2 =	vlt.f32 v49, v22  }
0x1bc: {  	v51 =	vand.u32 $0x7FFFFFFF, v20;
	v21 =	vsub.f32 v16, v46;
	v22 =	vsel vm2, v49, v22  }
0x1bd: {  	v52 =	vld [tilespmem:s29+$0x17073];
	v17 =	vsel vm1, v18, v17;
	vm1 =	vlt.f32 v51, v22  }
0x1be: {  	v53 =	vand.u32 $0x7FFFFFFF, v21;
	v24 =	vsub.f32 v16, v48;
	v22 =	vsel vm1, v51, v22  }
0x1bf: {  	v54 =	vld [tilespmem:s29+$0x17072];
	v17 =	vsel vm2, v19, v17;
	vm2 =	vlt.f32 v53, v22  }
0x1c0: {  	v55 =	vand.u32 $0x7FFFFFFF, v24;
	v25 =	vsub.f32 v16, v50;
	v22 =	vsel vm2, v53, v22  }
0x1c1: {  	v56 =	vld [tilespmem:s29+$0x17071];
	v17 =	vsel vm1, v20, v17;
	vm1 =	vlt.f32 v55, v22  }
0x1c2: {  	v57 =	vand.u32 $0x7FFFFFFF, v25;
	v18 =	vsub.f32 v16, v52;
	v22 =	vsel vm1, v55, v22  }
0x1c3: {  	v58 =	vld [tilespmem:s29+$0x17070];
	v17 =	vsel vm2, v21, v17;
	vm2 =	vlt.f32 v57, v22  }
0x1c4: {  	v59 =	vand.u32 $0x7FFFFFFF, v18;
	v19 =	vsub.f32 v16, v54;
	v22 =	vsel vm2, v57, v22  }
0x1c5: {  	v17 =	vsel vm1, v24, v17;
	vm1 =	vlt.f32 v59, v22  }
0x1c6: {  	v60 =	vand.u32 $0x7FFFFFFF, v19;
	v20 =	vsub.f32 v16, v56;
	v22 =	vsel vm1, v59, v22  }
0x1c7: {  	v17 =	vsel vm2, v25, v17;
	vm2 =	vlt.f32 v60, v22  }
0x1c8: {  	p0 =	sne.s32 s16, $0x3FC0;
	v16 =	vsub.f32 v16, v58;
	v61 =	vand.u32 $0x7FFFFFFF, v20;
	v22 =	vsel vm2, v60, v22  }
.Ltmp1:
0x1c9: {  	v17 =	vsel vm1, v18, v17;
	vm1 =	vlt.f32 v61, v22;
	(pc) =	sbr.rel @p0 .LBB2_4-.Ltmp1, $4  }
0x1ca: {  	v63 =	vand.u32 $0x7FFFFFFF, v16;
	v17 =	vsel vm2, v19, v17;
	v62 =	vsel vm1, v61, v22  }
0x1cb: {  	v17 =	vsel vm1, v20, v17;
	vm1 =	vlt.f32 v63, v62  }
0x1cc: {  	s14 =	sadd.s32 $0x1, s14;
	v16 =	vsel vm1, v16, v17  }
0x1cd: {  	s13 =	sadd.s32 $0x10, s13;
	s16 =	sadd.s32 $0x40, s16;
	s15 =	sadd.s32 $0x80, s15;
	[tilespmem:s30+$0x0] =	vst v16  }
0x1ce: {  	s12 =	sadd.s32 $0x1, s12  }
0x1cf: {  	p0 =	sne.s32 s12, s6  }
.Ltmp2:
0x1d0: {  	_ = 	snop;
	(pc) =	sbr.rel @p0 .LBB2_1-.Ltmp2, $4  }
0x1d1: {  	[hbm4b:s5+s2] =	stream.linear.scatter [tilespmem:s2], [sflag:$0x3], $0x8000, $0x38;
	[tilespmem:$0x18080] =	vst v63  }
0x1d2: {  	_ =	swait.ge [sflag:s11], $0x8000  }
0x1d3: {  	[sflag:s11] =	ssyncset.done $0x0  }
0x1d4: {  	[sflag:s11] =	ssyncadd.s32 $0xFFFF8000  }
0x1d5: {  	_ =	sfence.sel $0x180000  }
0x1d6: {  	[bflag:$0x0] =	sbarrier.arrive $0xFFFF  }
0x1d7: {  	p0 =	sne.s32 s1, $0x0;
	_ =	strace $0x90000047  }
0x1d8: {  	s0 =	sadd.s32 @!p0 $0x100000, s0;
	[bflag:$0x2] =	sbarrier.arrive $0xFFFF  }
0x1d9: {  	[sflag:s0] =	ssyncadd.tile.s32 @!p0 $0x1;
	_ =	shalt  }
.Lfunc_end2:
_tile_overlayer_lowered:
.L_overlay_start_2:
0x1da: {  	(tag) =	ssettag $0x2  }
0x1db: {  	s0 =	rddreg [dreg:$0x0];
	s2 =	stileid.u32  }
0x1dc: {  	s1 =	rddreg [dreg:$0x1];
	p0 =	sne.s32 s2, $0x0  }
0x1dd: {  	s3 =	rddreg [dreg:$0x2];
	[bflag:$0x3] =	sbarrier.arrive $0xFFFF;
	s2 =	simm.s32 @!p0 $0x1C04  }
0x1de: {  	[timem:s3], [sflag:s2] =	dma.local @!p0 [hbm:s0], s1  }
0x1df: {  	s0 =	simm.s32 @!p0 $0x4  }
0x1e0: {  	_ =	swait.ge @!p0 [sflag:s0], s1  }
0x1e1: {  	s1 =	ssub.s32 @!p0 $0x0, s1;
	[sflag:s0] =	ssyncset.done @!p0 $0x0  }
0x1e2: {  	[sflag:s0] =	ssyncadd.s32 @!p0 s1  }
0x1e3: {  	[bflag:$0x3] =	sbarrier.arrive $0xFFFF  }
0x1e4: {  	_ =	shalt  }

</sc_bundles>
